<compile_context>
chip_gen: v7x
topology: tpu7x:2x2x1
jax: 0.10.2.dev20260603
libtpu: 0.0.44.dev20260713+nightly
codegen_flags: <defaults>
</compile_context>

<pallas_src>
import functools

import numpy as np

import jax
import jax.numpy as jnp
from jax import lax
from jax.experimental import pallas as pl
from jax.experimental.pallas import tpu as pltpu
from jax.experimental.pallas import tpu_sc as plsc

NC = 2
NS = 16
NW = NC * NS
G = 128
NB = 4
L = 16


def _matmul_prep(x, w, e, m_out, n_g):
  N, D = x.shape
  C = w.shape[0]
  E = e.shape[1]
  GRID = 8
  BM = m_out // GRID
  e_pad = NW * n_g * G
  EPB = e_pad // GRID
  WPB = NW // GRID
  assert BM % 8 == 0 and e_pad % GRID == 0

  def body(x_ref, w_ref, e_ref, o_ref, ep_ref):
    o_ref[...] = jnp.dot(x_ref[...], w_ref[...].T,
                         preferred_element_type=jnp.float32)
    i = pl.program_id(0)
    col = i * EPB + lax.broadcasted_iota(jnp.int32, (2, EPB), 1)
    v = jnp.where(col < E, e_ref[...], N)
    ep_ref[...] = v.reshape(2, WPB * n_g, G)

  return pl.pallas_call(
      body,
      grid=(GRID,),
      in_specs=[
          pl.BlockSpec((BM, D), lambda i: (i, 0)),
          pl.BlockSpec((C, D), lambda i: (0, 0)),
          pl.BlockSpec((2, EPB), lambda i: (0, i)),
      ],
      out_specs=[
          pl.BlockSpec((BM, C), lambda i: (i, 0)),
          pl.BlockSpec((2, WPB * n_g, G), lambda i: (0, i, 0)),
      ],
      out_shape=[
          jax.ShapeDtypeStruct((m_out, C), jnp.float32),
          jax.ShapeDtypeStruct((2, NW * n_g, G), jnp.int32),
      ],
  )(x, w, e)


def _make_propagate(n_acc, c, n_g, two_partials):
  mesh = plsc.VectorSubcoreMesh(core_axis_name="c", subcore_axis_name="s")
  rows_per_tile = n_acc // NS
  n_full = rows_per_tile // G
  rem = rows_per_tile - n_full * G
  assert n_acc % (NS * 8) == 0 and rem % 8 == 0
  assert n_g % NB == 0 and n_full <= NB

  @functools.partial(
      pl.kernel,
      out_type=jax.ShapeDtypeStruct((NC, n_acc, c), jnp.float32),
      mesh=mesh,
      scratch_types=[
          pltpu.VMEM((n_g, G), jnp.int32),
          pltpu.VMEM((n_g, G), jnp.int32),
          pltpu.VMEM((n_full, G), jnp.int32),
          pltpu.VMEM((max(rem, 8),), jnp.int32),
          [pltpu.VMEM((G, c), jnp.float32)] * NB,
          pltpu.VMEM((64, c), jnp.float32),
          pltpu.VMEM_SHARED((n_acc, c), jnp.float32),
          pltpu.VMEM_SHARED((n_acc, c), jnp.float32),
          [pltpu.SemaphoreType.DMA] * NB,
          [pltpu.SemaphoreType.DMA] * NB,
      ],
      compiler_params=pltpu.CompilerParams(use_tc_tiling_on_sc=False),
  )
  def propagate(y_hbm, ep_hbm, iota2_hbm, iotar_hbm, out_hbm,
                src_v, dst_v, idx_v, idx_r, bufs, zbuf, y_sp, acc,
                gsems, ssems):
    cid = lax.axis_index("c")
    sid = lax.axis_index("s")
    wid = sid * NC + cid
    r0 = sid * rows_per_tile
    slab = pl.ds(r0, rows_per_tile)

    def zbody(r, carry):
      for l in range(c // L):
        zbuf[r, pl.ds(l * L, L)] = jnp.zeros((L,), jnp.float32)
      return carry

    lax.fori_loop(0, 64, zbody, 0)
    nz = rows_per_tile // 64
    zr = rows_per_tile - nz * 64
    for k in range(nz):
      pltpu.async_copy(zbuf, acc.at[pl.ds(r0 + 64 * k, 64)], ssems[3])
    if zr:
      pltpu.async_copy(zbuf.at[pl.ds(0, zr)],
                       acc.at[pl.ds(r0 + nz * 64, zr)], ssems[3])
    if two_partials:
      for k in range(n_full):
        pltpu.async_copy(y_hbm.at[1, pl.ds(r0 + k * G, G)], bufs[k],
                         gsems[k])
      pltpu.async_copy(iota2_hbm.at[sid], idx_v, ssems[0])
      pltpu.async_copy(iotar_hbm.at[sid], idx_r, ssems[1])
      pltpu.sync_copy(y_hbm.at[0, slab], y_sp.at[slab])
      pltpu.make_async_copy(iota2_hbm.at[sid], idx_v, ssems[0]).wait()
      pltpu.make_async_copy(iotar_hbm.at[sid], idx_r, ssems[1]).wait()
      for k in range(n_full):
        pltpu.make_async_copy(y_hbm.at[1, pl.ds(r0 + k * G, G)],
                              bufs[k], gsems[k]).wait()
        pltpu.sync_copy(bufs[k], y_sp.at[idx_v.at[k]], add=True)
      if rem:
        pltpu.sync_copy(y_hbm.at[1, pl.ds(r0 + n_full * G, rem)],
                        bufs[0].at[pl.ds(0, rem)])
        pltpu.sync_copy(bufs[0].at[pl.ds(0, rem)], y_sp.at[idx_r],
                        add=True)
    else:
      pltpu.sync_copy(y_hbm.at[slab], y_sp.at[slab])
    pltpu.sync_copy(ep_hbm.at[0, pl.ds(wid * n_g, n_g)], src_v)
    pltpu.sync_copy(ep_hbm.at[1, pl.ds(wid * n_g, n_g)], dst_v)
    for k in range(nz):
      pltpu.make_async_copy(zbuf, acc.at[pl.ds(r0 + 64 * k, 64)],
                            ssems[3]).wait()
    if zr:
      pltpu.make_async_copy(zbuf.at[pl.ds(0, zr)],
                            acc.at[pl.ds(r0 + nz * 64, zr)],
                            ssems[3]).wait()
    plsc.subcore_barrier()

    for ph in range(NB):
      pltpu.async_copy(y_sp.at[src_v.at[ph]], bufs[ph], gsems[ph])

    def body(i, carry):
      base = i * NB
      for ph in range(NB):
        g = base + ph
        pltpu.make_async_copy(y_sp.at[src_v.at[g]], bufs[ph],
                              gsems[ph]).wait()
        pltpu.async_copy(bufs[ph], acc.at[dst_v.at[g]], ssems[ph],
                         add=True)
      for ph in range(NB):
        g = base + ph
        pltpu.make_async_copy(bufs[ph], acc.at[dst_v.at[g]],
                              ssems[ph]).wait()

        @pl.when(g + NB < n_g)
        def _():
          pltpu.async_copy(y_sp.at[src_v.at[g + NB]], bufs[ph],
                           gsems[ph])

      return carry

    lax.fori_loop(0, n_g // NB, body, 0)
    plsc.subcore_barrier()
    pltpu.sync_copy(acc.at[slab], out_hbm.at[cid, slab])

  return propagate


def _make_final_combine(n_out, c):
  mesh = plsc.VectorSubcoreMesh(core_axis_name="c", subcore_axis_name="s")
  rpw = -(-n_out // NW)
  last = n_out - (NW - 1) * rpw
  assert c % L == 0 and last > 0

  @functools.partial(
      pl.kernel,
      out_type=jax.ShapeDtypeStruct((n_out, c), jnp.float32),
      mesh=mesh,
      scratch_types=[
          pltpu.VMEM((rpw, c), jnp.float32),
          pltpu.VMEM((rpw, c), jnp.float32),
          pltpu.VMEM((c,), jnp.float32),
          pltpu.SemaphoreType.DMA,
          pltpu.SemaphoreType.DMA,
      ],
      compiler_params=pltpu.CompilerParams(use_tc_tiling_on_sc=False),
  )
  def combine(p_hbm, b_hbm, out_hbm, a_buf, b_buf, bias_v, sem_a, sem_b):
    cid = lax.axis_index("c")
    sid = lax.axis_index("s")
    wid = sid * NC + cid
    r0 = wid * rpw

    def do(cnt):
      rows = pl.ds(r0, cnt)
      pltpu.async_copy(p_hbm.at[0, rows], a_buf.at[pl.ds(0, cnt)], sem_a)
      pltpu.async_copy(p_hbm.at[1, rows], b_buf.at[pl.ds(0, cnt)], sem_b)
      pltpu.sync_copy(b_hbm, bias_v)
      bias = [bias_v[pl.ds(l * L, L)] for l in range(c // L)]
      pltpu.make_async_copy(p_hbm.at[0, rows], a_buf.at[pl.ds(0, cnt)],
                            sem_a).wait()
      pltpu.make_async_copy(p_hbm.at[1, rows], b_buf.at[pl.ds(0, cnt)],
                            sem_b).wait()

      def body(r, carry):
        for l in range(c // L):
          cols = pl.ds(l * L, L)
          a_buf[r, cols] = a_buf[r, cols] + b_buf[r, cols] + bias[l]
        return carry

      lax.fori_loop(0, cnt, body, 0)
      pltpu.sync_copy(a_buf.at[pl.ds(0, cnt)], out_hbm.at[rows])

    if rpw == last:
      do(rpw)
    else:
      @pl.when(wid < NW - 1)
      def _():
        do(rpw)

      @pl.when(wid == NW - 1)
      def _():
        do(last)

  return combine


def kernel(feat, edge_index, W, b):
  N, D = feat.shape
  C = W.shape[0]
  E = edge_index.shape[1]

  n_g = -(-E // (NW * G))
  n_g = -(-n_g // NB) * NB
  e_pad = NW * n_g * G
  n_acc = -(-(N + 1) // (NS * 8)) * NS * 8
  n_acc = -(-n_acc // NW) * NW

  y, ep = _matmul_prep(feat, W, edge_index, n_acc, n_g)
  rows_per_tile = n_acc // NS
  n_full = rows_per_tile // G
  rem = rows_per_tile - n_full * G
  base = np.arange(NS, dtype=np.int32)[:, None] * rows_per_tile
  iota2 = base[:, :, None] + np.arange(n_full * G, dtype=np.int32
                                       ).reshape(1, n_full, G)
  iotar = base + n_full * G + np.arange(max(rem, 8), dtype=np.int32)[None]
  if rem:
    iotar = iotar[:, :rem]
  iota2 = jnp.asarray(iota2)
  iotar = jnp.asarray(iotar)

  prop1 = _make_propagate(n_acc, C, n_g, two_partials=False)
  p = prop1(y, ep, iota2, iotar)
  prop2 = _make_propagate(n_acc, C, n_g, two_partials=True)
  p2 = prop2(p, ep, iota2, iotar)
  return _make_final_combine(N, C)(p2, b)

# --- scband reference (transcript-rebuilt; emitter-appended) ---
"""Pipeline reference for scband-sgc-36850819400502 (READ-ONLY COPY).

The authoritative reference and input builder live on the scoring server;
editing this copy changes nothing except your own understanding.
"""

import jax, jax.numpy as jnp
import numpy as np

N = 10000
E = 160000
D = 256
C = 64
K = 2

def setup_inputs(seed: int = 0) -> dict:
    key = jax.random.key(seed)
    k1, k2, k3 = jax.random.split(key, 3)
    feat = jax.random.normal(k1, (N, D), dtype=jnp.float32)
    edge_index = jax.random.randint(k2, (2, E), 0, N, dtype=jnp.int32)
    # Linear layer parameters (xavier-uniform weight, zero bias), per init_kwargs
    limit = float(np.sqrt(6.0 / (D + C)))
    W = jax.random.uniform(k3, (C, D), dtype=jnp.float32, minval=-limit, maxval=limit)
    b = jnp.zeros((C,), dtype=jnp.float32)
    return {"feat": feat, "edge_index": edge_index, "W": W, "b": b}

def reference(feat, edge_index, W, b):
    # SGC: h = A^K @ feat, then fc(h). A^K x computed as K successive
    # sparse propagations (scatter-add over edges), mathematically identical
    # to precomputing the K-th power adjacency and doing one sparse mm.
    src = edge_index[0]
    dst = edge_index[1]
    h = feat
    for _ in range(K):
        msgs = h[src]  # gather source node features along edges
        h = jax.ops.segment_sum(msgs, dst, num_segments=N)  # scatter-add to dst
    # fc: h @ W.T + b  (norm is None, so no LayerNorm/BatchNorm)
    out = h @ W.T + b
    return out

if __name__ == "__main__":
    import jax
    _d = setup_inputs()
    print(jax.jit(kernel)(*tuple(_d.values())))

</pallas_src>

<mosaic_0001>
#map = affine_map<(d0, d1) -> (0, 0)>
#map1 = affine_map<(d0, d1) -> (0, 0, 0)>
module attributes {stable_mosaic.version = 14 : i64} {
  func.func @propagate(%arg0: i32, %arg1: i32, %arg2: memref<10112x64xf32, #tpu.memory_space<hbm>>, %arg3: memref<2x1280x128xi32, #tpu.memory_space<hbm>>, %arg4: memref<16x4x128xi32, #tpu.memory_space<hbm>>, %arg5: memref<16x120xi32, #tpu.memory_space<hbm>>, %arg6: memref<2x10112x64xf32, #tpu.memory_space<hbm>>, %arg7: memref<40x128xi32, #tpu.memory_space<vmem>>, %arg8: memref<40x128xi32, #tpu.memory_space<vmem>>, %arg9: memref<4x128xi32, #tpu.memory_space<vmem>>, %arg10: memref<120xi32, #tpu.memory_space<vmem>>, %arg11: memref<128x64xf32, #tpu.memory_space<vmem>>, %arg12: memref<128x64xf32, #tpu.memory_space<vmem>>, %arg13: memref<128x64xf32, #tpu.memory_space<vmem>>, %arg14: memref<128x64xf32, #tpu.memory_space<vmem>>, %arg15: memref<64x64xf32, #tpu.memory_space<vmem>>, %arg16: memref<10112x64xf32, #tpu.memory_space<vmem_shared>>, %arg17: memref<10112x64xf32, #tpu.memory_space<vmem_shared>>, %arg18: memref<!tpu.dma_semaphore, #tpu.memory_space<semaphore_mem>>, %arg19: memref<!tpu.dma_semaphore, #tpu.memory_space<semaphore_mem>>, %arg20: memref<!tpu.dma_semaphore, #tpu.memory_space<semaphore_mem>>, %arg21: memref<!tpu.dma_semaphore, #tpu.memory_space<semaphore_mem>>, %arg22: memref<!tpu.dma_semaphore, #tpu.memory_space<semaphore_mem>>, %arg23: memref<!tpu.dma_semaphore, #tpu.memory_space<semaphore_mem>>, %arg24: memref<!tpu.dma_semaphore, #tpu.memory_space<semaphore_mem>>, %arg25: memref<!tpu.dma_semaphore, #tpu.memory_space<semaphore_mem>>) attributes {dimension_semantics = [#tpu.dimension_semantics<core_parallel>, #tpu.dimension_semantics<subcore_parallel>], iteration_bounds = array<i64: 2, 16>, scalar_prefetch = 0 : i64, scratch_operands = 19 : i64, tpu.core_type = #tpu.core_type<sc_vector_subcore>, window_params = [{transform_indices = #map}, {transform_indices = #map1}, {transform_indices = #map1}, {transform_indices = #map}, {transform_indices = #map1}]} {
    %mul3A = arith.constant 2 : i32
    %mul3A_0 = arith.muli %arg1, %mul3A : i32
    %add3A = arith.addi %mul3A_0, %arg0 : i32
    %mul3A_1 = arith.constant 632 : i32
    %mul3A_2 = arith.muli %arg1, %mul3A_1 : i32
    %scan3A = arith.constant 0 : i32
    %scan3A_3 = arith.constant 0 : i32
    %scan3A_4 = arith.constant 64 : i32
    %scan3A_5 = arith.addi %scan3A_3, %scan3A_4 : i32
    %scan3A_6 = arith.constant 1 : i32
    scf.for %scan3A_178 = %scan3A_3 to %scan3A_5 step %scan3A_6  : i32 {
      %broadcast_in_dim3A = arith.constant 0.000000e+00 : f32
      %broadcast_in_dim3A_179 = vector.broadcast %broadcast_in_dim3A : f32 to vector<16xf32>
      %swap3A = arith.index_cast %scan3A_178 : i32 to index
      %swap3A_180 = arith.constant 0 : index
      %swap3A_181 = tpu.vector_load %arg15[%swap3A, %swap3A_180] {strides = array<i32>} : memref<64x64xf32, #tpu.memory_space<vmem>>, vector<1x16xf32>,
      %swap3A_182 = vector.shape_cast %swap3A_181 : vector<1x16xf32> to vector<16xf32>
      %swap3A_183 = vector.shape_cast %broadcast_in_dim3A_179 : vector<16xf32> to vector<1x16xf32>
      tpu.vector_store %arg15[%swap3A, %swap3A_180], %swap3A_183 {strides = array<i32>} : memref<64x64xf32, #tpu.memory_space<vmem>>, vector<1x16xf32>,
      %broadcast_in_dim3A_184 = arith.constant 0.000000e+00 : f32
      %broadcast_in_dim3A_185 = vector.broadcast %broadcast_in_dim3A_184 : f32 to vector<16xf32>
      %swap3A_186 = arith.index_cast %scan3A_178 : i32 to index
      %swap3A_187 = arith.constant 16 : index
      %swap3A_188 = tpu.vector_load %arg15[%swap3A_186, %swap3A_187] {strides = array<i32>} : memref<64x64xf32, #tpu.memory_space<vmem>>, vector<1x16xf32>,
      %swap3A_189 = vector.shape_cast %swap3A_188 : vector<1x16xf32> to vector<16xf32>
      %swap3A_190 = vector.shape_cast %broadcast_in_dim3A_185 : vector<16xf32> to vector<1x16xf32>
      tpu.vector_store %arg15[%swap3A_186, %swap3A_187], %swap3A_190 {strides = array<i32>} : memref<64x64xf32, #tpu.memory_space<vmem>>, vector<1x16xf32>,
      %broadcast_in_dim3A_191 = arith.constant 0.000000e+00 : f32
      %broadcast_in_dim3A_192 = vector.broadcast %broadcast_in_dim3A_191 : f32 to vector<16xf32>
      %swap3A_193 = arith.index_cast %scan3A_178 : i32 to index
      %swap3A_194 = arith.constant 32 : index
      %swap3A_195 = tpu.vector_load %arg15[%swap3A_193, %swap3A_194] {strides = array<i32>} : memref<64x64xf32, #tpu.memory_space<vmem>>, vector<1x16xf32>,
      %swap3A_196 = vector.shape_cast %swap3A_195 : vector<1x16xf32> to vector<16xf32>
      %swap3A_197 = vector.shape_cast %broadcast_in_dim3A_192 : vector<16xf32> to vector<1x16xf32>
      tpu.vector_store %arg15[%swap3A_193, %swap3A_194], %swap3A_197 {strides = array<i32>} : memref<64x64xf32, #tpu.memory_space<vmem>>, vector<1x16xf32>,
      %broadcast_in_dim3A_198 = arith.constant 0.000000e+00 : f32
      %broadcast_in_dim3A_199 = vector.broadcast %broadcast_in_dim3A_198 : f32 to vector<16xf32>
      %swap3A_200 = arith.index_cast %scan3A_178 : i32 to index
      %swap3A_201 = arith.constant 48 : index
      %swap3A_202 = tpu.vector_load %arg15[%swap3A_200, %swap3A_201] {strides = array<i32>} : memref<64x64xf32, #tpu.memory_space<vmem>>, vector<1x16xf32>,
      %swap3A_203 = vector.shape_cast %swap3A_202 : vector<1x16xf32> to vector<16xf32>
      %swap3A_204 = vector.shape_cast %broadcast_in_dim3A_199 : vector<16xf32> to vector<1x16xf32>
      tpu.vector_store %arg15[%swap3A_200, %swap3A_201], %swap3A_204 {strides = array<i32>} : memref<64x64xf32, #tpu.memory_space<vmem>>, vector<1x16xf32>,
    }
    %scan3A_7 = arith.constant 64 : i32
    %add3A_8 = arith.constant 0 : i32
    %add3A_9 = arith.addi %mul3A_2, %add3A_8 : i32
    %dma_start3A = arith.constant 0 : i32
    %dma_start3A_10 = tpu.memref_slice %arg17[%add3A_9, %dma_start3A] : memref<10112x64xf32, #tpu.memory_space<vmem_shared>> -> memref<64x64xf32, #tpu.memory_space<vmem_shared>>
    %dma_start3A_11 = arith.constant 0 : i32
    %dma_start3A_12 = tpu.memref_slice %arg17[%add3A_9, %dma_start3A_11] : memref<10112x64xf32, #tpu.memory_space<vmem_shared>> -> memref<64x64xf32, #tpu.memory_space<vmem_shared>>
    tpu.enqueue_dma source(%arg15 : memref<64x64xf32, #tpu.memory_space<vmem>>) target(%dma_start3A_12 : memref<64x64xf32, #tpu.memory_space<vmem_shared>>) target_semaphore(%arg25 : memref<!tpu.dma_semaphore, #tpu.memory_space<semaphore_mem>>)
    %add3A_13 = arith.constant 64 : i32
    %add3A_14 = arith.addi %mul3A_2, %add3A_13 : i32
    %dma_start3A_15 = arith.constant 0 : i32
    %dma_start3A_16 = tpu.memref_slice %arg17[%add3A_14, %dma_start3A_15] : memref<10112x64xf32, #tpu.memory_space<vmem_shared>> -> memref<64x64xf32, #tpu.memory_space<vmem_shared>>
    %dma_start3A_17 = arith.constant 0 : i32
    %dma_start3A_18 = tpu.memref_slice %arg17[%add3A_14, %dma_start3A_17] : memref<10112x64xf32, #tpu.memory_space<vmem_shared>> -> memref<64x64xf32, #tpu.memory_space<vmem_shared>>
    tpu.enqueue_dma source(%arg15 : memref<64x64xf32, #tpu.memory_space<vmem>>) target(%dma_start3A_18 : memref<64x64xf32, #tpu.memory_space<vmem_shared>>) target_semaphore(%arg25 : memref<!tpu.dma_semaphore, #tpu.memory_space<semaphore_mem>>)
    %add3A_19 = arith.constant 128 : i32
    %add3A_20 = arith.addi %mul3A_2, %add3A_19 : i32
    %dma_start3A_21 = arith.constant 0 : i32
    %dma_start3A_22 = tpu.memref_slice %arg17[%add3A_20, %dma_start3A_21] : memref<10112x64xf32, #tpu.memory_space<vmem_shared>> -> memref<64x64xf32, #tpu.memory_space<vmem_shared>>
    %dma_start3A_23 = arith.constant 0 : i32
    %dma_start3A_24 = tpu.memref_slice %arg17[%add3A_20, %dma_start3A_23] : memref<10112x64xf32, #tpu.memory_space<vmem_shared>> -> memref<64x64xf32, #tpu.memory_space<vmem_shared>>
    tpu.enqueue_dma source(%arg15 : memref<64x64xf32, #tpu.memory_space<vmem>>) target(%dma_start3A_24 : memref<64x64xf32, #tpu.memory_space<vmem_shared>>) target_semaphore(%arg25 : memref<!tpu.dma_semaphore, #tpu.memory_space<semaphore_mem>>)
    %add3A_25 = arith.constant 192 : i32
    %add3A_26 = arith.addi %mul3A_2, %add3A_25 : i32
    %dma_start3A_27 = arith.constant 0 : i32
    %dma_start3A_28 = tpu.memref_slice %arg17[%add3A_26, %dma_start3A_27] : memref<10112x64xf32, #tpu.memory_space<vmem_shared>> -> memref<64x64xf32, #tpu.memory_space<vmem_shared>>
    %dma_start3A_29 = arith.constant 0 : i32
    %dma_start3A_30 = tpu.memref_slice %arg17[%add3A_26, %dma_start3A_29] : memref<10112x64xf32, #tpu.memory_space<vmem_shared>> -> memref<64x64xf32, #tpu.memory_space<vmem_shared>>
    tpu.enqueue_dma source(%arg15 : memref<64x64xf32, #tpu.memory_space<vmem>>) target(%dma_start3A_30 : memref<64x64xf32, #tpu.memory_space<vmem_shared>>) target_semaphore(%arg25 : memref<!tpu.dma_semaphore, #tpu.memory_space<semaphore_mem>>)
    %add3A_31 = arith.constant 256 : i32
    %add3A_32 = arith.addi %mul3A_2, %add3A_31 : i32
    %dma_start3A_33 = arith.constant 0 : i32
    %dma_start3A_34 = tpu.memref_slice %arg17[%add3A_32, %dma_start3A_33] : memref<10112x64xf32, #tpu.memory_space<vmem_shared>> -> memref<64x64xf32, #tpu.memory_space<vmem_shared>>
    %dma_start3A_35 = arith.constant 0 : i32
    %dma_start3A_36 = tpu.memref_slice %arg17[%add3A_32, %dma_start3A_35] : memref<10112x64xf32, #tpu.memory_space<vmem_shared>> -> memref<64x64xf32, #tpu.memory_space<vmem_shared>>
    tpu.enqueue_dma source(%arg15 : memref<64x64xf32, #tpu.memory_space<vmem>>) target(%dma_start3A_36 : memref<64x64xf32, #tpu.memory_space<vmem_shared>>) target_semaphore(%arg25 : memref<!tpu.dma_semaphore, #tpu.memory_space<semaphore_mem>>)
    %add3A_37 = arith.constant 320 : i32
    %add3A_38 = arith.addi %mul3A_2, %add3A_37 : i32
    %dma_start3A_39 = arith.constant 0 : i32
    %dma_start3A_40 = tpu.memref_slice %arg17[%add3A_38, %dma_start3A_39] : memref<10112x64xf32, #tpu.memory_space<vmem_shared>> -> memref<64x64xf32, #tpu.memory_space<vmem_shared>>
    %dma_start3A_41 = arith.constant 0 : i32
    %dma_start3A_42 = tpu.memref_slice %arg17[%add3A_38, %dma_start3A_41] : memref<10112x64xf32, #tpu.memory_space<vmem_shared>> -> memref<64x64xf32, #tpu.memory_space<vmem_shared>>
    tpu.enqueue_dma source(%arg15 : memref<64x64xf32, #tpu.memory_space<vmem>>) target(%dma_start3A_42 : memref<64x64xf32, #tpu.memory_space<vmem_shared>>) target_semaphore(%arg25 : memref<!tpu.dma_semaphore, #tpu.memory_space<semaphore_mem>>)
    %add3A_43 = arith.constant 384 : i32
    %add3A_44 = arith.addi %mul3A_2, %add3A_43 : i32
    %dma_start3A_45 = arith.constant 0 : i32
    %dma_start3A_46 = tpu.memref_slice %arg17[%add3A_44, %dma_start3A_45] : memref<10112x64xf32, #tpu.memory_space<vmem_shared>> -> memref<64x64xf32, #tpu.memory_space<vmem_shared>>
    %dma_start3A_47 = arith.constant 0 : i32
    %dma_start3A_48 = tpu.memref_slice %arg17[%add3A_44, %dma_start3A_47] : memref<10112x64xf32, #tpu.memory_space<vmem_shared>> -> memref<64x64xf32, #tpu.memory_space<vmem_shared>>
    tpu.enqueue_dma source(%arg15 : memref<64x64xf32, #tpu.memory_space<vmem>>) target(%dma_start3A_48 : memref<64x64xf32, #tpu.memory_space<vmem_shared>>) target_semaphore(%arg25 : memref<!tpu.dma_semaphore, #tpu.memory_space<semaphore_mem>>)
    %add3A_49 = arith.constant 448 : i32
    %add3A_50 = arith.addi %mul3A_2, %add3A_49 : i32
    %dma_start3A_51 = arith.constant 0 : i32
    %dma_start3A_52 = tpu.memref_slice %arg17[%add3A_50, %dma_start3A_51] : memref<10112x64xf32, #tpu.memory_space<vmem_shared>> -> memref<64x64xf32, #tpu.memory_space<vmem_shared>>
    %dma_start3A_53 = arith.constant 0 : i32
    %dma_start3A_54 = tpu.memref_slice %arg17[%add3A_50, %dma_start3A_53] : memref<10112x64xf32, #tpu.memory_space<vmem_shared>> -> memref<64x64xf32, #tpu.memory_space<vmem_shared>>
    tpu.enqueue_dma source(%arg15 : memref<64x64xf32, #tpu.memory_space<vmem>>) target(%dma_start3A_54 : memref<64x64xf32, #tpu.memory_space<vmem_shared>>) target_semaphore(%arg25 : memref<!tpu.dma_semaphore, #tpu.memory_space<semaphore_mem>>)
    %add3A_55 = arith.constant 512 : i32
    %add3A_56 = arith.addi %mul3A_2, %add3A_55 : i32
    %dma_start3A_57 = arith.constant 0 : i32
    %dma_start3A_58 = tpu.memref_slice %arg17[%add3A_56, %dma_start3A_57] : memref<10112x64xf32, #tpu.memory_space<vmem_shared>> -> memref<64x64xf32, #tpu.memory_space<vmem_shared>>
    %dma_start3A_59 = arith.constant 0 : i32
    %dma_start3A_60 = tpu.memref_slice %arg17[%add3A_56, %dma_start3A_59] : memref<10112x64xf32, #tpu.memory_space<vmem_shared>> -> memref<64x64xf32, #tpu.memory_space<vmem_shared>>
    tpu.enqueue_dma source(%arg15 : memref<64x64xf32, #tpu.memory_space<vmem>>) target(%dma_start3A_60 : memref<64x64xf32, #tpu.memory_space<vmem_shared>>) target_semaphore(%arg25 : memref<!tpu.dma_semaphore, #tpu.memory_space<semaphore_mem>>)
    %add3A_61 = arith.constant 576 : i32
    %add3A_62 = arith.addi %mul3A_2, %add3A_61 : i32
    %dma_start3A_63 = arith.constant 0 : i32
    %dma_start3A_64 = arith.constant 0 : i32
    %dma_start3A_65 = tpu.memref_slice %arg15[%dma_start3A_63, %dma_start3A_64] : memref<64x64xf32, #tpu.memory_space<vmem>> -> memref<56x64xf32, #tpu.memory_space<vmem>>
    %dma_start3A_66 = arith.constant 0 : i32
    %dma_start3A_67 = tpu.memref_slice %arg17[%add3A_62, %dma_start3A_66] : memref<10112x64xf32, #tpu.memory_space<vmem_shared>> -> memref<56x64xf32, #tpu.memory_space<vmem_shared>>
    %dma_start3A_68 = arith.constant 0 : i32
    %dma_start3A_69 = tpu.memref_slice %arg17[%add3A_62, %dma_start3A_68] : memref<10112x64xf32, #tpu.memory_space<vmem_shared>> -> memref<56x64xf32, #tpu.memory_space<vmem_shared>>
    %dma_start3A_70 = arith.constant 0 : i32
    %dma_start3A_71 = arith.constant 0 : i32
    %dma_start3A_72 = tpu.memref_slice %arg15[%dma_start3A_70, %dma_start3A_71] : memref<64x64xf32, #tpu.memory_space<vmem>> -> memref<56x64xf32, #tpu.memory_space<vmem>>
    tpu.enqueue_dma source(%dma_start3A_72 : memref<56x64xf32, #tpu.memory_space<vmem>>) target(%dma_start3A_69 : memref<56x64xf32, #tpu.memory_space<vmem_shared>>) target_semaphore(%arg25 : memref<!tpu.dma_semaphore, #tpu.memory_space<semaphore_mem>>)
    "tpu.region"() ({
      %run_scoped3A_178 = tpu.sem_alloc : memref<!tpu.dma_semaphore, #tpu.memory_space<semaphore_mem>>
      %dma_start3A_179 = arith.constant 0 : i32
      %dma_start3A_180 = tpu.memref_slice %arg16[%mul3A_2, %dma_start3A_179] : memref<10112x64xf32, #tpu.memory_space<vmem_shared>> -> memref<632x64xf32, #tpu.memory_space<vmem_shared>>
      %dma_start3A_181 = arith.constant 0 : i32
      %dma_start3A_182 = tpu.memref_slice %arg2[%mul3A_2, %dma_start3A_181] : memref<10112x64xf32, #tpu.memory_space<hbm>> -> memref<632x64xf32, #tpu.memory_space<hbm>>
      tpu.enqueue_dma source(%dma_start3A_182 : memref<632x64xf32, #tpu.memory_space<hbm>>) target(%dma_start3A_180 : memref<632x64xf32, #tpu.memory_space<vmem_shared>>) target_semaphore(%run_scoped3A_178 : memref<!tpu.dma_semaphore, #tpu.memory_space<semaphore_mem>>)
      %dma_wait3A_183 = arith.constant 0 : i32
      %dma_wait3A_184 = tpu.memref_slice %arg16[%mul3A_2, %dma_wait3A_183] : memref<10112x64xf32, #tpu.memory_space<vmem_shared>> -> memref<632x64xf32, #tpu.memory_space<vmem_shared>>
      %dma_wait3A_185 = arith.constant 0 : i32
      %dma_wait3A_186 = tpu.memref_slice %arg2[%mul3A_2, %dma_wait3A_185] : memref<10112x64xf32, #tpu.memory_space<hbm>> -> memref<632x64xf32, #tpu.memory_space<hbm>>
      tpu.wait_dma2 semaphore(%run_scoped3A_178 : memref<!tpu.dma_semaphore, #tpu.memory_space<semaphore_mem>>) src(%dma_wait3A_186 : memref<632x64xf32, #tpu.memory_space<hbm>>) dst(%dma_wait3A_184 : memref<632x64xf32, #tpu.memory_space<vmem_shared>>)
      tpu.yield
    }) : () -> ()
    %mul3A_73 = arith.constant 40 : i32
    %mul3A_74 = arith.muli %add3A, %mul3A_73 : i32
    %run_scoped3A = arith.constant 0 : i32
    "tpu.region"() ({
      %run_scoped3A_178 = tpu.sem_alloc : memref<!tpu.dma_semaphore, #tpu.memory_space<semaphore_mem>>
      %dma_start3A_179 = arith.constant 0 : i32
      %dma_start3A_180 = tpu.memref_slice %arg3[%run_scoped3A, %mul3A_74, %dma_start3A_179] : memref<2x1280x128xi32, #tpu.memory_space<hbm>> -> memref<1x40x128xi32, #tpu.memory_space<hbm>>
      %dma_start3A_181 = tpu.memref_squeeze %dma_start3A_180 : memref<1x40x128xi32, #tpu.memory_space<hbm>> -> memref<40x128xi32, #tpu.memory_space<hbm>>
      %dma_start3A_182 = arith.constant 0 : i32
      %dma_start3A_183 = tpu.memref_slice %arg3[%run_scoped3A, %mul3A_74, %dma_start3A_182] : memref<2x1280x128xi32, #tpu.memory_space<hbm>> -> memref<1x40x128xi32, #tpu.memory_space<hbm>>
      %dma_start3A_184 = tpu.memref_squeeze %dma_start3A_183 : memref<1x40x128xi32, #tpu.memory_space<hbm>> -> memref<40x128xi32, #tpu.memory_space<hbm>>
      tpu.enqueue_dma source(%dma_start3A_184 : memref<40x128xi32, #tpu.memory_space<hbm>>) target(%arg7 : memref<40x128xi32, #tpu.memory_space<vmem>>) target_semaphore(%run_scoped3A_178 : memref<!tpu.dma_semaphore, #tpu.memory_space<semaphore_mem>>)
      %dma_wait3A_185 = arith.constant 0 : i32
      %dma_wait3A_186 = tpu.memref_slice %arg3[%run_scoped3A, %mul3A_74, %dma_wait3A_185] : memref<2x1280x128xi32, #tpu.memory_space<hbm>> -> memref<1x40x128xi32, #tpu.memory_space<hbm>>
      %dma_wait3A_187 = tpu.memref_squeeze %dma_wait3A_186 : memref<1x40x128xi32, #tpu.memory_space<hbm>> -> memref<40x128xi32, #tpu.memory_space<hbm>>
      %dma_wait3A_188 = arith.constant 0 : i32
      %dma_wait3A_189 = tpu.memref_slice %arg3[%run_scoped3A, %mul3A_74, %dma_wait3A_188] : memref<2x1280x128xi32, #tpu.memory_space<hbm>> -> memref<1x40x128xi32, #tpu.memory_space<hbm>>
      %dma_wait3A_190 = tpu.memref_squeeze %dma_wait3A_189 : memref<1x40x128xi32, #tpu.memory_space<hbm>> -> memref<40x128xi32, #tpu.memory_space<hbm>>
      tpu.wait_dma2 semaphore(%run_scoped3A_178 : memref<!tpu.dma_semaphore, #tpu.memory_space<semaphore_mem>>) src(%dma_wait3A_190 : memref<40x128xi32, #tpu.memory_space<hbm>>) dst(%arg7 : memref<40x128xi32, #tpu.memory_space<vmem>>)
      tpu.yield
    }) : () -> ()
    %mul3A_75 = arith.constant 40 : i32
    %mul3A_76 = arith.muli %add3A, %mul3A_75 : i32
    %run_scoped3A_77 = arith.constant 1 : i32
    "tpu.region"() ({
      %run_scoped3A_178 = tpu.sem_alloc : memref<!tpu.dma_semaphore, #tpu.memory_space<semaphore_mem>>
      %dma_start3A_179 = arith.constant 0 : i32
      %dma_start3A_180 = tpu.memref_slice %arg3[%run_scoped3A_77, %mul3A_76, %dma_start3A_179] : memref<2x1280x128xi32, #tpu.memory_space<hbm>> -> memref<1x40x128xi32, #tpu.memory_space<hbm>>
      %dma_start3A_181 = tpu.memref_squeeze %dma_start3A_180 : memref<1x40x128xi32, #tpu.memory_space<hbm>> -> memref<40x128xi32, #tpu.memory_space<hbm>>
      %dma_start3A_182 = arith.constant 0 : i32
      %dma_start3A_183 = tpu.memref_slice %arg3[%run_scoped3A_77, %mul3A_76, %dma_start3A_182] : memref<2x1280x128xi32, #tpu.memory_space<hbm>> -> memref<1x40x128xi32, #tpu.memory_space<hbm>>
      %dma_start3A_184 = tpu.memref_squeeze %dma_start3A_183 : memref<1x40x128xi32, #tpu.memory_space<hbm>> -> memref<40x128xi32, #tpu.memory_space<hbm>>
      tpu.enqueue_dma source(%dma_start3A_184 : memref<40x128xi32, #tpu.memory_space<hbm>>) target(%arg8 : memref<40x128xi32, #tpu.memory_space<vmem>>) target_semaphore(%run_scoped3A_178 : memref<!tpu.dma_semaphore, #tpu.memory_space<semaphore_mem>>)
      %dma_wait3A_185 = arith.constant 0 : i32
      %dma_wait3A_186 = tpu.memref_slice %arg3[%run_scoped3A_77, %mul3A_76, %dma_wait3A_185] : memref<2x1280x128xi32, #tpu.memory_space<hbm>> -> memref<1x40x128xi32, #tpu.memory_space<hbm>>
      %dma_wait3A_187 = tpu.memref_squeeze %dma_wait3A_186 : memref<1x40x128xi32, #tpu.memory_space<hbm>> -> memref<40x128xi32, #tpu.memory_space<hbm>>
      %dma_wait3A_188 = arith.constant 0 : i32
      %dma_wait3A_189 = tpu.memref_slice %arg3[%run_scoped3A_77, %mul3A_76, %dma_wait3A_188] : memref<2x1280x128xi32, #tpu.memory_space<hbm>> -> memref<1x40x128xi32, #tpu.memory_space<hbm>>
      %dma_wait3A_190 = tpu.memref_squeeze %dma_wait3A_189 : memref<1x40x128xi32, #tpu.memory_space<hbm>> -> memref<40x128xi32, #tpu.memory_space<hbm>>
      tpu.wait_dma2 semaphore(%run_scoped3A_178 : memref<!tpu.dma_semaphore, #tpu.memory_space<semaphore_mem>>) src(%dma_wait3A_190 : memref<40x128xi32, #tpu.memory_space<hbm>>) dst(%arg8 : memref<40x128xi32, #tpu.memory_space<vmem>>)
      tpu.yield
    }) : () -> ()
    %add3A_78 = arith.constant 0 : i32
    %add3A_79 = arith.addi %mul3A_2, %add3A_78 : i32
    %dma_wait3A = arith.constant 0 : i32
    %dma_wait3A_80 = tpu.memref_slice %arg17[%add3A_79, %dma_wait3A] : memref<10112x64xf32, #tpu.memory_space<vmem_shared>> -> memref<64x64xf32, #tpu.memory_space<vmem_shared>>
    %dma_wait3A_81 = arith.constant 0 : i32
    %dma_wait3A_82 = tpu.memref_slice %arg17[%add3A_79, %dma_wait3A_81] : memref<10112x64xf32, #tpu.memory_space<vmem_shared>> -> memref<64x64xf32, #tpu.memory_space<vmem_shared>>
    tpu.wait_dma2 semaphore(%arg25 : memref<!tpu.dma_semaphore, #tpu.memory_space<semaphore_mem>>) src(%arg15 : memref<64x64xf32, #tpu.memory_space<vmem>>) dst(%dma_wait3A_82 : memref<64x64xf32, #tpu.memory_space<vmem_shared>>)
    %add3A_83 = arith.constant 64 : i32
    %add3A_84 = arith.addi %mul3A_2, %add3A_83 : i32
    %dma_wait3A_85 = arith.constant 0 : i32
    %dma_wait3A_86 = tpu.memref_slice %arg17[%add3A_84, %dma_wait3A_85] : memref<10112x64xf32, #tpu.memory_space<vmem_shared>> -> memref<64x64xf32, #tpu.memory_space<vmem_shared>>
    %dma_wait3A_87 = arith.constant 0 : i32
    %dma_wait3A_88 = tpu.memref_slice %arg17[%add3A_84, %dma_wait3A_87] : memref<10112x64xf32, #tpu.memory_space<vmem_shared>> -> memref<64x64xf32, #tpu.memory_space<vmem_shared>>
    tpu.wait_dma2 semaphore(%arg25 : memref<!tpu.dma_semaphore, #tpu.memory_space<semaphore_mem>>) src(%arg15 : memref<64x64xf32, #tpu.memory_space<vmem>>) dst(%dma_wait3A_88 : memref<64x64xf32, #tpu.memory_space<vmem_shared>>)
    %add3A_89 = arith.constant 128 : i32
    %add3A_90 = arith.addi %mul3A_2, %add3A_89 : i32
    %dma_wait3A_91 = arith.constant 0 : i32
    %dma_wait3A_92 = tpu.memref_slice %arg17[%add3A_90, %dma_wait3A_91] : memref<10112x64xf32, #tpu.memory_space<vmem_shared>> -> memref<64x64xf32, #tpu.memory_space<vmem_shared>>
    %dma_wait3A_93 = arith.constant 0 : i32
    %dma_wait3A_94 = tpu.memref_slice %arg17[%add3A_90, %dma_wait3A_93] : memref<10112x64xf32, #tpu.memory_space<vmem_shared>> -> memref<64x64xf32, #tpu.memory_space<vmem_shared>>
    tpu.wait_dma2 semaphore(%arg25 : memref<!tpu.dma_semaphore, #tpu.memory_space<semaphore_mem>>) src(%arg15 : memref<64x64xf32, #tpu.memory_space<vmem>>) dst(%dma_wait3A_94 : memref<64x64xf32, #tpu.memory_space<vmem_shared>>)
    %add3A_95 = arith.constant 192 : i32
    %add3A_96 = arith.addi %mul3A_2, %add3A_95 : i32
    %dma_wait3A_97 = arith.constant 0 : i32
    %dma_wait3A_98 = tpu.memref_slice %arg17[%add3A_96, %dma_wait3A_97] : memref<10112x64xf32, #tpu.memory_space<vmem_shared>> -> memref<64x64xf32, #tpu.memory_space<vmem_shared>>
    %dma_wait3A_99 = arith.constant 0 : i32
    %dma_wait3A_100 = tpu.memref_slice %arg17[%add3A_96, %dma_wait3A_99] : memref<10112x64xf32, #tpu.memory_space<vmem_shared>> -> memref<64x64xf32, #tpu.memory_space<vmem_shared>>
    tpu.wait_dma2 semaphore(%arg25 : memref<!tpu.dma_semaphore, #tpu.memory_space<semaphore_mem>>) src(%arg15 : memref<64x64xf32, #tpu.memory_space<vmem>>) dst(%dma_wait3A_100 : memref<64x64xf32, #tpu.memory_space<vmem_shared>>)
    %add3A_101 = arith.constant 256 : i32
    %add3A_102 = arith.addi %mul3A_2, %add3A_101 : i32
    %dma_wait3A_103 = arith.constant 0 : i32
    %dma_wait3A_104 = tpu.memref_slice %arg17[%add3A_102, %dma_wait3A_103] : memref<10112x64xf32, #tpu.memory_space<vmem_shared>> -> memref<64x64xf32, #tpu.memory_space<vmem_shared>>
    %dma_wait3A_105 = arith.constant 0 : i32
    %dma_wait3A_106 = tpu.memref_slice %arg17[%add3A_102, %dma_wait3A_105] : memref<10112x64xf32, #tpu.memory_space<vmem_shared>> -> memref<64x64xf32, #tpu.memory_space<vmem_shared>>
    tpu.wait_dma2 semaphore(%arg25 : memref<!tpu.dma_semaphore, #tpu.memory_space<semaphore_mem>>) src(%arg15 : memref<64x64xf32, #tpu.memory_space<vmem>>) dst(%dma_wait3A_106 : memref<64x64xf32, #tpu.memory_space<vmem_shared>>)
    %add3A_107 = arith.constant 320 : i32
    %add3A_108 = arith.addi %mul3A_2, %add3A_107 : i32
    %dma_wait3A_109 = arith.constant 0 : i32
    %dma_wait3A_110 = tpu.memref_slice %arg17[%add3A_108, %dma_wait3A_109] : memref<10112x64xf32, #tpu.memory_space<vmem_shared>> -> memref<64x64xf32, #tpu.memory_space<vmem_shared>>
    %dma_wait3A_111 = arith.constant 0 : i32
    %dma_wait3A_112 = tpu.memref_slice %arg17[%add3A_108, %dma_wait3A_111] : memref<10112x64xf32, #tpu.memory_space<vmem_shared>> -> memref<64x64xf32, #tpu.memory_space<vmem_shared>>
    tpu.wait_dma2 semaphore(%arg25 : memref<!tpu.dma_semaphore, #tpu.memory_space<semaphore_mem>>) src(%arg15 : memref<64x64xf32, #tpu.memory_space<vmem>>) dst(%dma_wait3A_112 : memref<64x64xf32, #tpu.memory_space<vmem_shared>>)
    %add3A_113 = arith.constant 384 : i32
    %add3A_114 = arith.addi %mul3A_2, %add3A_113 : i32
    %dma_wait3A_115 = arith.constant 0 : i32
    %dma_wait3A_116 = tpu.memref_slice %arg17[%add3A_114, %dma_wait3A_115] : memref<10112x64xf32, #tpu.memory_space<vmem_shared>> -> memref<64x64xf32, #tpu.memory_space<vmem_shared>>
    %dma_wait3A_117 = arith.constant 0 : i32
    %dma_wait3A_118 = tpu.memref_slice %arg17[%add3A_114, %dma_wait3A_117] : memref<10112x64xf32, #tpu.memory_space<vmem_shared>> -> memref<64x64xf32, #tpu.memory_space<vmem_shared>>
    tpu.wait_dma2 semaphore(%arg25 : memref<!tpu.dma_semaphore, #tpu.memory_space<semaphore_mem>>) src(%arg15 : memref<64x64xf32, #tpu.memory_space<vmem>>) dst(%dma_wait3A_118 : memref<64x64xf32, #tpu.memory_space<vmem_shared>>)
    %add3A_119 = arith.constant 448 : i32
    %add3A_120 = arith.addi %mul3A_2, %add3A_119 : i32
    %dma_wait3A_121 = arith.constant 0 : i32
    %dma_wait3A_122 = tpu.memref_slice %arg17[%add3A_120, %dma_wait3A_121] : memref<10112x64xf32, #tpu.memory_space<vmem_shared>> -> memref<64x64xf32, #tpu.memory_space<vmem_shared>>
    %dma_wait3A_123 = arith.constant 0 : i32
    %dma_wait3A_124 = tpu.memref_slice %arg17[%add3A_120, %dma_wait3A_123] : memref<10112x64xf32, #tpu.memory_space<vmem_shared>> -> memref<64x64xf32, #tpu.memory_space<vmem_shared>>
    tpu.wait_dma2 semaphore(%arg25 : memref<!tpu.dma_semaphore, #tpu.memory_space<semaphore_mem>>) src(%arg15 : memref<64x64xf32, #tpu.memory_space<vmem>>) dst(%dma_wait3A_124 : memref<64x64xf32, #tpu.memory_space<vmem_shared>>)
    %add3A_125 = arith.constant 512 : i32
    %add3A_126 = arith.addi %mul3A_2, %add3A_125 : i32
    %dma_wait3A_127 = arith.constant 0 : i32
    %dma_wait3A_128 = tpu.memref_slice %arg17[%add3A_126, %dma_wait3A_127] : memref<10112x64xf32, #tpu.memory_space<vmem_shared>> -> memref<64x64xf32, #tpu.memory_space<vmem_shared>>
    %dma_wait3A_129 = arith.constant 0 : i32
    %dma_wait3A_130 = tpu.memref_slice %arg17[%add3A_126, %dma_wait3A_129] : memref<10112x64xf32, #tpu.memory_space<vmem_shared>> -> memref<64x64xf32, #tpu.memory_space<vmem_shared>>
    tpu.wait_dma2 semaphore(%arg25 : memref<!tpu.dma_semaphore, #tpu.memory_space<semaphore_mem>>) src(%arg15 : memref<64x64xf32, #tpu.memory_space<vmem>>) dst(%dma_wait3A_130 : memref<64x64xf32, #tpu.memory_space<vmem_shared>>)
    %add3A_131 = arith.constant 576 : i32
    %add3A_132 = arith.addi %mul3A_2, %add3A_131 : i32
    %dma_wait3A_133 = arith.constant 0 : i32
    %dma_wait3A_134 = arith.constant 0 : i32
    %dma_wait3A_135 = tpu.memref_slice %arg15[%dma_wait3A_133, %dma_wait3A_134] : memref<64x64xf32, #tpu.memory_space<vmem>> -> memref<56x64xf32, #tpu.memory_space<vmem>>
    %dma_wait3A_136 = arith.constant 0 : i32
    %dma_wait3A_137 = tpu.memref_slice %arg17[%add3A_132, %dma_wait3A_136] : memref<10112x64xf32, #tpu.memory_space<vmem_shared>> -> memref<56x64xf32, #tpu.memory_space<vmem_shared>>
    %dma_wait3A_138 = arith.constant 0 : i32
    %dma_wait3A_139 = tpu.memref_slice %arg17[%add3A_132, %dma_wait3A_138] : memref<10112x64xf32, #tpu.memory_space<vmem_shared>> -> memref<56x64xf32, #tpu.memory_space<vmem_shared>>
    %dma_wait3A_140 = arith.constant 0 : i32
    %dma_wait3A_141 = arith.constant 0 : i32
    %dma_wait3A_142 = tpu.memref_slice %arg15[%dma_wait3A_140, %dma_wait3A_141] : memref<64x64xf32, #tpu.memory_space<vmem>> -> memref<56x64xf32, #tpu.memory_space<vmem>>
    tpu.wait_dma2 semaphore(%arg25 : memref<!tpu.dma_semaphore, #tpu.memory_space<semaphore_mem>>) src(%dma_wait3A_142 : memref<56x64xf32, #tpu.memory_space<vmem>>) dst(%dma_wait3A_139 : memref<56x64xf32, #tpu.memory_space<vmem_shared>>)
    %barrier3A = arith.constant 0 : index
    tpu.barrier barrier_id(%barrier3A)
    %dma_start3A_143 = arith.constant 0 : i32
    %dma_start3A_144 = arith.constant 0 : i32
    %dma_start3A_145 = tpu.memref_slice %arg7[%dma_start3A_143, %dma_start3A_144] : memref<40x128xi32, #tpu.memory_space<vmem>> -> memref<1x128xi32, #tpu.memory_space<vmem>>
    %dma_start3A_146 = tpu.memref_squeeze %dma_start3A_145 : memref<1x128xi32, #tpu.memory_space<vmem>> -> memref<128xi32, #tpu.memory_space<vmem>>
    %dma_start3A_147 = arith.constant 0 : i32
    %dma_start3A_148 = arith.constant 0 : i32
    %dma_start3A_149 = tpu.memref_slice %arg16[%dma_start3A_147, %dma_start3A_148] : memref<10112x64xf32, #tpu.memory_space<vmem_shared>> -> memref<10112x64xf32, #tpu.memory_space<vmem_shared>>
    tpu.enqueue_indirect_dma source(%dma_start3A_149 : memref<10112x64xf32, #tpu.memory_space<vmem_shared>>) target(%arg11 : memref<128x64xf32, #tpu.memory_space<vmem>>) offsets(%dma_start3A_146 : memref<128xi32, #tpu.memory_space<vmem>>) semaphore(%arg18 : memref<!tpu.dma_semaphore, #tpu.memory_space<semaphore_mem>>)
    %dma_start3A_150 = arith.constant 1 : i32
    %dma_start3A_151 = arith.constant 0 : i32
    %dma_start3A_152 = tpu.memref_slice %arg7[%dma_start3A_150, %dma_start3A_151] : memref<40x128xi32, #tpu.memory_space<vmem>> -> memref<1x128xi32, #tpu.memory_space<vmem>>
    %dma_start3A_153 = tpu.memref_squeeze %dma_start3A_152 : memref<1x128xi32, #tpu.memory_space<vmem>> -> memref<128xi32, #tpu.memory_space<vmem>>
    %dma_start3A_154 = arith.constant 0 : i32
    %dma_start3A_155 = arith.constant 0 : i32
    %dma_start3A_156 = tpu.memref_slice %arg16[%dma_start3A_154, %dma_start3A_155] : memref<10112x64xf32, #tpu.memory_space<vmem_shared>> -> memref<10112x64xf32, #tpu.memory_space<vmem_shared>>
    tpu.enqueue_indirect_dma source(%dma_start3A_156 : memref<10112x64xf32, #tpu.memory_space<vmem_shared>>) target(%arg12 : memref<128x64xf32, #tpu.memory_space<vmem>>) offsets(%dma_start3A_153 : memref<128xi32, #tpu.memory_space<vmem>>) semaphore(%arg19 : memref<!tpu.dma_semaphore, #tpu.memory_space<semaphore_mem>>)
    %dma_start3A_157 = arith.constant 2 : i32
    %dma_start3A_158 = arith.constant 0 : i32
    %dma_start3A_159 = tpu.memref_slice %arg7[%dma_start3A_157, %dma_start3A_158] : memref<40x128xi32, #tpu.memory_space<vmem>> -> memref<1x128xi32, #tpu.memory_space<vmem>>
    %dma_start3A_160 = tpu.memref_squeeze %dma_start3A_159 : memref<1x128xi32, #tpu.memory_space<vmem>> -> memref<128xi32, #tpu.memory_space<vmem>>
    %dma_start3A_161 = arith.constant 0 : i32
    %dma_start3A_162 = arith.constant 0 : i32
    %dma_start3A_163 = tpu.memref_slice %arg16[%dma_start3A_161, %dma_start3A_162] : memref<10112x64xf32, #tpu.memory_space<vmem_shared>> -> memref<10112x64xf32, #tpu.memory_space<vmem_shared>>
    tpu.enqueue_indirect_dma source(%dma_start3A_163 : memref<10112x64xf32, #tpu.memory_space<vmem_shared>>) target(%arg13 : memref<128x64xf32, #tpu.memory_space<vmem>>) offsets(%dma_start3A_160 : memref<128xi32, #tpu.memory_space<vmem>>) semaphore(%arg20 : memref<!tpu.dma_semaphore, #tpu.memory_space<semaphore_mem>>)
    %dma_start3A_164 = arith.constant 3 : i32
    %dma_start3A_165 = arith.constant 0 : i32
    %dma_start3A_166 = tpu.memref_slice %arg7[%dma_start3A_164, %dma_start3A_165] : memref<40x128xi32, #tpu.memory_space<vmem>> -> memref<1x128xi32, #tpu.memory_space<vmem>>
    %dma_start3A_167 = tpu.memref_squeeze %dma_start3A_166 : memref<1x128xi32, #tpu.memory_space<vmem>> -> memref<128xi32, #tpu.memory_space<vmem>>
    %dma_start3A_168 = arith.constant 0 : i32
    %dma_start3A_169 = arith.constant 0 : i32
    %dma_start3A_170 = tpu.memref_slice %arg16[%dma_start3A_168, %dma_start3A_169] : memref<10112x64xf32, #tpu.memory_space<vmem_shared>> -> memref<10112x64xf32, #tpu.memory_space<vmem_shared>>
    tpu.enqueue_indirect_dma source(%dma_start3A_170 : memref<10112x64xf32, #tpu.memory_space<vmem_shared>>) target(%arg14 : memref<128x64xf32, #tpu.memory_space<vmem>>) offsets(%dma_start3A_167 : memref<128xi32, #tpu.memory_space<vmem>>) semaphore(%arg21 : memref<!tpu.dma_semaphore, #tpu.memory_space<semaphore_mem>>)
    %scan3A_171 = arith.constant 0 : i32
    %scan3A_172 = arith.constant 0 : i32
    %scan3A_173 = arith.constant 10 : i32
    %scan3A_174 = arith.addi %scan3A_172, %scan3A_173 : i32
    %scan3A_175 = arith.constant 1 : i32
    scf.for %scan3A_178 = %scan3A_172 to %scan3A_174 step %scan3A_175  : i32 {
      %mul3A_179 = arith.constant 4 : i32
      %mul3A_180 = arith.muli %scan3A_178, %mul3A_179 : i32
      %add3A_181 = arith.constant 0 : i32
      %add3A_182 = arith.addi %mul3A_180, %add3A_181 : i32
      %dma_wait3A_183 = arith.constant 0 : i32
      %dma_wait3A_184 = tpu.memref_slice %arg7[%add3A_182, %dma_wait3A_183] : memref<40x128xi32, #tpu.memory_space<vmem>> -> memref<1x128xi32, #tpu.memory_space<vmem>>
      %dma_wait3A_185 = tpu.memref_squeeze %dma_wait3A_184 : memref<1x128xi32, #tpu.memory_space<vmem>> -> memref<128xi32, #tpu.memory_space<vmem>>
      %dma_wait3A_186 = arith.constant 0 : i32
      %dma_wait3A_187 = arith.constant 0 : i32
      %dma_wait3A_188 = tpu.memref_slice %arg16[%dma_wait3A_186, %dma_wait3A_187] : memref<10112x64xf32, #tpu.memory_space<vmem_shared>> -> memref<10112x64xf32, #tpu.memory_space<vmem_shared>>
      tpu.wait_indirect_dma semaphore(%arg18 : memref<!tpu.dma_semaphore, #tpu.memory_space<semaphore_mem>>) src(%dma_wait3A_188 : memref<10112x64xf32, #tpu.memory_space<vmem_shared>>) dst(%arg11 : memref<128x64xf32, #tpu.memory_space<vmem>>)
      %dma_start3A_189 = arith.constant 0 : i32
      %dma_start3A_190 = tpu.memref_slice %arg8[%add3A_182, %dma_start3A_189] : memref<40x128xi32, #tpu.memory_space<vmem>> -> memref<1x128xi32, #tpu.memory_space<vmem>>
      %dma_start3A_191 = tpu.memref_squeeze %dma_start3A_190 : memref<1x128xi32, #tpu.memory_space<vmem>> -> memref<128xi32, #tpu.memory_space<vmem>>
      %dma_start3A_192 = arith.constant 0 : i32
      %dma_start3A_193 = arith.constant 0 : i32
      %dma_start3A_194 = tpu.memref_slice %arg17[%dma_start3A_192, %dma_start3A_193] : memref<10112x64xf32, #tpu.memory_space<vmem_shared>> -> memref<10112x64xf32, #tpu.memory_space<vmem_shared>>
      tpu.enqueue_indirect_dma source(%arg11 : memref<128x64xf32, #tpu.memory_space<vmem>>) target(%dma_start3A_194 : memref<10112x64xf32, #tpu.memory_space<vmem_shared>>) offsets(%dma_start3A_191 : memref<128xi32, #tpu.memory_space<vmem>>) semaphore(%arg22 : memref<!tpu.dma_semaphore, #tpu.memory_space<semaphore_mem>>) {add = true}
      %add3A_195 = arith.constant 1 : i32
      %add3A_196 = arith.addi %mul3A_180, %add3A_195 : i32
      %dma_wait3A_197 = arith.constant 0 : i32
      %dma_wait3A_198 = tpu.memref_slice %arg7[%add3A_196, %dma_wait3A_197] : memref<40x128xi32, #tpu.memory_space<vmem>> -> memref<1x128xi32, #tpu.memory_space<vmem>>
      %dma_wait3A_199 = tpu.memref_squeeze %dma_wait3A_198 : memref<1x128xi32, #tpu.memory_space<vmem>> -> memref<128xi32, #tpu.memory_space<vmem>>
      %dma_wait3A_200 = arith.constant 0 : i32
      %dma_wait3A_201 = arith.constant 0 : i32
      %dma_wait3A_202 = tpu.memref_slice %arg16[%dma_wait3A_200, %dma_wait3A_201] : memref<10112x64xf32, #tpu.memory_space<vmem_shared>> -> memref<10112x64xf32, #tpu.memory_space<vmem_shared>>
      tpu.wait_indirect_dma semaphore(%arg19 : memref<!tpu.dma_semaphore, #tpu.memory_space<semaphore_mem>>) src(%dma_wait3A_202 : memref<10112x64xf32, #tpu.memory_space<vmem_shared>>) dst(%arg12 : memref<128x64xf32, #tpu.memory_space<vmem>>)
      %dma_start3A_203 = arith.constant 0 : i32
      %dma_start3A_204 = tpu.memref_slice %arg8[%add3A_196, %dma_start3A_203] : memref<40x128xi32, #tpu.memory_space<vmem>> -> memref<1x128xi32, #tpu.memory_space<vmem>>
      %dma_start3A_205 = tpu.memref_squeeze %dma_start3A_204 : memref<1x128xi32, #tpu.memory_space<vmem>> -> memref<128xi32, #tpu.memory_space<vmem>>
      %dma_start3A_206 = arith.constant 0 : i32
      %dma_start3A_207 = arith.constant 0 : i32
      %dma_start3A_208 = tpu.memref_slice %arg17[%dma_start3A_206, %dma_start3A_207] : memref<10112x64xf32, #tpu.memory_space<vmem_shared>> -> memref<10112x64xf32, #tpu.memory_space<vmem_shared>>
      tpu.enqueue_indirect_dma source(%arg12 : memref<128x64xf32, #tpu.memory_space<vmem>>) target(%dma_start3A_208 : memref<10112x64xf32, #tpu.memory_space<vmem_shared>>) offsets(%dma_start3A_205 : memref<128xi32, #tpu.memory_space<vmem>>) semaphore(%arg23 : memref<!tpu.dma_semaphore, #tpu.memory_space<semaphore_mem>>) {add = true}
      %add3A_209 = arith.constant 2 : i32
      %add3A_210 = arith.addi %mul3A_180, %add3A_209 : i32
      %dma_wait3A_211 = arith.constant 0 : i32
      %dma_wait3A_212 = tpu.memref_slice %arg7[%add3A_210, %dma_wait3A_211] : memref<40x128xi32, #tpu.memory_space<vmem>> -> memref<1x128xi32, #tpu.memory_space<vmem>>
      %dma_wait3A_213 = tpu.memref_squeeze %dma_wait3A_212 : memref<1x128xi32, #tpu.memory_space<vmem>> -> memref<128xi32, #tpu.memory_space<vmem>>
      %dma_wait3A_214 = arith.constant 0 : i32
      %dma_wait3A_215 = arith.constant 0 : i32
      %dma_wait3A_216 = tpu.memref_slice %arg16[%dma_wait3A_214, %dma_wait3A_215] : memref<10112x64xf32, #tpu.memory_space<vmem_shared>> -> memref<10112x64xf32, #tpu.memory_space<vmem_shared>>
      tpu.wait_indirect_dma semaphore(%arg20 : memref<!tpu.dma_semaphore, #tpu.memory_space<semaphore_mem>>) src(%dma_wait3A_216 : memref<10112x64xf32, #tpu.memory_space<vmem_shared>>) dst(%arg13 : memref<128x64xf32, #tpu.memory_space<vmem>>)
      %dma_start3A_217 = arith.constant 0 : i32
      %dma_start3A_218 = tpu.memref_slice %arg8[%add3A_210, %dma_start3A_217] : memref<40x128xi32, #tpu.memory_space<vmem>> -> memref<1x128xi32, #tpu.memory_space<vmem>>
      %dma_start3A_219 = tpu.memref_squeeze %dma_start3A_218 : memref<1x128xi32, #tpu.memory_space<vmem>> -> memref<128xi32, #tpu.memory_space<vmem>>
      %dma_start3A_220 = arith.constant 0 : i32
      %dma_start3A_221 = arith.constant 0 : i32
      %dma_start3A_222 = tpu.memref_slice %arg17[%dma_start3A_220, %dma_start3A_221] : memref<10112x64xf32, #tpu.memory_space<vmem_shared>> -> memref<10112x64xf32, #tpu.memory_space<vmem_shared>>
      tpu.enqueue_indirect_dma source(%arg13 : memref<128x64xf32, #tpu.memory_space<vmem>>) target(%dma_start3A_222 : memref<10112x64xf32, #tpu.memory_space<vmem_shared>>) offsets(%dma_start3A_219 : memref<128xi32, #tpu.memory_space<vmem>>) semaphore(%arg24 : memref<!tpu.dma_semaphore, #tpu.memory_space<semaphore_mem>>) {add = true}
      %add3A_223 = arith.constant 3 : i32
      %add3A_224 = arith.addi %mul3A_180, %add3A_223 : i32
      %dma_wait3A_225 = arith.constant 0 : i32
      %dma_wait3A_226 = tpu.memref_slice %arg7[%add3A_224, %dma_wait3A_225] : memref<40x128xi32, #tpu.memory_space<vmem>> -> memref<1x128xi32, #tpu.memory_space<vmem>>
      %dma_wait3A_227 = tpu.memref_squeeze %dma_wait3A_226 : memref<1x128xi32, #tpu.memory_space<vmem>> -> memref<128xi32, #tpu.memory_space<vmem>>
      %dma_wait3A_228 = arith.constant 0 : i32
      %dma_wait3A_229 = arith.constant 0 : i32
      %dma_wait3A_230 = tpu.memref_slice %arg16[%dma_wait3A_228, %dma_wait3A_229] : memref<10112x64xf32, #tpu.memory_space<vmem_shared>> -> memref<10112x64xf32, #tpu.memory_space<vmem_shared>>
      tpu.wait_indirect_dma semaphore(%arg21 : memref<!tpu.dma_semaphore, #tpu.memory_space<semaphore_mem>>) src(%dma_wait3A_230 : memref<10112x64xf32, #tpu.memory_space<vmem_shared>>) dst(%arg14 : memref<128x64xf32, #tpu.memory_space<vmem>>)
      %dma_start3A_231 = arith.constant 0 : i32
      %dma_start3A_232 = tpu.memref_slice %arg8[%add3A_224, %dma_start3A_231] : memref<40x128xi32, #tpu.memory_space<vmem>> -> memref<1x128xi32, #tpu.memory_space<vmem>>
      %dma_start3A_233 = tpu.memref_squeeze %dma_start3A_232 : memref<1x128xi32, #tpu.memory_space<vmem>> -> memref<128xi32, #tpu.memory_space<vmem>>
      %dma_start3A_234 = arith.constant 0 : i32
      %dma_start3A_235 = arith.constant 0 : i32
      %dma_start3A_236 = tpu.memref_slice %arg17[%dma_start3A_234, %dma_start3A_235] : memref<10112x64xf32, #tpu.memory_space<vmem_shared>> -> memref<10112x64xf32, #tpu.memory_space<vmem_shared>>
      tpu.enqueue_indirect_dma source(%arg14 : memref<128x64xf32, #tpu.memory_space<vmem>>) target(%dma_start3A_236 : memref<10112x64xf32, #tpu.memory_space<vmem_shared>>) offsets(%dma_start3A_233 : memref<128xi32, #tpu.memory_space<vmem>>) semaphore(%arg25 : memref<!tpu.dma_semaphore, #tpu.memory_space<semaphore_mem>>) {add = true}
      %add3A_237 = arith.constant 0 : i32
      %add3A_238 = arith.addi %mul3A_180, %add3A_237 : i32
      %dma_wait3A_239 = arith.constant 0 : i32
      %dma_wait3A_240 = tpu.memref_slice %arg8[%add3A_238, %dma_wait3A_239] : memref<40x128xi32, #tpu.memory_space<vmem>> -> memref<1x128xi32, #tpu.memory_space<vmem>>
      %dma_wait3A_241 = tpu.memref_squeeze %dma_wait3A_240 : memref<1x128xi32, #tpu.memory_space<vmem>> -> memref<128xi32, #tpu.memory_space<vmem>>
      %dma_wait3A_242 = arith.constant 0 : i32
      %dma_wait3A_243 = arith.constant 0 : i32
      %dma_wait3A_244 = tpu.memref_slice %arg17[%dma_wait3A_242, %dma_wait3A_243] : memref<10112x64xf32, #tpu.memory_space<vmem_shared>> -> memref<10112x64xf32, #tpu.memory_space<vmem_shared>>
      tpu.wait_indirect_dma semaphore(%arg22 : memref<!tpu.dma_semaphore, #tpu.memory_space<semaphore_mem>>) src(%arg11 : memref<128x64xf32, #tpu.memory_space<vmem>>) dst(%dma_wait3A_244 : memref<10112x64xf32, #tpu.memory_space<vmem_shared>>)
      %add3A_245 = arith.constant 4 : i32
      %add3A_246 = arith.addi %add3A_238, %add3A_245 : i32
      %lt3A = arith.constant 40 : i32
      %lt3A_247 = arith.cmpi slt, %add3A_246, %lt3A : i32
      %convert_element_type3A = arith.extui %lt3A_247 : i1 to i32
      %cond3A = arith.constant 0 : i32
      %cond3A_248 = arith.cmpi ne, %convert_element_type3A, %cond3A : i32
      scf.if %cond3A_248 {
        %add3A_294 = arith.constant 4 : i32
        %add3A_295 = arith.addi %add3A_238, %add3A_294 : i32
        %dma_start3A_296 = arith.constant 0 : i32
        %dma_start3A_297 = tpu.memref_slice %arg7[%add3A_295, %dma_start3A_296] : memref<40x128xi32, #tpu.memory_space<vmem>> -> memref<1x128xi32, #tpu.memory_space<vmem>>
        %dma_start3A_298 = tpu.memref_squeeze %dma_start3A_297 : memref<1x128xi32, #tpu.memory_space<vmem>> -> memref<128xi32, #tpu.memory_space<vmem>>
        %dma_start3A_299 = arith.constant 0 : i32
        %dma_start3A_300 = arith.constant 0 : i32
        %dma_start3A_301 = tpu.memref_slice %arg16[%dma_start3A_299, %dma_start3A_300] : memref<10112x64xf32, #tpu.memory_space<vmem_shared>> -> memref<10112x64xf32, #tpu.memory_space<vmem_shared>>
        tpu.enqueue_indirect_dma source(%dma_start3A_301 : memref<10112x64xf32, #tpu.memory_space<vmem_shared>>) target(%arg11 : memref<128x64xf32, #tpu.memory_space<vmem>>) offsets(%dma_start3A_298 : memref<128xi32, #tpu.memory_space<vmem>>) semaphore(%arg18 : memref<!tpu.dma_semaphore, #tpu.memory_space<semaphore_mem>>)
      } else {
      }
      %add3A_249 = arith.constant 1 : i32
      %add3A_250 = arith.addi %mul3A_180, %add3A_249 : i32
      %dma_wait3A_251 = arith.constant 0 : i32
      %dma_wait3A_252 = tpu.memref_slice %arg8[%add3A_250, %dma_wait3A_251] : memref<40x128xi32, #tpu.memory_space<vmem>> -> memref<1x128xi32, #tpu.memory_space<vmem>>
      %dma_wait3A_253 = tpu.memref_squeeze %dma_wait3A_252 : memref<1x128xi32, #tpu.memory_space<vmem>> -> memref<128xi32, #tpu.memory_space<vmem>>
      %dma_wait3A_254 = arith.constant 0 : i32
      %dma_wait3A_255 = arith.constant 0 : i32
      %dma_wait3A_256 = tpu.memref_slice %arg17[%dma_wait3A_254, %dma_wait3A_255] : memref<10112x64xf32, #tpu.memory_space<vmem_shared>> -> memref<10112x64xf32, #tpu.memory_space<vmem_shared>>
      tpu.wait_indirect_dma semaphore(%arg23 : memref<!tpu.dma_semaphore, #tpu.memory_space<semaphore_mem>>) src(%arg12 : memref<128x64xf32, #tpu.memory_space<vmem>>) dst(%dma_wait3A_256 : memref<10112x64xf32, #tpu.memory_space<vmem_shared>>)
      %add3A_257 = arith.constant 4 : i32
      %add3A_258 = arith.addi %add3A_250, %add3A_257 : i32
      %lt3A_259 = arith.constant 40 : i32
      %lt3A_260 = arith.cmpi slt, %add3A_258, %lt3A_259 : i32
      %convert_element_type3A_261 = arith.extui %lt3A_260 : i1 to i32
      %cond3A_262 = arith.constant 0 : i32
      %cond3A_263 = arith.cmpi ne, %convert_element_type3A_261, %cond3A_262 : i32
      scf.if %cond3A_263 {
        %add3A_294 = arith.constant 4 : i32
        %add3A_295 = arith.addi %add3A_250, %add3A_294 : i32
        %dma_start3A_296 = arith.constant 0 : i32
        %dma_start3A_297 = tpu.memref_slice %arg7[%add3A_295, %dma_start3A_296] : memref<40x128xi32, #tpu.memory_space<vmem>> -> memref<1x128xi32, #tpu.memory_space<vmem>>
        %dma_start3A_298 = tpu.memref_squeeze %dma_start3A_297 : memref<1x128xi32, #tpu.memory_space<vmem>> -> memref<128xi32, #tpu.memory_space<vmem>>
        %dma_start3A_299 = arith.constant 0 : i32
        %dma_start3A_300 = arith.constant 0 : i32
        %dma_start3A_301 = tpu.memref_slice %arg16[%dma_start3A_299, %dma_start3A_300] : memref<10112x64xf32, #tpu.memory_space<vmem_shared>> -> memref<10112x64xf32, #tpu.memory_space<vmem_shared>>
        tpu.enqueue_indirect_dma source(%dma_start3A_301 : memref<10112x64xf32, #tpu.memory_space<vmem_shared>>) target(%arg12 : memref<128x64xf32, #tpu.memory_space<vmem>>) offsets(%dma_start3A_298 : memref<128xi32, #tpu.memory_space<vmem>>) semaphore(%arg19 : memref<!tpu.dma_semaphore, #tpu.memory_space<semaphore_mem>>)
      } else {
      }
      %add3A_264 = arith.constant 2 : i32
      %add3A_265 = arith.addi %mul3A_180, %add3A_264 : i32
      %dma_wait3A_266 = arith.constant 0 : i32
      %dma_wait3A_267 = tpu.memref_slice %arg8[%add3A_265, %dma_wait3A_266] : memref<40x128xi32, #tpu.memory_space<vmem>> -> memref<1x128xi32, #tpu.memory_space<vmem>>
      %dma_wait3A_268 = tpu.memref_squeeze %dma_wait3A_267 : memref<1x128xi32, #tpu.memory_space<vmem>> -> memref<128xi32, #tpu.memory_space<vmem>>
      %dma_wait3A_269 = arith.constant 0 : i32
      %dma_wait3A_270 = arith.constant 0 : i32
      %dma_wait3A_271 = tpu.memref_slice %arg17[%dma_wait3A_269, %dma_wait3A_270] : memref<10112x64xf32, #tpu.memory_space<vmem_shared>> -> memref<10112x64xf32, #tpu.memory_space<vmem_shared>>
      tpu.wait_indirect_dma semaphore(%arg24 : memref<!tpu.dma_semaphore, #tpu.memory_space<semaphore_mem>>) src(%arg13 : memref<128x64xf32, #tpu.memory_space<vmem>>) dst(%dma_wait3A_271 : memref<10112x64xf32, #tpu.memory_space<vmem_shared>>)
      %add3A_272 = arith.constant 4 : i32
      %add3A_273 = arith.addi %add3A_265, %add3A_272 : i32
      %lt3A_274 = arith.constant 40 : i32
      %lt3A_275 = arith.cmpi slt, %add3A_273, %lt3A_274 : i32
      %convert_element_type3A_276 = arith.extui %lt3A_275 : i1 to i32
      %cond3A_277 = arith.constant 0 : i32
      %cond3A_278 = arith.cmpi ne, %convert_element_type3A_276, %cond3A_277 : i32
      scf.if %cond3A_278 {
        %add3A_294 = arith.constant 4 : i32
        %add3A_295 = arith.addi %add3A_265, %add3A_294 : i32
        %dma_start3A_296 = arith.constant 0 : i32
        %dma_start3A_297 = tpu.memref_slice %arg7[%add3A_295, %dma_start3A_296] : memref<40x128xi32, #tpu.memory_space<vmem>> -> memref<1x128xi32, #tpu.memory_space<vmem>>
        %dma_start3A_298 = tpu.memref_squeeze %dma_start3A_297 : memref<1x128xi32, #tpu.memory_space<vmem>> -> memref<128xi32, #tpu.memory_space<vmem>>
        %dma_start3A_299 = arith.constant 0 : i32
        %dma_start3A_300 = arith.constant 0 : i32
        %dma_start3A_301 = tpu.memref_slice %arg16[%dma_start3A_299, %dma_start3A_300] : memref<10112x64xf32, #tpu.memory_space<vmem_shared>> -> memref<10112x64xf32, #tpu.memory_space<vmem_shared>>
        tpu.enqueue_indirect_dma source(%dma_start3A_301 : memref<10112x64xf32, #tpu.memory_space<vmem_shared>>) target(%arg13 : memref<128x64xf32, #tpu.memory_space<vmem>>) offsets(%dma_start3A_298 : memref<128xi32, #tpu.memory_space<vmem>>) semaphore(%arg20 : memref<!tpu.dma_semaphore, #tpu.memory_space<semaphore_mem>>)
      } else {
      }
      %add3A_279 = arith.constant 3 : i32
      %add3A_280 = arith.addi %mul3A_180, %add3A_279 : i32
      %dma_wait3A_281 = arith.constant 0 : i32
      %dma_wait3A_282 = tpu.memref_slice %arg8[%add3A_280, %dma_wait3A_281] : memref<40x128xi32, #tpu.memory_space<vmem>> -> memref<1x128xi32, #tpu.memory_space<vmem>>
      %dma_wait3A_283 = tpu.memref_squeeze %dma_wait3A_282 : memref<1x128xi32, #tpu.memory_space<vmem>> -> memref<128xi32, #tpu.memory_space<vmem>>
      %dma_wait3A_284 = arith.constant 0 : i32
      %dma_wait3A_285 = arith.constant 0 : i32
      %dma_wait3A_286 = tpu.memref_slice %arg17[%dma_wait3A_284, %dma_wait3A_285] : memref<10112x64xf32, #tpu.memory_space<vmem_shared>> -> memref<10112x64xf32, #tpu.memory_space<vmem_shared>>
      tpu.wait_indirect_dma semaphore(%arg25 : memref<!tpu.dma_semaphore, #tpu.memory_space<semaphore_mem>>) src(%arg14 : memref<128x64xf32, #tpu.memory_space<vmem>>) dst(%dma_wait3A_286 : memref<10112x64xf32, #tpu.memory_space<vmem_shared>>)
      %add3A_287 = arith.constant 4 : i32
      %add3A_288 = arith.addi %add3A_280, %add3A_287 : i32
      %lt3A_289 = arith.constant 40 : i32
      %lt3A_290 = arith.cmpi slt, %add3A_288, %lt3A_289 : i32
      %convert_element_type3A_291 = arith.extui %lt3A_290 : i1 to i32
      %cond3A_292 = arith.constant 0 : i32
      %cond3A_293 = arith.cmpi ne, %convert_element_type3A_291, %cond3A_292 : i32
      scf.if %cond3A_293 {
        %add3A_294 = arith.constant 4 : i32
        %add3A_295 = arith.addi %add3A_280, %add3A_294 : i32
        %dma_start3A_296 = arith.constant 0 : i32
        %dma_start3A_297 = tpu.memref_slice %arg7[%add3A_295, %dma_start3A_296] : memref<40x128xi32, #tpu.memory_space<vmem>> -> memref<1x128xi32, #tpu.memory_space<vmem>>
        %dma_start3A_298 = tpu.memref_squeeze %dma_start3A_297 : memref<1x128xi32, #tpu.memory_space<vmem>> -> memref<128xi32, #tpu.memory_space<vmem>>
        %dma_start3A_299 = arith.constant 0 : i32
        %dma_start3A_300 = arith.constant 0 : i32
        %dma_start3A_301 = tpu.memref_slice %arg16[%dma_start3A_299, %dma_start3A_300] : memref<10112x64xf32, #tpu.memory_space<vmem_shared>> -> memref<10112x64xf32, #tpu.memory_space<vmem_shared>>
        tpu.enqueue_indirect_dma source(%dma_start3A_301 : memref<10112x64xf32, #tpu.memory_space<vmem_shared>>) target(%arg14 : memref<128x64xf32, #tpu.memory_space<vmem>>) offsets(%dma_start3A_298 : memref<128xi32, #tpu.memory_space<vmem>>) semaphore(%arg21 : memref<!tpu.dma_semaphore, #tpu.memory_space<semaphore_mem>>)
      } else {
      }
    }
    %scan3A_176 = arith.constant 10 : i32
    %barrier3A_177 = arith.constant 0 : index
    tpu.barrier barrier_id(%barrier3A_177)
    "tpu.region"() ({
      %run_scoped3A_178 = tpu.sem_alloc : memref<!tpu.dma_semaphore, #tpu.memory_space<semaphore_mem>>
      %dma_start3A_179 = arith.constant 0 : i32
      %dma_start3A_180 = tpu.memref_slice %arg6[%arg0, %mul3A_2, %dma_start3A_179] : memref<2x10112x64xf32, #tpu.memory_space<hbm>> -> memref<1x632x64xf32, #tpu.memory_space<hbm>>
      %dma_start3A_181 = tpu.memref_squeeze %dma_start3A_180 : memref<1x632x64xf32, #tpu.memory_space<hbm>> -> memref<632x64xf32, #tpu.memory_space<hbm>>
      %dma_start3A_182 = arith.constant 0 : i32
      %dma_start3A_183 = tpu.memref_slice %arg17[%mul3A_2, %dma_start3A_182] : memref<10112x64xf32, #tpu.memory_space<vmem_shared>> -> memref<632x64xf32, #tpu.memory_space<vmem_shared>>
      tpu.enqueue_dma source(%dma_start3A_183 : memref<632x64xf32, #tpu.memory_space<vmem_shared>>) target(%dma_start3A_181 : memref<632x64xf32, #tpu.memory_space<hbm>>) target_semaphore(%run_scoped3A_178 : memref<!tpu.dma_semaphore, #tpu.memory_space<semaphore_mem>>)
      %dma_wait3A_184 = arith.constant 0 : i32
      %dma_wait3A_185 = tpu.memref_slice %arg6[%arg0, %mul3A_2, %dma_wait3A_184] : memref<2x10112x64xf32, #tpu.memory_space<hbm>> -> memref<1x632x64xf32, #tpu.memory_space<hbm>>
      %dma_wait3A_186 = tpu.memref_squeeze %dma_wait3A_185 : memref<1x632x64xf32, #tpu.memory_space<hbm>> -> memref<632x64xf32, #tpu.memory_space<hbm>>
      %dma_wait3A_187 = arith.constant 0 : i32
      %dma_wait3A_188 = tpu.memref_slice %arg17[%mul3A_2, %dma_wait3A_187] : memref<10112x64xf32, #tpu.memory_space<vmem_shared>> -> memref<632x64xf32, #tpu.memory_space<vmem_shared>>
      tpu.wait_dma2 semaphore(%run_scoped3A_178 : memref<!tpu.dma_semaphore, #tpu.memory_space<semaphore_mem>>) src(%dma_wait3A_188 : memref<632x64xf32, #tpu.memory_space<vmem_shared>>) dst(%dma_wait3A_186 : memref<632x64xf32, #tpu.memory_space<hbm>>)
      tpu.yield
    }) : () -> ()
    return
  }
}

#map = affine_map<(d0, d1) -> (0, 0, 0)>
#map1 = affine_map<(d0, d1) -> (0, 0)>
module attributes {stable_mosaic.version = 14 : i64} {
  func.func @propagate(%arg0: i32, %arg1: i32, %arg2: memref<2x10112x64xf32, #tpu.memory_space<hbm>>, %arg3: memref<2x1280x128xi32, #tpu.memory_space<hbm>>, %arg4: memref<16x4x128xi32, #tpu.memory_space<hbm>>, %arg5: memref<16x120xi32, #tpu.memory_space<hbm>>, %arg6: memref<2x10112x64xf32, #tpu.memory_space<hbm>>, %arg7: memref<40x128xi32, #tpu.memory_space<vmem>>, %arg8: memref<40x128xi32, #tpu.memory_space<vmem>>, %arg9: memref<4x128xi32, #tpu.memory_space<vmem>>, %arg10: memref<120xi32, #tpu.memory_space<vmem>>, %arg11: memref<128x64xf32, #tpu.memory_space<vmem>>, %arg12: memref<128x64xf32, #tpu.memory_space<vmem>>, %arg13: memref<128x64xf32, #tpu.memory_space<vmem>>, %arg14: memref<128x64xf32, #tpu.memory_space<vmem>>, %arg15: memref<64x64xf32, #tpu.memory_space<vmem>>, %arg16: memref<10112x64xf32, #tpu.memory_space<vmem_shared>>, %arg17: memref<10112x64xf32, #tpu.memory_space<vmem_shared>>, %arg18: memref<!tpu.dma_semaphore, #tpu.memory_space<semaphore_mem>>, %arg19: memref<!tpu.dma_semaphore, #tpu.memory_space<semaphore_mem>>, %arg20: memref<!tpu.dma_semaphore, #tpu.memory_space<semaphore_mem>>, %arg21: memref<!tpu.dma_semaphore, #tpu.memory_space<semaphore_mem>>, %arg22: memref<!tpu.dma_semaphore, #tpu.memory_space<semaphore_mem>>, %arg23: memref<!tpu.dma_semaphore, #tpu.memory_space<semaphore_mem>>, %arg24: memref<!tpu.dma_semaphore, #tpu.memory_space<semaphore_mem>>, %arg25: memref<!tpu.dma_semaphore, #tpu.memory_space<semaphore_mem>>) attributes {dimension_semantics = [#tpu.dimension_semantics<core_parallel>, #tpu.dimension_semantics<subcore_parallel>], iteration_bounds = array<i64: 2, 16>, scalar_prefetch = 0 : i64, scratch_operands = 19 : i64, tpu.core_type = #tpu.core_type<sc_vector_subcore>, window_params = [{transform_indices = #map}, {transform_indices = #map}, {transform_indices = #map}, {transform_indices = #map1}, {transform_indices = #map}]} {
    %mul3A = arith.constant 2 : i32
    %mul3A_0 = arith.muli %arg1, %mul3A : i32
    %add3A = arith.addi %mul3A_0, %arg0 : i32
    %mul3A_1 = arith.constant 632 : i32
    %mul3A_2 = arith.muli %arg1, %mul3A_1 : i32
    %scan3A = arith.constant 0 : i32
    %scan3A_3 = arith.constant 0 : i32
    %scan3A_4 = arith.constant 64 : i32
    %scan3A_5 = arith.addi %scan3A_3, %scan3A_4 : i32
    %scan3A_6 = arith.constant 1 : i32
    scf.for %scan3A_286 = %scan3A_3 to %scan3A_5 step %scan3A_6  : i32 {
      %broadcast_in_dim3A = arith.constant 0.000000e+00 : f32
      %broadcast_in_dim3A_287 = vector.broadcast %broadcast_in_dim3A : f32 to vector<16xf32>
      %swap3A = arith.index_cast %scan3A_286 : i32 to index
      %swap3A_288 = arith.constant 0 : index
      %swap3A_289 = tpu.vector_load %arg15[%swap3A, %swap3A_288] {strides = array<i32>} : memref<64x64xf32, #tpu.memory_space<vmem>>, vector<1x16xf32>,
      %swap3A_290 = vector.shape_cast %swap3A_289 : vector<1x16xf32> to vector<16xf32>
      %swap3A_291 = vector.shape_cast %broadcast_in_dim3A_287 : vector<16xf32> to vector<1x16xf32>
      tpu.vector_store %arg15[%swap3A, %swap3A_288], %swap3A_291 {strides = array<i32>} : memref<64x64xf32, #tpu.memory_space<vmem>>, vector<1x16xf32>,
      %broadcast_in_dim3A_292 = arith.constant 0.000000e+00 : f32
      %broadcast_in_dim3A_293 = vector.broadcast %broadcast_in_dim3A_292 : f32 to vector<16xf32>
      %swap3A_294 = arith.index_cast %scan3A_286 : i32 to index
      %swap3A_295 = arith.constant 16 : index
      %swap3A_296 = tpu.vector_load %arg15[%swap3A_294, %swap3A_295] {strides = array<i32>} : memref<64x64xf32, #tpu.memory_space<vmem>>, vector<1x16xf32>,
      %swap3A_297 = vector.shape_cast %swap3A_296 : vector<1x16xf32> to vector<16xf32>
      %swap3A_298 = vector.shape_cast %broadcast_in_dim3A_293 : vector<16xf32> to vector<1x16xf32>
      tpu.vector_store %arg15[%swap3A_294, %swap3A_295], %swap3A_298 {strides = array<i32>} : memref<64x64xf32, #tpu.memory_space<vmem>>, vector<1x16xf32>,
      %broadcast_in_dim3A_299 = arith.constant 0.000000e+00 : f32
      %broadcast_in_dim3A_300 = vector.broadcast %broadcast_in_dim3A_299 : f32 to vector<16xf32>
      %swap3A_301 = arith.index_cast %scan3A_286 : i32 to index
      %swap3A_302 = arith.constant 32 : index
      %swap3A_303 = tpu.vector_load %arg15[%swap3A_301, %swap3A_302] {strides = array<i32>} : memref<64x64xf32, #tpu.memory_space<vmem>>, vector<1x16xf32>,
      %swap3A_304 = vector.shape_cast %swap3A_303 : vector<1x16xf32> to vector<16xf32>
      %swap3A_305 = vector.shape_cast %broadcast_in_dim3A_300 : vector<16xf32> to vector<1x16xf32>
      tpu.vector_store %arg15[%swap3A_301, %swap3A_302], %swap3A_305 {strides = array<i32>} : memref<64x64xf32, #tpu.memory_space<vmem>>, vector<1x16xf32>,
      %broadcast_in_dim3A_306 = arith.constant 0.000000e+00 : f32
      %broadcast_in_dim3A_307 = vector.broadcast %broadcast_in_dim3A_306 : f32 to vector<16xf32>
      %swap3A_308 = arith.index_cast %scan3A_286 : i32 to index
      %swap3A_309 = arith.constant 48 : index
      %swap3A_310 = tpu.vector_load %arg15[%swap3A_308, %swap3A_309] {strides = array<i32>} : memref<64x64xf32, #tpu.memory_space<vmem>>, vector<1x16xf32>,
      %swap3A_311 = vector.shape_cast %swap3A_310 : vector<1x16xf32> to vector<16xf32>
      %swap3A_312 = vector.shape_cast %broadcast_in_dim3A_307 : vector<16xf32> to vector<1x16xf32>
      tpu.vector_store %arg15[%swap3A_308, %swap3A_309], %swap3A_312 {strides = array<i32>} : memref<64x64xf32, #tpu.memory_space<vmem>>, vector<1x16xf32>,
    }
    %scan3A_7 = arith.constant 64 : i32
    %add3A_8 = arith.constant 0 : i32
    %add3A_9 = arith.addi %mul3A_2, %add3A_8 : i32
    %dma_start3A = arith.constant 0 : i32
    %dma_start3A_10 = tpu.memref_slice %arg17[%add3A_9, %dma_start3A] : memref<10112x64xf32, #tpu.memory_space<vmem_shared>> -> memref<64x64xf32, #tpu.memory_space<vmem_shared>>
    %dma_start3A_11 = arith.constant 0 : i32
    %dma_start3A_12 = tpu.memref_slice %arg17[%add3A_9, %dma_start3A_11] : memref<10112x64xf32, #tpu.memory_space<vmem_shared>> -> memref<64x64xf32, #tpu.memory_space<vmem_shared>>
    tpu.enqueue_dma source(%arg15 : memref<64x64xf32, #tpu.memory_space<vmem>>) target(%dma_start3A_12 : memref<64x64xf32, #tpu.memory_space<vmem_shared>>) target_semaphore(%arg25 : memref<!tpu.dma_semaphore, #tpu.memory_space<semaphore_mem>>)
    %add3A_13 = arith.constant 64 : i32
    %add3A_14 = arith.addi %mul3A_2, %add3A_13 : i32
    %dma_start3A_15 = arith.constant 0 : i32
    %dma_start3A_16 = tpu.memref_slice %arg17[%add3A_14, %dma_start3A_15] : memref<10112x64xf32, #tpu.memory_space<vmem_shared>> -> memref<64x64xf32, #tpu.memory_space<vmem_shared>>
    %dma_start3A_17 = arith.constant 0 : i32
    %dma_start3A_18 = tpu.memref_slice %arg17[%add3A_14, %dma_start3A_17] : memref<10112x64xf32, #tpu.memory_space<vmem_shared>> -> memref<64x64xf32, #tpu.memory_space<vmem_shared>>
    tpu.enqueue_dma source(%arg15 : memref<64x64xf32, #tpu.memory_space<vmem>>) target(%dma_start3A_18 : memref<64x64xf32, #tpu.memory_space<vmem_shared>>) target_semaphore(%arg25 : memref<!tpu.dma_semaphore, #tpu.memory_space<semaphore_mem>>)
    %add3A_19 = arith.constant 128 : i32
    %add3A_20 = arith.addi %mul3A_2, %add3A_19 : i32
    %dma_start3A_21 = arith.constant 0 : i32
    %dma_start3A_22 = tpu.memref_slice %arg17[%add3A_20, %dma_start3A_21] : memref<10112x64xf32, #tpu.memory_space<vmem_shared>> -> memref<64x64xf32, #tpu.memory_space<vmem_shared>>
    %dma_start3A_23 = arith.constant 0 : i32
    %dma_start3A_24 = tpu.memref_slice %arg17[%add3A_20, %dma_start3A_23] : memref<10112x64xf32, #tpu.memory_space<vmem_shared>> -> memref<64x64xf32, #tpu.memory_space<vmem_shared>>
    tpu.enqueue_dma source(%arg15 : memref<64x64xf32, #tpu.memory_space<vmem>>) target(%dma_start3A_24 : memref<64x64xf32, #tpu.memory_space<vmem_shared>>) target_semaphore(%arg25 : memref<!tpu.dma_semaphore, #tpu.memory_space<semaphore_mem>>)
    %add3A_25 = arith.constant 192 : i32
    %add3A_26 = arith.addi %mul3A_2, %add3A_25 : i32
    %dma_start3A_27 = arith.constant 0 : i32
    %dma_start3A_28 = tpu.memref_slice %arg17[%add3A_26, %dma_start3A_27] : memref<10112x64xf32, #tpu.memory_space<vmem_shared>> -> memref<64x64xf32, #tpu.memory_space<vmem_shared>>
    %dma_start3A_29 = arith.constant 0 : i32
    %dma_start3A_30 = tpu.memref_slice %arg17[%add3A_26, %dma_start3A_29] : memref<10112x64xf32, #tpu.memory_space<vmem_shared>> -> memref<64x64xf32, #tpu.memory_space<vmem_shared>>
    tpu.enqueue_dma source(%arg15 : memref<64x64xf32, #tpu.memory_space<vmem>>) target(%dma_start3A_30 : memref<64x64xf32, #tpu.memory_space<vmem_shared>>) target_semaphore(%arg25 : memref<!tpu.dma_semaphore, #tpu.memory_space<semaphore_mem>>)
    %add3A_31 = arith.constant 256 : i32
    %add3A_32 = arith.addi %mul3A_2, %add3A_31 : i32
    %dma_start3A_33 = arith.constant 0 : i32
    %dma_start3A_34 = tpu.memref_slice %arg17[%add3A_32, %dma_start3A_33] : memref<10112x64xf32, #tpu.memory_space<vmem_shared>> -> memref<64x64xf32, #tpu.memory_space<vmem_shared>>
    %dma_start3A_35 = arith.constant 0 : i32
    %dma_start3A_36 = tpu.memref_slice %arg17[%add3A_32, %dma_start3A_35] : memref<10112x64xf32, #tpu.memory_space<vmem_shared>> -> memref<64x64xf32, #tpu.memory_space<vmem_shared>>
    tpu.enqueue_dma source(%arg15 : memref<64x64xf32, #tpu.memory_space<vmem>>) target(%dma_start3A_36 : memref<64x64xf32, #tpu.memory_space<vmem_shared>>) target_semaphore(%arg25 : memref<!tpu.dma_semaphore, #tpu.memory_space<semaphore_mem>>)
    %add3A_37 = arith.constant 320 : i32
    %add3A_38 = arith.addi %mul3A_2, %add3A_37 : i32
    %dma_start3A_39 = arith.constant 0 : i32
    %dma_start3A_40 = tpu.memref_slice %arg17[%add3A_38, %dma_start3A_39] : memref<10112x64xf32, #tpu.memory_space<vmem_shared>> -> memref<64x64xf32, #tpu.memory_space<vmem_shared>>
    %dma_start3A_41 = arith.constant 0 : i32
    %dma_start3A_42 = tpu.memref_slice %arg17[%add3A_38, %dma_start3A_41] : memref<10112x64xf32, #tpu.memory_space<vmem_shared>> -> memref<64x64xf32, #tpu.memory_space<vmem_shared>>
    tpu.enqueue_dma source(%arg15 : memref<64x64xf32, #tpu.memory_space<vmem>>) target(%dma_start3A_42 : memref<64x64xf32, #tpu.memory_space<vmem_shared>>) target_semaphore(%arg25 : memref<!tpu.dma_semaphore, #tpu.memory_space<semaphore_mem>>)
    %add3A_43 = arith.constant 384 : i32
    %add3A_44 = arith.addi %mul3A_2, %add3A_43 : i32
    %dma_start3A_45 = arith.constant 0 : i32
    %dma_start3A_46 = tpu.memref_slice %arg17[%add3A_44, %dma_start3A_45] : memref<10112x64xf32, #tpu.memory_space<vmem_shared>> -> memref<64x64xf32, #tpu.memory_space<vmem_shared>>
    %dma_start3A_47 = arith.constant 0 : i32
    %dma_start3A_48 = tpu.memref_slice %arg17[%add3A_44, %dma_start3A_47] : memref<10112x64xf32, #tpu.memory_space<vmem_shared>> -> memref<64x64xf32, #tpu.memory_space<vmem_shared>>
    tpu.enqueue_dma source(%arg15 : memref<64x64xf32, #tpu.memory_space<vmem>>) target(%dma_start3A_48 : memref<64x64xf32, #tpu.memory_space<vmem_shared>>) target_semaphore(%arg25 : memref<!tpu.dma_semaphore, #tpu.memory_space<semaphore_mem>>)
    %add3A_49 = arith.constant 448 : i32
    %add3A_50 = arith.addi %mul3A_2, %add3A_49 : i32
    %dma_start3A_51 = arith.constant 0 : i32
    %dma_start3A_52 = tpu.memref_slice %arg17[%add3A_50, %dma_start3A_51] : memref<10112x64xf32, #tpu.memory_space<vmem_shared>> -> memref<64x64xf32, #tpu.memory_space<vmem_shared>>
    %dma_start3A_53 = arith.constant 0 : i32
    %dma_start3A_54 = tpu.memref_slice %arg17[%add3A_50, %dma_start3A_53] : memref<10112x64xf32, #tpu.memory_space<vmem_shared>> -> memref<64x64xf32, #tpu.memory_space<vmem_shared>>
    tpu.enqueue_dma source(%arg15 : memref<64x64xf32, #tpu.memory_space<vmem>>) target(%dma_start3A_54 : memref<64x64xf32, #tpu.memory_space<vmem_shared>>) target_semaphore(%arg25 : memref<!tpu.dma_semaphore, #tpu.memory_space<semaphore_mem>>)
    %add3A_55 = arith.constant 512 : i32
    %add3A_56 = arith.addi %mul3A_2, %add3A_55 : i32
    %dma_start3A_57 = arith.constant 0 : i32
    %dma_start3A_58 = tpu.memref_slice %arg17[%add3A_56, %dma_start3A_57] : memref<10112x64xf32, #tpu.memory_space<vmem_shared>> -> memref<64x64xf32, #tpu.memory_space<vmem_shared>>
    %dma_start3A_59 = arith.constant 0 : i32
    %dma_start3A_60 = tpu.memref_slice %arg17[%add3A_56, %dma_start3A_59] : memref<10112x64xf32, #tpu.memory_space<vmem_shared>> -> memref<64x64xf32, #tpu.memory_space<vmem_shared>>
    tpu.enqueue_dma source(%arg15 : memref<64x64xf32, #tpu.memory_space<vmem>>) target(%dma_start3A_60 : memref<64x64xf32, #tpu.memory_space<vmem_shared>>) target_semaphore(%arg25 : memref<!tpu.dma_semaphore, #tpu.memory_space<semaphore_mem>>)
    %add3A_61 = arith.constant 576 : i32
    %add3A_62 = arith.addi %mul3A_2, %add3A_61 : i32
    %dma_start3A_63 = arith.constant 0 : i32
    %dma_start3A_64 = arith.constant 0 : i32
    %dma_start3A_65 = tpu.memref_slice %arg15[%dma_start3A_63, %dma_start3A_64] : memref<64x64xf32, #tpu.memory_space<vmem>> -> memref<56x64xf32, #tpu.memory_space<vmem>>
    %dma_start3A_66 = arith.constant 0 : i32
    %dma_start3A_67 = tpu.memref_slice %arg17[%add3A_62, %dma_start3A_66] : memref<10112x64xf32, #tpu.memory_space<vmem_shared>> -> memref<56x64xf32, #tpu.memory_space<vmem_shared>>
    %dma_start3A_68 = arith.constant 0 : i32
    %dma_start3A_69 = tpu.memref_slice %arg17[%add3A_62, %dma_start3A_68] : memref<10112x64xf32, #tpu.memory_space<vmem_shared>> -> memref<56x64xf32, #tpu.memory_space<vmem_shared>>
    %dma_start3A_70 = arith.constant 0 : i32
    %dma_start3A_71 = arith.constant 0 : i32
    %dma_start3A_72 = tpu.memref_slice %arg15[%dma_start3A_70, %dma_start3A_71] : memref<64x64xf32, #tpu.memory_space<vmem>> -> memref<56x64xf32, #tpu.memory_space<vmem>>
    tpu.enqueue_dma source(%dma_start3A_72 : memref<56x64xf32, #tpu.memory_space<vmem>>) target(%dma_start3A_69 : memref<56x64xf32, #tpu.memory_space<vmem_shared>>) target_semaphore(%arg25 : memref<!tpu.dma_semaphore, #tpu.memory_space<semaphore_mem>>)
    %add3A_73 = arith.constant 0 : i32
    %add3A_74 = arith.addi %mul3A_2, %add3A_73 : i32
    %dma_start3A_75 = arith.constant 1 : i32
    %dma_start3A_76 = arith.constant 0 : i32
    %dma_start3A_77 = tpu.memref_slice %arg2[%dma_start3A_75, %add3A_74, %dma_start3A_76] : memref<2x10112x64xf32, #tpu.memory_space<hbm>> -> memref<1x128x64xf32, #tpu.memory_space<hbm>>
    %dma_start3A_78 = tpu.memref_squeeze %dma_start3A_77 : memref<1x128x64xf32, #tpu.memory_space<hbm>> -> memref<128x64xf32, #tpu.memory_space<hbm>>
    %dma_start3A_79 = arith.constant 0 : i32
    %dma_start3A_80 = tpu.memref_slice %arg2[%dma_start3A_75, %add3A_74, %dma_start3A_79] : memref<2x10112x64xf32, #tpu.memory_space<hbm>> -> memref<1x128x64xf32, #tpu.memory_space<hbm>>
    %dma_start3A_81 = tpu.memref_squeeze %dma_start3A_80 : memref<1x128x64xf32, #tpu.memory_space<hbm>> -> memref<128x64xf32, #tpu.memory_space<hbm>>
    tpu.enqueue_dma source(%dma_start3A_81 : memref<128x64xf32, #tpu.memory_space<hbm>>) target(%arg11 : memref<128x64xf32, #tpu.memory_space<vmem>>) target_semaphore(%arg18 : memref<!tpu.dma_semaphore, #tpu.memory_space<semaphore_mem>>)
    %add3A_82 = arith.constant 128 : i32
    %add3A_83 = arith.addi %mul3A_2, %add3A_82 : i32
    %dma_start3A_84 = arith.constant 1 : i32
    %dma_start3A_85 = arith.constant 0 : i32
    %dma_start3A_86 = tpu.memref_slice %arg2[%dma_start3A_84, %add3A_83, %dma_start3A_85] : memref<2x10112x64xf32, #tpu.memory_space<hbm>> -> memref<1x128x64xf32, #tpu.memory_space<hbm>>
    %dma_start3A_87 = tpu.memref_squeeze %dma_start3A_86 : memref<1x128x64xf32, #tpu.memory_space<hbm>> -> memref<128x64xf32, #tpu.memory_space<hbm>>
    %dma_start3A_88 = arith.constant 0 : i32
    %dma_start3A_89 = tpu.memref_slice %arg2[%dma_start3A_84, %add3A_83, %dma_start3A_88] : memref<2x10112x64xf32, #tpu.memory_space<hbm>> -> memref<1x128x64xf32, #tpu.memory_space<hbm>>
    %dma_start3A_90 = tpu.memref_squeeze %dma_start3A_89 : memref<1x128x64xf32, #tpu.memory_space<hbm>> -> memref<128x64xf32, #tpu.memory_space<hbm>>
    tpu.enqueue_dma source(%dma_start3A_90 : memref<128x64xf32, #tpu.memory_space<hbm>>) target(%arg12 : memref<128x64xf32, #tpu.memory_space<vmem>>) target_semaphore(%arg19 : memref<!tpu.dma_semaphore, #tpu.memory_space<semaphore_mem>>)
    %add3A_91 = arith.constant 256 : i32
    %add3A_92 = arith.addi %mul3A_2, %add3A_91 : i32
    %dma_start3A_93 = arith.constant 1 : i32
    %dma_start3A_94 = arith.constant 0 : i32
    %dma_start3A_95 = tpu.memref_slice %arg2[%dma_start3A_93, %add3A_92, %dma_start3A_94] : memref<2x10112x64xf32, #tpu.memory_space<hbm>> -> memref<1x128x64xf32, #tpu.memory_space<hbm>>
    %dma_start3A_96 = tpu.memref_squeeze %dma_start3A_95 : memref<1x128x64xf32, #tpu.memory_space<hbm>> -> memref<128x64xf32, #tpu.memory_space<hbm>>
    %dma_start3A_97 = arith.constant 0 : i32
    %dma_start3A_98 = tpu.memref_slice %arg2[%dma_start3A_93, %add3A_92, %dma_start3A_97] : memref<2x10112x64xf32, #tpu.memory_space<hbm>> -> memref<1x128x64xf32, #tpu.memory_space<hbm>>
    %dma_start3A_99 = tpu.memref_squeeze %dma_start3A_98 : memref<1x128x64xf32, #tpu.memory_space<hbm>> -> memref<128x64xf32, #tpu.memory_space<hbm>>
    tpu.enqueue_dma source(%dma_start3A_99 : memref<128x64xf32, #tpu.memory_space<hbm>>) target(%arg13 : memref<128x64xf32, #tpu.memory_space<vmem>>) target_semaphore(%arg20 : memref<!tpu.dma_semaphore, #tpu.memory_space<semaphore_mem>>)
    %add3A_100 = arith.constant 384 : i32
    %add3A_101 = arith.addi %mul3A_2, %add3A_100 : i32
    %dma_start3A_102 = arith.constant 1 : i32
    %dma_start3A_103 = arith.constant 0 : i32
    %dma_start3A_104 = tpu.memref_slice %arg2[%dma_start3A_102, %add3A_101, %dma_start3A_103] : memref<2x10112x64xf32, #tpu.memory_space<hbm>> -> memref<1x128x64xf32, #tpu.memory_space<hbm>>
    %dma_start3A_105 = tpu.memref_squeeze %dma_start3A_104 : memref<1x128x64xf32, #tpu.memory_space<hbm>> -> memref<128x64xf32, #tpu.memory_space<hbm>>
    %dma_start3A_106 = arith.constant 0 : i32
    %dma_start3A_107 = tpu.memref_slice %arg2[%dma_start3A_102, %add3A_101, %dma_start3A_106] : memref<2x10112x64xf32, #tpu.memory_space<hbm>> -> memref<1x128x64xf32, #tpu.memory_space<hbm>>
    %dma_start3A_108 = tpu.memref_squeeze %dma_start3A_107 : memref<1x128x64xf32, #tpu.memory_space<hbm>> -> memref<128x64xf32, #tpu.memory_space<hbm>>
    tpu.enqueue_dma source(%dma_start3A_108 : memref<128x64xf32, #tpu.memory_space<hbm>>) target(%arg14 : memref<128x64xf32, #tpu.memory_space<vmem>>) target_semaphore(%arg21 : memref<!tpu.dma_semaphore, #tpu.memory_space<semaphore_mem>>)
    %dma_start3A_109 = arith.constant 0 : i32
    %dma_start3A_110 = arith.constant 0 : i32
    %dma_start3A_111 = tpu.memref_slice %arg4[%arg1, %dma_start3A_109, %dma_start3A_110] : memref<16x4x128xi32, #tpu.memory_space<hbm>> -> memref<1x4x128xi32, #tpu.memory_space<hbm>>
    %dma_start3A_112 = tpu.memref_squeeze %dma_start3A_111 : memref<1x4x128xi32, #tpu.memory_space<hbm>> -> memref<4x128xi32, #tpu.memory_space<hbm>>
    %dma_start3A_113 = arith.constant 0 : i32
    %dma_start3A_114 = arith.constant 0 : i32
    %dma_start3A_115 = tpu.memref_slice %arg4[%arg1, %dma_start3A_113, %dma_start3A_114] : memref<16x4x128xi32, #tpu.memory_space<hbm>> -> memref<1x4x128xi32, #tpu.memory_space<hbm>>
    %dma_start3A_116 = tpu.memref_squeeze %dma_start3A_115 : memref<1x4x128xi32, #tpu.memory_space<hbm>> -> memref<4x128xi32, #tpu.memory_space<hbm>>
    tpu.enqueue_dma source(%dma_start3A_116 : memref<4x128xi32, #tpu.memory_space<hbm>>) target(%arg9 : memref<4x128xi32, #tpu.memory_space<vmem>>) target_semaphore(%arg22 : memref<!tpu.dma_semaphore, #tpu.memory_space<semaphore_mem>>)
    %dma_start3A_117 = arith.constant 0 : i32
    %dma_start3A_118 = tpu.memref_slice %arg5[%arg1, %dma_start3A_117] : memref<16x120xi32, #tpu.memory_space<hbm>> -> memref<1x120xi32, #tpu.memory_space<hbm>>
    %dma_start3A_119 = tpu.memref_squeeze %dma_start3A_118 : memref<1x120xi32, #tpu.memory_space<hbm>> -> memref<120xi32, #tpu.memory_space<hbm>>
    %dma_start3A_120 = arith.constant 0 : i32
    %dma_start3A_121 = tpu.memref_slice %arg5[%arg1, %dma_start3A_120] : memref<16x120xi32, #tpu.memory_space<hbm>> -> memref<1x120xi32, #tpu.memory_space<hbm>>
    %dma_start3A_122 = tpu.memref_squeeze %dma_start3A_121 : memref<1x120xi32, #tpu.memory_space<hbm>> -> memref<120xi32, #tpu.memory_space<hbm>>
    tpu.enqueue_dma source(%dma_start3A_122 : memref<120xi32, #tpu.memory_space<hbm>>) target(%arg10 : memref<120xi32, #tpu.memory_space<vmem>>) target_semaphore(%arg23 : memref<!tpu.dma_semaphore, #tpu.memory_space<semaphore_mem>>)
    %run_scoped3A = arith.constant 0 : i32
    "tpu.region"() ({
      %run_scoped3A_286 = tpu.sem_alloc : memref<!tpu.dma_semaphore, #tpu.memory_space<semaphore_mem>>
      %dma_start3A_287 = arith.constant 0 : i32
      %dma_start3A_288 = tpu.memref_slice %arg16[%mul3A_2, %dma_start3A_287] : memref<10112x64xf32, #tpu.memory_space<vmem_shared>> -> memref<632x64xf32, #tpu.memory_space<vmem_shared>>
      %dma_start3A_289 = arith.constant 0 : i32
      %dma_start3A_290 = tpu.memref_slice %arg2[%run_scoped3A, %mul3A_2, %dma_start3A_289] : memref<2x10112x64xf32, #tpu.memory_space<hbm>> -> memref<1x632x64xf32, #tpu.memory_space<hbm>>
      %dma_start3A_291 = tpu.memref_squeeze %dma_start3A_290 : memref<1x632x64xf32, #tpu.memory_space<hbm>> -> memref<632x64xf32, #tpu.memory_space<hbm>>
      tpu.enqueue_dma source(%dma_start3A_291 : memref<632x64xf32, #tpu.memory_space<hbm>>) target(%dma_start3A_288 : memref<632x64xf32, #tpu.memory_space<vmem_shared>>) target_semaphore(%run_scoped3A_286 : memref<!tpu.dma_semaphore, #tpu.memory_space<semaphore_mem>>)
      %dma_wait3A_292 = arith.constant 0 : i32
      %dma_wait3A_293 = tpu.memref_slice %arg16[%mul3A_2, %dma_wait3A_292] : memref<10112x64xf32, #tpu.memory_space<vmem_shared>> -> memref<632x64xf32, #tpu.memory_space<vmem_shared>>
      %dma_wait3A_294 = arith.constant 0 : i32
      %dma_wait3A_295 = tpu.memref_slice %arg2[%run_scoped3A, %mul3A_2, %dma_wait3A_294] : memref<2x10112x64xf32, #tpu.memory_space<hbm>> -> memref<1x632x64xf32, #tpu.memory_space<hbm>>
      %dma_wait3A_296 = tpu.memref_squeeze %dma_wait3A_295 : memref<1x632x64xf32, #tpu.memory_space<hbm>> -> memref<632x64xf32, #tpu.memory_space<hbm>>
      tpu.wait_dma2 semaphore(%run_scoped3A_286 : memref<!tpu.dma_semaphore, #tpu.memory_space<semaphore_mem>>) src(%dma_wait3A_296 : memref<632x64xf32, #tpu.memory_space<hbm>>) dst(%dma_wait3A_293 : memref<632x64xf32, #tpu.memory_space<vmem_shared>>)
      tpu.yield
    }) : () -> ()
    %dma_wait3A = arith.constant 0 : i32
    %dma_wait3A_123 = arith.constant 0 : i32
    %dma_wait3A_124 = tpu.memref_slice %arg4[%arg1, %dma_wait3A, %dma_wait3A_123] : memref<16x4x128xi32, #tpu.memory_space<hbm>> -> memref<1x4x128xi32, #tpu.memory_space<hbm>>
    %dma_wait3A_125 = tpu.memref_squeeze %dma_wait3A_124 : memref<1x4x128xi32, #tpu.memory_space<hbm>> -> memref<4x128xi32, #tpu.memory_space<hbm>>
    %dma_wait3A_126 = arith.constant 0 : i32
    %dma_wait3A_127 = arith.constant 0 : i32
    %dma_wait3A_128 = tpu.memref_slice %arg4[%arg1, %dma_wait3A_126, %dma_wait3A_127] : memref<16x4x128xi32, #tpu.memory_space<hbm>> -> memref<1x4x128xi32, #tpu.memory_space<hbm>>
    %dma_wait3A_129 = tpu.memref_squeeze %dma_wait3A_128 : memref<1x4x128xi32, #tpu.memory_space<hbm>> -> memref<4x128xi32, #tpu.memory_space<hbm>>
    tpu.wait_dma2 semaphore(%arg22 : memref<!tpu.dma_semaphore, #tpu.memory_space<semaphore_mem>>) src(%dma_wait3A_129 : memref<4x128xi32, #tpu.memory_space<hbm>>) dst(%arg9 : memref<4x128xi32, #tpu.memory_space<vmem>>)
    %dma_wait3A_130 = arith.constant 0 : i32
    %dma_wait3A_131 = tpu.memref_slice %arg5[%arg1, %dma_wait3A_130] : memref<16x120xi32, #tpu.memory_space<hbm>> -> memref<1x120xi32, #tpu.memory_space<hbm>>
    %dma_wait3A_132 = tpu.memref_squeeze %dma_wait3A_131 : memref<1x120xi32, #tpu.memory_space<hbm>> -> memref<120xi32, #tpu.memory_space<hbm>>
    %dma_wait3A_133 = arith.constant 0 : i32
    %dma_wait3A_134 = tpu.memref_slice %arg5[%arg1, %dma_wait3A_133] : memref<16x120xi32, #tpu.memory_space<hbm>> -> memref<1x120xi32, #tpu.memory_space<hbm>>
    %dma_wait3A_135 = tpu.memref_squeeze %dma_wait3A_134 : memref<1x120xi32, #tpu.memory_space<hbm>> -> memref<120xi32, #tpu.memory_space<hbm>>
    tpu.wait_dma2 semaphore(%arg23 : memref<!tpu.dma_semaphore, #tpu.memory_space<semaphore_mem>>) src(%dma_wait3A_135 : memref<120xi32, #tpu.memory_space<hbm>>) dst(%arg10 : memref<120xi32, #tpu.memory_space<vmem>>)
    %add3A_136 = arith.constant 0 : i32
    %add3A_137 = arith.addi %mul3A_2, %add3A_136 : i32
    %dma_wait3A_138 = arith.constant 1 : i32
    %dma_wait3A_139 = arith.constant 0 : i32
    %dma_wait3A_140 = tpu.memref_slice %arg2[%dma_wait3A_138, %add3A_137, %dma_wait3A_139] : memref<2x10112x64xf32, #tpu.memory_space<hbm>> -> memref<1x128x64xf32, #tpu.memory_space<hbm>>
    %dma_wait3A_141 = tpu.memref_squeeze %dma_wait3A_140 : memref<1x128x64xf32, #tpu.memory_space<hbm>> -> memref<128x64xf32, #tpu.memory_space<hbm>>
    %dma_wait3A_142 = arith.constant 0 : i32
    %dma_wait3A_143 = tpu.memref_slice %arg2[%dma_wait3A_138, %add3A_137, %dma_wait3A_142] : memref<2x10112x64xf32, #tpu.memory_space<hbm>> -> memref<1x128x64xf32, #tpu.memory_space<hbm>>
    %dma_wait3A_144 = tpu.memref_squeeze %dma_wait3A_143 : memref<1x128x64xf32, #tpu.memory_space<hbm>> -> memref<128x64xf32, #tpu.memory_space<hbm>>
    tpu.wait_dma2 semaphore(%arg18 : memref<!tpu.dma_semaphore, #tpu.memory_space<semaphore_mem>>) src(%dma_wait3A_144 : memref<128x64xf32, #tpu.memory_space<hbm>>) dst(%arg11 : memref<128x64xf32, #tpu.memory_space<vmem>>)
    %run_scoped3A_145 = arith.constant 0 : i32
    "tpu.region"() ({
      %run_scoped3A_286 = tpu.sem_alloc : memref<!tpu.dma_semaphore, #tpu.memory_space<semaphore_mem>>
      %dma_start3A_287 = arith.constant 0 : i32
      %dma_start3A_288 = tpu.memref_slice %arg9[%run_scoped3A_145, %dma_start3A_287] : memref<4x128xi32, #tpu.memory_space<vmem>> -> memref<1x128xi32, #tpu.memory_space<vmem>>
      %dma_start3A_289 = tpu.memref_squeeze %dma_start3A_288 : memref<1x128xi32, #tpu.memory_space<vmem>> -> memref<128xi32, #tpu.memory_space<vmem>>
      %dma_start3A_290 = arith.constant 0 : i32
      %dma_start3A_291 = arith.constant 0 : i32
      %dma_start3A_292 = tpu.memref_slice %arg16[%dma_start3A_290, %dma_start3A_291] : memref<10112x64xf32, #tpu.memory_space<vmem_shared>> -> memref<10112x64xf32, #tpu.memory_space<vmem_shared>>
      tpu.enqueue_indirect_dma source(%arg11 : memref<128x64xf32, #tpu.memory_space<vmem>>) target(%dma_start3A_292 : memref<10112x64xf32, #tpu.memory_space<vmem_shared>>) offsets(%dma_start3A_289 : memref<128xi32, #tpu.memory_space<vmem>>) semaphore(%run_scoped3A_286 : memref<!tpu.dma_semaphore, #tpu.memory_space<semaphore_mem>>) {add = true}
      %dma_wait3A_293 = arith.constant 0 : i32
      %dma_wait3A_294 = tpu.memref_slice %arg9[%run_scoped3A_145, %dma_wait3A_293] : memref<4x128xi32, #tpu.memory_space<vmem>> -> memref<1x128xi32, #tpu.memory_space<vmem>>
      %dma_wait3A_295 = tpu.memref_squeeze %dma_wait3A_294 : memref<1x128xi32, #tpu.memory_space<vmem>> -> memref<128xi32, #tpu.memory_space<vmem>>
      %dma_wait3A_296 = arith.constant 0 : i32
      %dma_wait3A_297 = arith.constant 0 : i32
      %dma_wait3A_298 = tpu.memref_slice %arg16[%dma_wait3A_296, %dma_wait3A_297] : memref<10112x64xf32, #tpu.memory_space<vmem_shared>> -> memref<10112x64xf32, #tpu.memory_space<vmem_shared>>
      tpu.wait_indirect_dma semaphore(%run_scoped3A_286 : memref<!tpu.dma_semaphore, #tpu.memory_space<semaphore_mem>>) src(%arg11 : memref<128x64xf32, #tpu.memory_space<vmem>>) dst(%dma_wait3A_298 : memref<10112x64xf32, #tpu.memory_space<vmem_shared>>)
      tpu.yield
    }) : () -> ()
    %add3A_146 = arith.constant 128 : i32
    %add3A_147 = arith.addi %mul3A_2, %add3A_146 : i32
    %dma_wait3A_148 = arith.constant 1 : i32
    %dma_wait3A_149 = arith.constant 0 : i32
    %dma_wait3A_150 = tpu.memref_slice %arg2[%dma_wait3A_148, %add3A_147, %dma_wait3A_149] : memref<2x10112x64xf32, #tpu.memory_space<hbm>> -> memref<1x128x64xf32, #tpu.memory_space<hbm>>
    %dma_wait3A_151 = tpu.memref_squeeze %dma_wait3A_150 : memref<1x128x64xf32, #tpu.memory_space<hbm>> -> memref<128x64xf32, #tpu.memory_space<hbm>>
    %dma_wait3A_152 = arith.constant 0 : i32
    %dma_wait3A_153 = tpu.memref_slice %arg2[%dma_wait3A_148, %add3A_147, %dma_wait3A_152] : memref<2x10112x64xf32, #tpu.memory_space<hbm>> -> memref<1x128x64xf32, #tpu.memory_space<hbm>>
    %dma_wait3A_154 = tpu.memref_squeeze %dma_wait3A_153 : memref<1x128x64xf32, #tpu.memory_space<hbm>> -> memref<128x64xf32, #tpu.memory_space<hbm>>
    tpu.wait_dma2 semaphore(%arg19 : memref<!tpu.dma_semaphore, #tpu.memory_space<semaphore_mem>>) src(%dma_wait3A_154 : memref<128x64xf32, #tpu.memory_space<hbm>>) dst(%arg12 : memref<128x64xf32, #tpu.memory_space<vmem>>)
    %run_scoped3A_155 = arith.constant 1 : i32
    "tpu.region"() ({
      %run_scoped3A_286 = tpu.sem_alloc : memref<!tpu.dma_semaphore, #tpu.memory_space<semaphore_mem>>
      %dma_start3A_287 = arith.constant 0 : i32
      %dma_start3A_288 = tpu.memref_slice %arg9[%run_scoped3A_155, %dma_start3A_287] : memref<4x128xi32, #tpu.memory_space<vmem>> -> memref<1x128xi32, #tpu.memory_space<vmem>>
      %dma_start3A_289 = tpu.memref_squeeze %dma_start3A_288 : memref<1x128xi32, #tpu.memory_space<vmem>> -> memref<128xi32, #tpu.memory_space<vmem>>
      %dma_start3A_290 = arith.constant 0 : i32
      %dma_start3A_291 = arith.constant 0 : i32
      %dma_start3A_292 = tpu.memref_slice %arg16[%dma_start3A_290, %dma_start3A_291] : memref<10112x64xf32, #tpu.memory_space<vmem_shared>> -> memref<10112x64xf32, #tpu.memory_space<vmem_shared>>
      tpu.enqueue_indirect_dma source(%arg12 : memref<128x64xf32, #tpu.memory_space<vmem>>) target(%dma_start3A_292 : memref<10112x64xf32, #tpu.memory_space<vmem_shared>>) offsets(%dma_start3A_289 : memref<128xi32, #tpu.memory_space<vmem>>) semaphore(%run_scoped3A_286 : memref<!tpu.dma_semaphore, #tpu.memory_space<semaphore_mem>>) {add = true}
      %dma_wait3A_293 = arith.constant 0 : i32
      %dma_wait3A_294 = tpu.memref_slice %arg9[%run_scoped3A_155, %dma_wait3A_293] : memref<4x128xi32, #tpu.memory_space<vmem>> -> memref<1x128xi32, #tpu.memory_space<vmem>>
      %dma_wait3A_295 = tpu.memref_squeeze %dma_wait3A_294 : memref<1x128xi32, #tpu.memory_space<vmem>> -> memref<128xi32, #tpu.memory_space<vmem>>
      %dma_wait3A_296 = arith.constant 0 : i32
      %dma_wait3A_297 = arith.constant 0 : i32
      %dma_wait3A_298 = tpu.memref_slice %arg16[%dma_wait3A_296, %dma_wait3A_297] : memref<10112x64xf32, #tpu.memory_space<vmem_shared>> -> memref<10112x64xf32, #tpu.memory_space<vmem_shared>>
      tpu.wait_indirect_dma semaphore(%run_scoped3A_286 : memref<!tpu.dma_semaphore, #tpu.memory_space<semaphore_mem>>) src(%arg12 : memref<128x64xf32, #tpu.memory_space<vmem>>) dst(%dma_wait3A_298 : memref<10112x64xf32, #tpu.memory_space<vmem_shared>>)
      tpu.yield
    }) : () -> ()
    %add3A_156 = arith.constant 256 : i32
    %add3A_157 = arith.addi %mul3A_2, %add3A_156 : i32
    %dma_wait3A_158 = arith.constant 1 : i32
    %dma_wait3A_159 = arith.constant 0 : i32
    %dma_wait3A_160 = tpu.memref_slice %arg2[%dma_wait3A_158, %add3A_157, %dma_wait3A_159] : memref<2x10112x64xf32, #tpu.memory_space<hbm>> -> memref<1x128x64xf32, #tpu.memory_space<hbm>>
    %dma_wait3A_161 = tpu.memref_squeeze %dma_wait3A_160 : memref<1x128x64xf32, #tpu.memory_space<hbm>> -> memref<128x64xf32, #tpu.memory_space<hbm>>
    %dma_wait3A_162 = arith.constant 0 : i32
    %dma_wait3A_163 = tpu.memref_slice %arg2[%dma_wait3A_158, %add3A_157, %dma_wait3A_162] : memref<2x10112x64xf32, #tpu.memory_space<hbm>> -> memref<1x128x64xf32, #tpu.memory_space<hbm>>
    %dma_wait3A_164 = tpu.memref_squeeze %dma_wait3A_163 : memref<1x128x64xf32, #tpu.memory_space<hbm>> -> memref<128x64xf32, #tpu.memory_space<hbm>>
    tpu.wait_dma2 semaphore(%arg20 : memref<!tpu.dma_semaphore, #tpu.memory_space<semaphore_mem>>) src(%dma_wait3A_164 : memref<128x64xf32, #tpu.memory_space<hbm>>) dst(%arg13 : memref<128x64xf32, #tpu.memory_space<vmem>>)
    %run_scoped3A_165 = arith.constant 2 : i32
    "tpu.region"() ({
      %run_scoped3A_286 = tpu.sem_alloc : memref<!tpu.dma_semaphore, #tpu.memory_space<semaphore_mem>>
      %dma_start3A_287 = arith.constant 0 : i32
      %dma_start3A_288 = tpu.memref_slice %arg9[%run_scoped3A_165, %dma_start3A_287] : memref<4x128xi32, #tpu.memory_space<vmem>> -> memref<1x128xi32, #tpu.memory_space<vmem>>
      %dma_start3A_289 = tpu.memref_squeeze %dma_start3A_288 : memref<1x128xi32, #tpu.memory_space<vmem>> -> memref<128xi32, #tpu.memory_space<vmem>>
      %dma_start3A_290 = arith.constant 0 : i32
      %dma_start3A_291 = arith.constant 0 : i32
      %dma_start3A_292 = tpu.memref_slice %arg16[%dma_start3A_290, %dma_start3A_291] : memref<10112x64xf32, #tpu.memory_space<vmem_shared>> -> memref<10112x64xf32, #tpu.memory_space<vmem_shared>>
      tpu.enqueue_indirect_dma source(%arg13 : memref<128x64xf32, #tpu.memory_space<vmem>>) target(%dma_start3A_292 : memref<10112x64xf32, #tpu.memory_space<vmem_shared>>) offsets(%dma_start3A_289 : memref<128xi32, #tpu.memory_space<vmem>>) semaphore(%run_scoped3A_286 : memref<!tpu.dma_semaphore, #tpu.memory_space<semaphore_mem>>) {add = true}
      %dma_wait3A_293 = arith.constant 0 : i32
      %dma_wait3A_294 = tpu.memref_slice %arg9[%run_scoped3A_165, %dma_wait3A_293] : memref<4x128xi32, #tpu.memory_space<vmem>> -> memref<1x128xi32, #tpu.memory_space<vmem>>
      %dma_wait3A_295 = tpu.memref_squeeze %dma_wait3A_294 : memref<1x128xi32, #tpu.memory_space<vmem>> -> memref<128xi32, #tpu.memory_space<vmem>>
      %dma_wait3A_296 = arith.constant 0 : i32
      %dma_wait3A_297 = arith.constant 0 : i32
      %dma_wait3A_298 = tpu.memref_slice %arg16[%dma_wait3A_296, %dma_wait3A_297] : memref<10112x64xf32, #tpu.memory_space<vmem_shared>> -> memref<10112x64xf32, #tpu.memory_space<vmem_shared>>
      tpu.wait_indirect_dma semaphore(%run_scoped3A_286 : memref<!tpu.dma_semaphore, #tpu.memory_space<semaphore_mem>>) src(%arg13 : memref<128x64xf32, #tpu.memory_space<vmem>>) dst(%dma_wait3A_298 : memref<10112x64xf32, #tpu.memory_space<vmem_shared>>)
      tpu.yield
    }) : () -> ()
    %add3A_166 = arith.constant 384 : i32
    %add3A_167 = arith.addi %mul3A_2, %add3A_166 : i32
    %dma_wait3A_168 = arith.constant 1 : i32
    %dma_wait3A_169 = arith.constant 0 : i32
    %dma_wait3A_170 = tpu.memref_slice %arg2[%dma_wait3A_168, %add3A_167, %dma_wait3A_169] : memref<2x10112x64xf32, #tpu.memory_space<hbm>> -> memref<1x128x64xf32, #tpu.memory_space<hbm>>
    %dma_wait3A_171 = tpu.memref_squeeze %dma_wait3A_170 : memref<1x128x64xf32, #tpu.memory_space<hbm>> -> memref<128x64xf32, #tpu.memory_space<hbm>>
    %dma_wait3A_172 = arith.constant 0 : i32
    %dma_wait3A_173 = tpu.memref_slice %arg2[%dma_wait3A_168, %add3A_167, %dma_wait3A_172] : memref<2x10112x64xf32, #tpu.memory_space<hbm>> -> memref<1x128x64xf32, #tpu.memory_space<hbm>>
    %dma_wait3A_174 = tpu.memref_squeeze %dma_wait3A_173 : memref<1x128x64xf32, #tpu.memory_space<hbm>> -> memref<128x64xf32, #tpu.memory_space<hbm>>
    tpu.wait_dma2 semaphore(%arg21 : memref<!tpu.dma_semaphore, #tpu.memory_space<semaphore_mem>>) src(%dma_wait3A_174 : memref<128x64xf32, #tpu.memory_space<hbm>>) dst(%arg14 : memref<128x64xf32, #tpu.memory_space<vmem>>)
    %run_scoped3A_175 = arith.constant 3 : i32
    "tpu.region"() ({
      %run_scoped3A_286 = tpu.sem_alloc : memref<!tpu.dma_semaphore, #tpu.memory_space<semaphore_mem>>
      %dma_start3A_287 = arith.constant 0 : i32
      %dma_start3A_288 = tpu.memref_slice %arg9[%run_scoped3A_175, %dma_start3A_287] : memref<4x128xi32, #tpu.memory_space<vmem>> -> memref<1x128xi32, #tpu.memory_space<vmem>>
      %dma_start3A_289 = tpu.memref_squeeze %dma_start3A_288 : memref<1x128xi32, #tpu.memory_space<vmem>> -> memref<128xi32, #tpu.memory_space<vmem>>
      %dma_start3A_290 = arith.constant 0 : i32
      %dma_start3A_291 = arith.constant 0 : i32
      %dma_start3A_292 = tpu.memref_slice %arg16[%dma_start3A_290, %dma_start3A_291] : memref<10112x64xf32, #tpu.memory_space<vmem_shared>> -> memref<10112x64xf32, #tpu.memory_space<vmem_shared>>
      tpu.enqueue_indirect_dma source(%arg14 : memref<128x64xf32, #tpu.memory_space<vmem>>) target(%dma_start3A_292 : memref<10112x64xf32, #tpu.memory_space<vmem_shared>>) offsets(%dma_start3A_289 : memref<128xi32, #tpu.memory_space<vmem>>) semaphore(%run_scoped3A_286 : memref<!tpu.dma_semaphore, #tpu.memory_space<semaphore_mem>>) {add = true}
      %dma_wait3A_293 = arith.constant 0 : i32
      %dma_wait3A_294 = tpu.memref_slice %arg9[%run_scoped3A_175, %dma_wait3A_293] : memref<4x128xi32, #tpu.memory_space<vmem>> -> memref<1x128xi32, #tpu.memory_space<vmem>>
      %dma_wait3A_295 = tpu.memref_squeeze %dma_wait3A_294 : memref<1x128xi32, #tpu.memory_space<vmem>> -> memref<128xi32, #tpu.memory_space<vmem>>
      %dma_wait3A_296 = arith.constant 0 : i32
      %dma_wait3A_297 = arith.constant 0 : i32
      %dma_wait3A_298 = tpu.memref_slice %arg16[%dma_wait3A_296, %dma_wait3A_297] : memref<10112x64xf32, #tpu.memory_space<vmem_shared>> -> memref<10112x64xf32, #tpu.memory_space<vmem_shared>>
      tpu.wait_indirect_dma semaphore(%run_scoped3A_286 : memref<!tpu.dma_semaphore, #tpu.memory_space<semaphore_mem>>) src(%arg14 : memref<128x64xf32, #tpu.memory_space<vmem>>) dst(%dma_wait3A_298 : memref<10112x64xf32, #tpu.memory_space<vmem_shared>>)
      tpu.yield
    }) : () -> ()
    %add3A_176 = arith.constant 512 : i32
    %add3A_177 = arith.addi %mul3A_2, %add3A_176 : i32
    %run_scoped3A_178 = arith.constant 1 : i32
    "tpu.region"() ({
      %run_scoped3A_286 = tpu.sem_alloc : memref<!tpu.dma_semaphore, #tpu.memory_space<semaphore_mem>>
      %dma_start3A_287 = arith.constant 0 : i32
      %dma_start3A_288 = arith.constant 0 : i32
      %dma_start3A_289 = tpu.memref_slice %arg11[%dma_start3A_287, %dma_start3A_288] : memref<128x64xf32, #tpu.memory_space<vmem>> -> memref<120x64xf32, #tpu.memory_space<vmem>>
      %dma_start3A_290 = arith.constant 0 : i32
      %dma_start3A_291 = tpu.memref_slice %arg2[%run_scoped3A_178, %add3A_177, %dma_start3A_290] : memref<2x10112x64xf32, #tpu.memory_space<hbm>> -> memref<1x120x64xf32, #tpu.memory_space<hbm>>
      %dma_start3A_292 = tpu.memref_squeeze %dma_start3A_291 : memref<1x120x64xf32, #tpu.memory_space<hbm>> -> memref<120x64xf32, #tpu.memory_space<hbm>>
      %dma_start3A_293 = arith.constant 0 : i32
      %dma_start3A_294 = arith.constant 0 : i32
      %dma_start3A_295 = tpu.memref_slice %arg11[%dma_start3A_293, %dma_start3A_294] : memref<128x64xf32, #tpu.memory_space<vmem>> -> memref<120x64xf32, #tpu.memory_space<vmem>>
      %dma_start3A_296 = arith.constant 0 : i32
      %dma_start3A_297 = tpu.memref_slice %arg2[%run_scoped3A_178, %add3A_177, %dma_start3A_296] : memref<2x10112x64xf32, #tpu.memory_space<hbm>> -> memref<1x120x64xf32, #tpu.memory_space<hbm>>
      %dma_start3A_298 = tpu.memref_squeeze %dma_start3A_297 : memref<1x120x64xf32, #tpu.memory_space<hbm>> -> memref<120x64xf32, #tpu.memory_space<hbm>>
      tpu.enqueue_dma source(%dma_start3A_298 : memref<120x64xf32, #tpu.memory_space<hbm>>) target(%dma_start3A_295 : memref<120x64xf32, #tpu.memory_space<vmem>>) target_semaphore(%run_scoped3A_286 : memref<!tpu.dma_semaphore, #tpu.memory_space<semaphore_mem>>)
      %dma_wait3A_299 = arith.constant 0 : i32
      %dma_wait3A_300 = arith.constant 0 : i32
      %dma_wait3A_301 = tpu.memref_slice %arg11[%dma_wait3A_299, %dma_wait3A_300] : memref<128x64xf32, #tpu.memory_space<vmem>> -> memref<120x64xf32, #tpu.memory_space<vmem>>
      %dma_wait3A_302 = arith.constant 0 : i32
      %dma_wait3A_303 = tpu.memref_slice %arg2[%run_scoped3A_178, %add3A_177, %dma_wait3A_302] : memref<2x10112x64xf32, #tpu.memory_space<hbm>> -> memref<1x120x64xf32, #tpu.memory_space<hbm>>
      %dma_wait3A_304 = tpu.memref_squeeze %dma_wait3A_303 : memref<1x120x64xf32, #tpu.memory_space<hbm>> -> memref<120x64xf32, #tpu.memory_space<hbm>>
      %dma_wait3A_305 = arith.constant 0 : i32
      %dma_wait3A_306 = arith.constant 0 : i32
      %dma_wait3A_307 = tpu.memref_slice %arg11[%dma_wait3A_305, %dma_wait3A_306] : memref<128x64xf32, #tpu.memory_space<vmem>> -> memref<120x64xf32, #tpu.memory_space<vmem>>
      %dma_wait3A_308 = arith.constant 0 : i32
      %dma_wait3A_309 = tpu.memref_slice %arg2[%run_scoped3A_178, %add3A_177, %dma_wait3A_308] : memref<2x10112x64xf32, #tpu.memory_space<hbm>> -> memref<1x120x64xf32, #tpu.memory_space<hbm>>
      %dma_wait3A_310 = tpu.memref_squeeze %dma_wait3A_309 : memref<1x120x64xf32, #tpu.memory_space<hbm>> -> memref<120x64xf32, #tpu.memory_space<hbm>>
      tpu.wait_dma2 semaphore(%run_scoped3A_286 : memref<!tpu.dma_semaphore, #tpu.memory_space<semaphore_mem>>) src(%dma_wait3A_310 : memref<120x64xf32, #tpu.memory_space<hbm>>) dst(%dma_wait3A_307 : memref<120x64xf32, #tpu.memory_space<vmem>>)
      tpu.yield
    }) : () -> ()
    "tpu.region"() ({
      %run_scoped3A_286 = tpu.sem_alloc : memref<!tpu.dma_semaphore, #tpu.memory_space<semaphore_mem>>
      %dma_start3A_287 = arith.constant 0 : i32
      %dma_start3A_288 = arith.constant 0 : i32
      %dma_start3A_289 = tpu.memref_slice %arg11[%dma_start3A_287, %dma_start3A_288] : memref<128x64xf32, #tpu.memory_space<vmem>> -> memref<120x64xf32, #tpu.memory_space<vmem>>
      %dma_start3A_290 = arith.constant 0 : i32
      %dma_start3A_291 = arith.constant 0 : i32
      %dma_start3A_292 = tpu.memref_slice %arg16[%dma_start3A_290, %dma_start3A_291] : memref<10112x64xf32, #tpu.memory_space<vmem_shared>> -> memref<10112x64xf32, #tpu.memory_space<vmem_shared>>
      tpu.enqueue_indirect_dma source(%dma_start3A_289 : memref<120x64xf32, #tpu.memory_space<vmem>>) target(%dma_start3A_292 : memref<10112x64xf32, #tpu.memory_space<vmem_shared>>) offsets(%arg10 : memref<120xi32, #tpu.memory_space<vmem>>) semaphore(%run_scoped3A_286 : memref<!tpu.dma_semaphore, #tpu.memory_space<semaphore_mem>>) {add = true}
      %dma_wait3A_293 = arith.constant 0 : i32
      %dma_wait3A_294 = arith.constant 0 : i32
      %dma_wait3A_295 = tpu.memref_slice %arg11[%dma_wait3A_293, %dma_wait3A_294] : memref<128x64xf32, #tpu.memory_space<vmem>> -> memref<120x64xf32, #tpu.memory_space<vmem>>
      %dma_wait3A_296 = arith.constant 0 : i32
      %dma_wait3A_297 = arith.constant 0 : i32
      %dma_wait3A_298 = tpu.memref_slice %arg16[%dma_wait3A_296, %dma_wait3A_297] : memref<10112x64xf32, #tpu.memory_space<vmem_shared>> -> memref<10112x64xf32, #tpu.memory_space<vmem_shared>>
      tpu.wait_indirect_dma semaphore(%run_scoped3A_286 : memref<!tpu.dma_semaphore, #tpu.memory_space<semaphore_mem>>) src(%dma_wait3A_295 : memref<120x64xf32, #tpu.memory_space<vmem>>) dst(%dma_wait3A_298 : memref<10112x64xf32, #tpu.memory_space<vmem_shared>>)
      tpu.yield
    }) : () -> ()
    %mul3A_179 = arith.constant 40 : i32
    %mul3A_180 = arith.muli %add3A, %mul3A_179 : i32
    %run_scoped3A_181 = arith.constant 0 : i32
    "tpu.region"() ({
      %run_scoped3A_286 = tpu.sem_alloc : memref<!tpu.dma_semaphore, #tpu.memory_space<semaphore_mem>>
      %dma_start3A_287 = arith.constant 0 : i32
      %dma_start3A_288 = tpu.memref_slice %arg3[%run_scoped3A_181, %mul3A_180, %dma_start3A_287] : memref<2x1280x128xi32, #tpu.memory_space<hbm>> -> memref<1x40x128xi32, #tpu.memory_space<hbm>>
      %dma_start3A_289 = tpu.memref_squeeze %dma_start3A_288 : memref<1x40x128xi32, #tpu.memory_space<hbm>> -> memref<40x128xi32, #tpu.memory_space<hbm>>
      %dma_start3A_290 = arith.constant 0 : i32
      %dma_start3A_291 = tpu.memref_slice %arg3[%run_scoped3A_181, %mul3A_180, %dma_start3A_290] : memref<2x1280x128xi32, #tpu.memory_space<hbm>> -> memref<1x40x128xi32, #tpu.memory_space<hbm>>
      %dma_start3A_292 = tpu.memref_squeeze %dma_start3A_291 : memref<1x40x128xi32, #tpu.memory_space<hbm>> -> memref<40x128xi32, #tpu.memory_space<hbm>>
      tpu.enqueue_dma source(%dma_start3A_292 : memref<40x128xi32, #tpu.memory_space<hbm>>) target(%arg7 : memref<40x128xi32, #tpu.memory_space<vmem>>) target_semaphore(%run_scoped3A_286 : memref<!tpu.dma_semaphore, #tpu.memory_space<semaphore_mem>>)
      %dma_wait3A_293 = arith.constant 0 : i32
      %dma_wait3A_294 = tpu.memref_slice %arg3[%run_scoped3A_181, %mul3A_180, %dma_wait3A_293] : memref<2x1280x128xi32, #tpu.memory_space<hbm>> -> memref<1x40x128xi32, #tpu.memory_space<hbm>>
      %dma_wait3A_295 = tpu.memref_squeeze %dma_wait3A_294 : memref<1x40x128xi32, #tpu.memory_space<hbm>> -> memref<40x128xi32, #tpu.memory_space<hbm>>
      %dma_wait3A_296 = arith.constant 0 : i32
      %dma_wait3A_297 = tpu.memref_slice %arg3[%run_scoped3A_181, %mul3A_180, %dma_wait3A_296] : memref<2x1280x128xi32, #tpu.memory_space<hbm>> -> memref<1x40x128xi32, #tpu.memory_space<hbm>>
      %dma_wait3A_298 = tpu.memref_squeeze %dma_wait3A_297 : memref<1x40x128xi32, #tpu.memory_space<hbm>> -> memref<40x128xi32, #tpu.memory_space<hbm>>
      tpu.wait_dma2 semaphore(%run_scoped3A_286 : memref<!tpu.dma_semaphore, #tpu.memory_space<semaphore_mem>>) src(%dma_wait3A_298 : memref<40x128xi32, #tpu.memory_space<hbm>>) dst(%arg7 : memref<40x128xi32, #tpu.memory_space<vmem>>)
      tpu.yield
    }) : () -> ()
    %mul3A_182 = arith.constant 40 : i32
    %mul3A_183 = arith.muli %add3A, %mul3A_182 : i32
    %run_scoped3A_184 = arith.constant 1 : i32
    "tpu.region"() ({
      %run_scoped3A_286 = tpu.sem_alloc : memref<!tpu.dma_semaphore, #tpu.memory_space<semaphore_mem>>
      %dma_start3A_287 = arith.constant 0 : i32
      %dma_start3A_288 = tpu.memref_slice %arg3[%run_scoped3A_184, %mul3A_183, %dma_start3A_287] : memref<2x1280x128xi32, #tpu.memory_space<hbm>> -> memref<1x40x128xi32, #tpu.memory_space<hbm>>
      %dma_start3A_289 = tpu.memref_squeeze %dma_start3A_288 : memref<1x40x128xi32, #tpu.memory_space<hbm>> -> memref<40x128xi32, #tpu.memory_space<hbm>>
      %dma_start3A_290 = arith.constant 0 : i32
      %dma_start3A_291 = tpu.memref_slice %arg3[%run_scoped3A_184, %mul3A_183, %dma_start3A_290] : memref<2x1280x128xi32, #tpu.memory_space<hbm>> -> memref<1x40x128xi32, #tpu.memory_space<hbm>>
      %dma_start3A_292 = tpu.memref_squeeze %dma_start3A_291 : memref<1x40x128xi32, #tpu.memory_space<hbm>> -> memref<40x128xi32, #tpu.memory_space<hbm>>
      tpu.enqueue_dma source(%dma_start3A_292 : memref<40x128xi32, #tpu.memory_space<hbm>>) target(%arg8 : memref<40x128xi32, #tpu.memory_space<vmem>>) target_semaphore(%run_scoped3A_286 : memref<!tpu.dma_semaphore, #tpu.memory_space<semaphore_mem>>)
      %dma_wait3A_293 = arith.constant 0 : i32
      %dma_wait3A_294 = tpu.memref_slice %arg3[%run_scoped3A_184, %mul3A_183, %dma_wait3A_293] : memref<2x1280x128xi32, #tpu.memory_space<hbm>> -> memref<1x40x128xi32, #tpu.memory_space<hbm>>
      %dma_wait3A_295 = tpu.memref_squeeze %dma_wait3A_294 : memref<1x40x128xi32, #tpu.memory_space<hbm>> -> memref<40x128xi32, #tpu.memory_space<hbm>>
      %dma_wait3A_296 = arith.constant 0 : i32
      %dma_wait3A_297 = tpu.memref_slice %arg3[%run_scoped3A_184, %mul3A_183, %dma_wait3A_296] : memref<2x1280x128xi32, #tpu.memory_space<hbm>> -> memref<1x40x128xi32, #tpu.memory_space<hbm>>
      %dma_wait3A_298 = tpu.memref_squeeze %dma_wait3A_297 : memref<1x40x128xi32, #tpu.memory_space<hbm>> -> memref<40x128xi32, #tpu.memory_space<hbm>>
      tpu.wait_dma2 semaphore(%run_scoped3A_286 : memref<!tpu.dma_semaphore, #tpu.memory_space<semaphore_mem>>) src(%dma_wait3A_298 : memref<40x128xi32, #tpu.memory_space<hbm>>) dst(%arg8 : memref<40x128xi32, #tpu.memory_space<vmem>>)
      tpu.yield
    }) : () -> ()
    %add3A_185 = arith.constant 0 : i32
    %add3A_186 = arith.addi %mul3A_2, %add3A_185 : i32
    %dma_wait3A_187 = arith.constant 0 : i32
    %dma_wait3A_188 = tpu.memref_slice %arg17[%add3A_186, %dma_wait3A_187] : memref<10112x64xf32, #tpu.memory_space<vmem_shared>> -> memref<64x64xf32, #tpu.memory_space<vmem_shared>>
    %dma_wait3A_189 = arith.constant 0 : i32
    %dma_wait3A_190 = tpu.memref_slice %arg17[%add3A_186, %dma_wait3A_189] : memref<10112x64xf32, #tpu.memory_space<vmem_shared>> -> memref<64x64xf32, #tpu.memory_space<vmem_shared>>
    tpu.wait_dma2 semaphore(%arg25 : memref<!tpu.dma_semaphore, #tpu.memory_space<semaphore_mem>>) src(%arg15 : memref<64x64xf32, #tpu.memory_space<vmem>>) dst(%dma_wait3A_190 : memref<64x64xf32, #tpu.memory_space<vmem_shared>>)
    %add3A_191 = arith.constant 64 : i32
    %add3A_192 = arith.addi %mul3A_2, %add3A_191 : i32
    %dma_wait3A_193 = arith.constant 0 : i32
    %dma_wait3A_194 = tpu.memref_slice %arg17[%add3A_192, %dma_wait3A_193] : memref<10112x64xf32, #tpu.memory_space<vmem_shared>> -> memref<64x64xf32, #tpu.memory_space<vmem_shared>>
    %dma_wait3A_195 = arith.constant 0 : i32
    %dma_wait3A_196 = tpu.memref_slice %arg17[%add3A_192, %dma_wait3A_195] : memref<10112x64xf32, #tpu.memory_space<vmem_shared>> -> memref<64x64xf32, #tpu.memory_space<vmem_shared>>
    tpu.wait_dma2 semaphore(%arg25 : memref<!tpu.dma_semaphore, #tpu.memory_space<semaphore_mem>>) src(%arg15 : memref<64x64xf32, #tpu.memory_space<vmem>>) dst(%dma_wait3A_196 : memref<64x64xf32, #tpu.memory_space<vmem_shared>>)
    %add3A_197 = arith.constant 128 : i32
    %add3A_198 = arith.addi %mul3A_2, %add3A_197 : i32
    %dma_wait3A_199 = arith.constant 0 : i32
    %dma_wait3A_200 = tpu.memref_slice %arg17[%add3A_198, %dma_wait3A_199] : memref<10112x64xf32, #tpu.memory_space<vmem_shared>> -> memref<64x64xf32, #tpu.memory_space<vmem_shared>>
    %dma_wait3A_201 = arith.constant 0 : i32
    %dma_wait3A_202 = tpu.memref_slice %arg17[%add3A_198, %dma_wait3A_201] : memref<10112x64xf32, #tpu.memory_space<vmem_shared>> -> memref<64x64xf32, #tpu.memory_space<vmem_shared>>
    tpu.wait_dma2 semaphore(%arg25 : memref<!tpu.dma_semaphore, #tpu.memory_space<semaphore_mem>>) src(%arg15 : memref<64x64xf32, #tpu.memory_space<vmem>>) dst(%dma_wait3A_202 : memref<64x64xf32, #tpu.memory_space<vmem_shared>>)
    %add3A_203 = arith.constant 192 : i32
    %add3A_204 = arith.addi %mul3A_2, %add3A_203 : i32
    %dma_wait3A_205 = arith.constant 0 : i32
    %dma_wait3A_206 = tpu.memref_slice %arg17[%add3A_204, %dma_wait3A_205] : memref<10112x64xf32, #tpu.memory_space<vmem_shared>> -> memref<64x64xf32, #tpu.memory_space<vmem_shared>>
    %dma_wait3A_207 = arith.constant 0 : i32
    %dma_wait3A_208 = tpu.memref_slice %arg17[%add3A_204, %dma_wait3A_207] : memref<10112x64xf32, #tpu.memory_space<vmem_shared>> -> memref<64x64xf32, #tpu.memory_space<vmem_shared>>
    tpu.wait_dma2 semaphore(%arg25 : memref<!tpu.dma_semaphore, #tpu.memory_space<semaphore_mem>>) src(%arg15 : memref<64x64xf32, #tpu.memory_space<vmem>>) dst(%dma_wait3A_208 : memref<64x64xf32, #tpu.memory_space<vmem_shared>>)
    %add3A_209 = arith.constant 256 : i32
    %add3A_210 = arith.addi %mul3A_2, %add3A_209 : i32
    %dma_wait3A_211 = arith.constant 0 : i32
    %dma_wait3A_212 = tpu.memref_slice %arg17[%add3A_210, %dma_wait3A_211] : memref<10112x64xf32, #tpu.memory_space<vmem_shared>> -> memref<64x64xf32, #tpu.memory_space<vmem_shared>>
    %dma_wait3A_213 = arith.constant 0 : i32
    %dma_wait3A_214 = tpu.memref_slice %arg17[%add3A_210, %dma_wait3A_213] : memref<10112x64xf32, #tpu.memory_space<vmem_shared>> -> memref<64x64xf32, #tpu.memory_space<vmem_shared>>
    tpu.wait_dma2 semaphore(%arg25 : memref<!tpu.dma_semaphore, #tpu.memory_space<semaphore_mem>>) src(%arg15 : memref<64x64xf32, #tpu.memory_space<vmem>>) dst(%dma_wait3A_214 : memref<64x64xf32, #tpu.memory_space<vmem_shared>>)
    %add3A_215 = arith.constant 320 : i32
    %add3A_216 = arith.addi %mul3A_2, %add3A_215 : i32
    %dma_wait3A_217 = arith.constant 0 : i32
    %dma_wait3A_218 = tpu.memref_slice %arg17[%add3A_216, %dma_wait3A_217] : memref<10112x64xf32, #tpu.memory_space<vmem_shared>> -> memref<64x64xf32, #tpu.memory_space<vmem_shared>>
    %dma_wait3A_219 = arith.constant 0 : i32
    %dma_wait3A_220 = tpu.memref_slice %arg17[%add3A_216, %dma_wait3A_219] : memref<10112x64xf32, #tpu.memory_space<vmem_shared>> -> memref<64x64xf32, #tpu.memory_space<vmem_shared>>
    tpu.wait_dma2 semaphore(%arg25 : memref<!tpu.dma_semaphore, #tpu.memory_space<semaphore_mem>>) src(%arg15 : memref<64x64xf32, #tpu.memory_space<vmem>>) dst(%dma_wait3A_220 : memref<64x64xf32, #tpu.memory_space<vmem_shared>>)
    %add3A_221 = arith.constant 384 : i32
    %add3A_222 = arith.addi %mul3A_2, %add3A_221 : i32
    %dma_wait3A_223 = arith.constant 0 : i32
    %dma_wait3A_224 = tpu.memref_slice %arg17[%add3A_222, %dma_wait3A_223] : memref<10112x64xf32, #tpu.memory_space<vmem_shared>> -> memref<64x64xf32, #tpu.memory_space<vmem_shared>>
    %dma_wait3A_225 = arith.constant 0 : i32
    %dma_wait3A_226 = tpu.memref_slice %arg17[%add3A_222, %dma_wait3A_225] : memref<10112x64xf32, #tpu.memory_space<vmem_shared>> -> memref<64x64xf32, #tpu.memory_space<vmem_shared>>
    tpu.wait_dma2 semaphore(%arg25 : memref<!tpu.dma_semaphore, #tpu.memory_space<semaphore_mem>>) src(%arg15 : memref<64x64xf32, #tpu.memory_space<vmem>>) dst(%dma_wait3A_226 : memref<64x64xf32, #tpu.memory_space<vmem_shared>>)
    %add3A_227 = arith.constant 448 : i32
    %add3A_228 = arith.addi %mul3A_2, %add3A_227 : i32
    %dma_wait3A_229 = arith.constant 0 : i32
    %dma_wait3A_230 = tpu.memref_slice %arg17[%add3A_228, %dma_wait3A_229] : memref<10112x64xf32, #tpu.memory_space<vmem_shared>> -> memref<64x64xf32, #tpu.memory_space<vmem_shared>>
    %dma_wait3A_231 = arith.constant 0 : i32
    %dma_wait3A_232 = tpu.memref_slice %arg17[%add3A_228, %dma_wait3A_231] : memref<10112x64xf32, #tpu.memory_space<vmem_shared>> -> memref<64x64xf32, #tpu.memory_space<vmem_shared>>
    tpu.wait_dma2 semaphore(%arg25 : memref<!tpu.dma_semaphore, #tpu.memory_space<semaphore_mem>>) src(%arg15 : memref<64x64xf32, #tpu.memory_space<vmem>>) dst(%dma_wait3A_232 : memref<64x64xf32, #tpu.memory_space<vmem_shared>>)
    %add3A_233 = arith.constant 512 : i32
    %add3A_234 = arith.addi %mul3A_2, %add3A_233 : i32
    %dma_wait3A_235 = arith.constant 0 : i32
    %dma_wait3A_236 = tpu.memref_slice %arg17[%add3A_234, %dma_wait3A_235] : memref<10112x64xf32, #tpu.memory_space<vmem_shared>> -> memref<64x64xf32, #tpu.memory_space<vmem_shared>>
    %dma_wait3A_237 = arith.constant 0 : i32
    %dma_wait3A_238 = tpu.memref_slice %arg17[%add3A_234, %dma_wait3A_237] : memref<10112x64xf32, #tpu.memory_space<vmem_shared>> -> memref<64x64xf32, #tpu.memory_space<vmem_shared>>
    tpu.wait_dma2 semaphore(%arg25 : memref<!tpu.dma_semaphore, #tpu.memory_space<semaphore_mem>>) src(%arg15 : memref<64x64xf32, #tpu.memory_space<vmem>>) dst(%dma_wait3A_238 : memref<64x64xf32, #tpu.memory_space<vmem_shared>>)
    %add3A_239 = arith.constant 576 : i32
    %add3A_240 = arith.addi %mul3A_2, %add3A_239 : i32
    %dma_wait3A_241 = arith.constant 0 : i32
    %dma_wait3A_242 = arith.constant 0 : i32
    %dma_wait3A_243 = tpu.memref_slice %arg15[%dma_wait3A_241, %dma_wait3A_242] : memref<64x64xf32, #tpu.memory_space<vmem>> -> memref<56x64xf32, #tpu.memory_space<vmem>>
    %dma_wait3A_244 = arith.constant 0 : i32
    %dma_wait3A_245 = tpu.memref_slice %arg17[%add3A_240, %dma_wait3A_244] : memref<10112x64xf32, #tpu.memory_space<vmem_shared>> -> memref<56x64xf32, #tpu.memory_space<vmem_shared>>
    %dma_wait3A_246 = arith.constant 0 : i32
    %dma_wait3A_247 = tpu.memref_slice %arg17[%add3A_240, %dma_wait3A_246] : memref<10112x64xf32, #tpu.memory_space<vmem_shared>> -> memref<56x64xf32, #tpu.memory_space<vmem_shared>>
    %dma_wait3A_248 = arith.constant 0 : i32
    %dma_wait3A_249 = arith.constant 0 : i32
    %dma_wait3A_250 = tpu.memref_slice %arg15[%dma_wait3A_248, %dma_wait3A_249] : memref<64x64xf32, #tpu.memory_space<vmem>> -> memref<56x64xf32, #tpu.memory_space<vmem>>
    tpu.wait_dma2 semaphore(%arg25 : memref<!tpu.dma_semaphore, #tpu.memory_space<semaphore_mem>>) src(%dma_wait3A_250 : memref<56x64xf32, #tpu.memory_space<vmem>>) dst(%dma_wait3A_247 : memref<56x64xf32, #tpu.memory_space<vmem_shared>>)
    %barrier3A = arith.constant 0 : index
    tpu.barrier barrier_id(%barrier3A)
    %dma_start3A_251 = arith.constant 0 : i32
    %dma_start3A_252 = arith.constant 0 : i32
    %dma_start3A_253 = tpu.memref_slice %arg7[%dma_start3A_251, %dma_start3A_252] : memref<40x128xi32, #tpu.memory_space<vmem>> -> memref<1x128xi32, #tpu.memory_space<vmem>>
    %dma_start3A_254 = tpu.memref_squeeze %dma_start3A_253 : memref<1x128xi32, #tpu.memory_space<vmem>> -> memref<128xi32, #tpu.memory_space<vmem>>
    %dma_start3A_255 = arith.constant 0 : i32
    %dma_start3A_256 = arith.constant 0 : i32
    %dma_start3A_257 = tpu.memref_slice %arg16[%dma_start3A_255, %dma_start3A_256] : memref<10112x64xf32, #tpu.memory_space<vmem_shared>> -> memref<10112x64xf32, #tpu.memory_space<vmem_shared>>
    tpu.enqueue_indirect_dma source(%dma_start3A_257 : memref<10112x64xf32, #tpu.memory_space<vmem_shared>>) target(%arg11 : memref<128x64xf32, #tpu.memory_space<vmem>>) offsets(%dma_start3A_254 : memref<128xi32, #tpu.memory_space<vmem>>) semaphore(%arg18 : memref<!tpu.dma_semaphore, #tpu.memory_space<semaphore_mem>>)
    %dma_start3A_258 = arith.constant 1 : i32
    %dma_start3A_259 = arith.constant 0 : i32
    %dma_start3A_260 = tpu.memref_slice %arg7[%dma_start3A_258, %dma_start3A_259] : memref<40x128xi32, #tpu.memory_space<vmem>> -> memref<1x128xi32, #tpu.memory_space<vmem>>
    %dma_start3A_261 = tpu.memref_squeeze %dma_start3A_260 : memref<1x128xi32, #tpu.memory_space<vmem>> -> memref<128xi32, #tpu.memory_space<vmem>>
    %dma_start3A_262 = arith.constant 0 : i32
    %dma_start3A_263 = arith.constant 0 : i32
    %dma_start3A_264 = tpu.memref_slice %arg16[%dma_start3A_262, %dma_start3A_263] : memref<10112x64xf32, #tpu.memory_space<vmem_shared>> -> memref<10112x64xf32, #tpu.memory_space<vmem_shared>>
    tpu.enqueue_indirect_dma source(%dma_start3A_264 : memref<10112x64xf32, #tpu.memory_space<vmem_shared>>) target(%arg12 : memref<128x64xf32, #tpu.memory_space<vmem>>) offsets(%dma_start3A_261 : memref<128xi32, #tpu.memory_space<vmem>>) semaphore(%arg19 : memref<!tpu.dma_semaphore, #tpu.memory_space<semaphore_mem>>)
    %dma_start3A_265 = arith.constant 2 : i32
    %dma_start3A_266 = arith.constant 0 : i32
    %dma_start3A_267 = tpu.memref_slice %arg7[%dma_start3A_265, %dma_start3A_266] : memref<40x128xi32, #tpu.memory_space<vmem>> -> memref<1x128xi32, #tpu.memory_space<vmem>>
    %dma_start3A_268 = tpu.memref_squeeze %dma_start3A_267 : memref<1x128xi32, #tpu.memory_space<vmem>> -> memref<128xi32, #tpu.memory_space<vmem>>
    %dma_start3A_269 = arith.constant 0 : i32
    %dma_start3A_270 = arith.constant 0 : i32
    %dma_start3A_271 = tpu.memref_slice %arg16[%dma_start3A_269, %dma_start3A_270] : memref<10112x64xf32, #tpu.memory_space<vmem_shared>> -> memref<10112x64xf32, #tpu.memory_space<vmem_shared>>
    tpu.enqueue_indirect_dma source(%dma_start3A_271 : memref<10112x64xf32, #tpu.memory_space<vmem_shared>>) target(%arg13 : memref<128x64xf32, #tpu.memory_space<vmem>>) offsets(%dma_start3A_268 : memref<128xi32, #tpu.memory_space<vmem>>) semaphore(%arg20 : memref<!tpu.dma_semaphore, #tpu.memory_space<semaphore_mem>>)
    %dma_start3A_272 = arith.constant 3 : i32
    %dma_start3A_273 = arith.constant 0 : i32
    %dma_start3A_274 = tpu.memref_slice %arg7[%dma_start3A_272, %dma_start3A_273] : memref<40x128xi32, #tpu.memory_space<vmem>> -> memref<1x128xi32, #tpu.memory_space<vmem>>
    %dma_start3A_275 = tpu.memref_squeeze %dma_start3A_274 : memref<1x128xi32, #tpu.memory_space<vmem>> -> memref<128xi32, #tpu.memory_space<vmem>>
    %dma_start3A_276 = arith.constant 0 : i32
    %dma_start3A_277 = arith.constant 0 : i32
    %dma_start3A_278 = tpu.memref_slice %arg16[%dma_start3A_276, %dma_start3A_277] : memref<10112x64xf32, #tpu.memory_space<vmem_shared>> -> memref<10112x64xf32, #tpu.memory_space<vmem_shared>>
    tpu.enqueue_indirect_dma source(%dma_start3A_278 : memref<10112x64xf32, #tpu.memory_space<vmem_shared>>) target(%arg14 : memref<128x64xf32, #tpu.memory_space<vmem>>) offsets(%dma_start3A_275 : memref<128xi32, #tpu.memory_space<vmem>>) semaphore(%arg21 : memref<!tpu.dma_semaphore, #tpu.memory_space<semaphore_mem>>)
    %scan3A_279 = arith.constant 0 : i32
    %scan3A_280 = arith.constant 0 : i32
    %scan3A_281 = arith.constant 10 : i32
    %scan3A_282 = arith.addi %scan3A_280, %scan3A_281 : i32
    %scan3A_283 = arith.constant 1 : i32
    scf.for %scan3A_286 = %scan3A_280 to %scan3A_282 step %scan3A_283  : i32 {
      %mul3A_287 = arith.constant 4 : i32
      %mul3A_288 = arith.muli %scan3A_286, %mul3A_287 : i32
      %add3A_289 = arith.constant 0 : i32
      %add3A_290 = arith.addi %mul3A_288, %add3A_289 : i32
      %dma_wait3A_291 = arith.constant 0 : i32
      %dma_wait3A_292 = tpu.memref_slice %arg7[%add3A_290, %dma_wait3A_291] : memref<40x128xi32, #tpu.memory_space<vmem>> -> memref<1x128xi32, #tpu.memory_space<vmem>>
      %dma_wait3A_293 = tpu.memref_squeeze %dma_wait3A_292 : memref<1x128xi32, #tpu.memory_space<vmem>> -> memref<128xi32, #tpu.memory_space<vmem>>
      %dma_wait3A_294 = arith.constant 0 : i32
      %dma_wait3A_295 = arith.constant 0 : i32
      %dma_wait3A_296 = tpu.memref_slice %arg16[%dma_wait3A_294, %dma_wait3A_295] : memref<10112x64xf32, #tpu.memory_space<vmem_shared>> -> memref<10112x64xf32, #tpu.memory_space<vmem_shared>>
      tpu.wait_indirect_dma semaphore(%arg18 : memref<!tpu.dma_semaphore, #tpu.memory_space<semaphore_mem>>) src(%dma_wait3A_296 : memref<10112x64xf32, #tpu.memory_space<vmem_shared>>) dst(%arg11 : memref<128x64xf32, #tpu.memory_space<vmem>>)
      %dma_start3A_297 = arith.constant 0 : i32
      %dma_start3A_298 = tpu.memref_slice %arg8[%add3A_290, %dma_start3A_297] : memref<40x128xi32, #tpu.memory_space<vmem>> -> memref<1x128xi32, #tpu.memory_space<vmem>>
      %dma_start3A_299 = tpu.memref_squeeze %dma_start3A_298 : memref<1x128xi32, #tpu.memory_space<vmem>> -> memref<128xi32, #tpu.memory_space<vmem>>
      %dma_start3A_300 = arith.constant 0 : i32
      %dma_start3A_301 = arith.constant 0 : i32
      %dma_start3A_302 = tpu.memref_slice %arg17[%dma_start3A_300, %dma_start3A_301] : memref<10112x64xf32, #tpu.memory_space<vmem_shared>> -> memref<10112x64xf32, #tpu.memory_space<vmem_shared>>
      tpu.enqueue_indirect_dma source(%arg11 : memref<128x64xf32, #tpu.memory_space<vmem>>) target(%dma_start3A_302 : memref<10112x64xf32, #tpu.memory_space<vmem_shared>>) offsets(%dma_start3A_299 : memref<128xi32, #tpu.memory_space<vmem>>) semaphore(%arg22 : memref<!tpu.dma_semaphore, #tpu.memory_space<semaphore_mem>>) {add = true}
      %add3A_303 = arith.constant 1 : i32
      %add3A_304 = arith.addi %mul3A_288, %add3A_303 : i32
      %dma_wait3A_305 = arith.constant 0 : i32
      %dma_wait3A_306 = tpu.memref_slice %arg7[%add3A_304, %dma_wait3A_305] : memref<40x128xi32, #tpu.memory_space<vmem>> -> memref<1x128xi32, #tpu.memory_space<vmem>>
      %dma_wait3A_307 = tpu.memref_squeeze %dma_wait3A_306 : memref<1x128xi32, #tpu.memory_space<vmem>> -> memref<128xi32, #tpu.memory_space<vmem>>
      %dma_wait3A_308 = arith.constant 0 : i32
      %dma_wait3A_309 = arith.constant 0 : i32
      %dma_wait3A_310 = tpu.memref_slice %arg16[%dma_wait3A_308, %dma_wait3A_309] : memref<10112x64xf32, #tpu.memory_space<vmem_shared>> -> memref<10112x64xf32, #tpu.memory_space<vmem_shared>>
      tpu.wait_indirect_dma semaphore(%arg19 : memref<!tpu.dma_semaphore, #tpu.memory_space<semaphore_mem>>) src(%dma_wait3A_310 : memref<10112x64xf32, #tpu.memory_space<vmem_shared>>) dst(%arg12 : memref<128x64xf32, #tpu.memory_space<vmem>>)
      %dma_start3A_311 = arith.constant 0 : i32
      %dma_start3A_312 = tpu.memref_slice %arg8[%add3A_304, %dma_start3A_311] : memref<40x128xi32, #tpu.memory_space<vmem>> -> memref<1x128xi32, #tpu.memory_space<vmem>>
      %dma_start3A_313 = tpu.memref_squeeze %dma_start3A_312 : memref<1x128xi32, #tpu.memory_space<vmem>> -> memref<128xi32, #tpu.memory_space<vmem>>
      %dma_start3A_314 = arith.constant 0 : i32
      %dma_start3A_315 = arith.constant 0 : i32
      %dma_start3A_316 = tpu.memref_slice %arg17[%dma_start3A_314, %dma_start3A_315] : memref<10112x64xf32, #tpu.memory_space<vmem_shared>> -> memref<10112x64xf32, #tpu.memory_space<vmem_shared>>
      tpu.enqueue_indirect_dma source(%arg12 : memref<128x64xf32, #tpu.memory_space<vmem>>) target(%dma_start3A_316 : memref<10112x64xf32, #tpu.memory_space<vmem_shared>>) offsets(%dma_start3A_313 : memref<128xi32, #tpu.memory_space<vmem>>) semaphore(%arg23 : memref<!tpu.dma_semaphore, #tpu.memory_space<semaphore_mem>>) {add = true}
      %add3A_317 = arith.constant 2 : i32
      %add3A_318 = arith.addi %mul3A_288, %add3A_317 : i32
      %dma_wait3A_319 = arith.constant 0 : i32
      %dma_wait3A_320 = tpu.memref_slice %arg7[%add3A_318, %dma_wait3A_319] : memref<40x128xi32, #tpu.memory_space<vmem>> -> memref<1x128xi32, #tpu.memory_space<vmem>>
      %dma_wait3A_321 = tpu.memref_squeeze %dma_wait3A_320 : memref<1x128xi32, #tpu.memory_space<vmem>> -> memref<128xi32, #tpu.memory_space<vmem>>
      %dma_wait3A_322 = arith.constant 0 : i32
      %dma_wait3A_323 = arith.constant 0 : i32
      %dma_wait3A_324 = tpu.memref_slice %arg16[%dma_wait3A_322, %dma_wait3A_323] : memref<10112x64xf32, #tpu.memory_space<vmem_shared>> -> memref<10112x64xf32, #tpu.memory_space<vmem_shared>>
      tpu.wait_indirect_dma semaphore(%arg20 : memref<!tpu.dma_semaphore, #tpu.memory_space<semaphore_mem>>) src(%dma_wait3A_324 : memref<10112x64xf32, #tpu.memory_space<vmem_shared>>) dst(%arg13 : memref<128x64xf32, #tpu.memory_space<vmem>>)
      %dma_start3A_325 = arith.constant 0 : i32
      %dma_start3A_326 = tpu.memref_slice %arg8[%add3A_318, %dma_start3A_325] : memref<40x128xi32, #tpu.memory_space<vmem>> -> memref<1x128xi32, #tpu.memory_space<vmem>>
      %dma_start3A_327 = tpu.memref_squeeze %dma_start3A_326 : memref<1x128xi32, #tpu.memory_space<vmem>> -> memref<128xi32, #tpu.memory_space<vmem>>
      %dma_start3A_328 = arith.constant 0 : i32
      %dma_start3A_329 = arith.constant 0 : i32
      %dma_start3A_330 = tpu.memref_slice %arg17[%dma_start3A_328, %dma_start3A_329] : memref<10112x64xf32, #tpu.memory_space<vmem_shared>> -> memref<10112x64xf32, #tpu.memory_space<vmem_shared>>
      tpu.enqueue_indirect_dma source(%arg13 : memref<128x64xf32, #tpu.memory_space<vmem>>) target(%dma_start3A_330 : memref<10112x64xf32, #tpu.memory_space<vmem_shared>>) offsets(%dma_start3A_327 : memref<128xi32, #tpu.memory_space<vmem>>) semaphore(%arg24 : memref<!tpu.dma_semaphore, #tpu.memory_space<semaphore_mem>>) {add = true}
      %add3A_331 = arith.constant 3 : i32
      %add3A_332 = arith.addi %mul3A_288, %add3A_331 : i32
      %dma_wait3A_333 = arith.constant 0 : i32
      %dma_wait3A_334 = tpu.memref_slice %arg7[%add3A_332, %dma_wait3A_333] : memref<40x128xi32, #tpu.memory_space<vmem>> -> memref<1x128xi32, #tpu.memory_space<vmem>>
      %dma_wait3A_335 = tpu.memref_squeeze %dma_wait3A_334 : memref<1x128xi32, #tpu.memory_space<vmem>> -> memref<128xi32, #tpu.memory_space<vmem>>
      %dma_wait3A_336 = arith.constant 0 : i32
      %dma_wait3A_337 = arith.constant 0 : i32
      %dma_wait3A_338 = tpu.memref_slice %arg16[%dma_wait3A_336, %dma_wait3A_337] : memref<10112x64xf32, #tpu.memory_space<vmem_shared>> -> memref<10112x64xf32, #tpu.memory_space<vmem_shared>>
      tpu.wait_indirect_dma semaphore(%arg21 : memref<!tpu.dma_semaphore, #tpu.memory_space<semaphore_mem>>) src(%dma_wait3A_338 : memref<10112x64xf32, #tpu.memory_space<vmem_shared>>) dst(%arg14 : memref<128x64xf32, #tpu.memory_space<vmem>>)
      %dma_start3A_339 = arith.constant 0 : i32
      %dma_start3A_340 = tpu.memref_slice %arg8[%add3A_332, %dma_start3A_339] : memref<40x128xi32, #tpu.memory_space<vmem>> -> memref<1x128xi32, #tpu.memory_space<vmem>>
      %dma_start3A_341 = tpu.memref_squeeze %dma_start3A_340 : memref<1x128xi32, #tpu.memory_space<vmem>> -> memref<128xi32, #tpu.memory_space<vmem>>
      %dma_start3A_342 = arith.constant 0 : i32
      %dma_start3A_343 = arith.constant 0 : i32
      %dma_start3A_344 = tpu.memref_slice %arg17[%dma_start3A_342, %dma_start3A_343] : memref<10112x64xf32, #tpu.memory_space<vmem_shared>> -> memref<10112x64xf32, #tpu.memory_space<vmem_shared>>
      tpu.enqueue_indirect_dma source(%arg14 : memref<128x64xf32, #tpu.memory_space<vmem>>) target(%dma_start3A_344 : memref<10112x64xf32, #tpu.memory_space<vmem_shared>>) offsets(%dma_start3A_341 : memref<128xi32, #tpu.memory_space<vmem>>) semaphore(%arg25 : memref<!tpu.dma_semaphore, #tpu.memory_space<semaphore_mem>>) {add = true}
      %add3A_345 = arith.constant 0 : i32
      %add3A_346 = arith.addi %mul3A_288, %add3A_345 : i32
      %dma_wait3A_347 = arith.constant 0 : i32
      %dma_wait3A_348 = tpu.memref_slice %arg8[%add3A_346, %dma_wait3A_347] : memref<40x128xi32, #tpu.memory_space<vmem>> -> memref<1x128xi32, #tpu.memory_space<vmem>>
      %dma_wait3A_349 = tpu.memref_squeeze %dma_wait3A_348 : memref<1x128xi32, #tpu.memory_space<vmem>> -> memref<128xi32, #tpu.memory_space<vmem>>
      %dma_wait3A_350 = arith.constant 0 : i32
      %dma_wait3A_351 = arith.constant 0 : i32
      %dma_wait3A_352 = tpu.memref_slice %arg17[%dma_wait3A_350, %dma_wait3A_351] : memref<10112x64xf32, #tpu.memory_space<vmem_shared>> -> memref<10112x64xf32, #tpu.memory_space<vmem_shared>>
      tpu.wait_indirect_dma semaphore(%arg22 : memref<!tpu.dma_semaphore, #tpu.memory_space<semaphore_mem>>) src(%arg11 : memref<128x64xf32, #tpu.memory_space<vmem>>) dst(%dma_wait3A_352 : memref<10112x64xf32, #tpu.memory_space<vmem_shared>>)
      %add3A_353 = arith.constant 4 : i32
      %add3A_354 = arith.addi %add3A_346, %add3A_353 : i32
      %lt3A = arith.constant 40 : i32
      %lt3A_355 = arith.cmpi slt, %add3A_354, %lt3A : i32
      %convert_element_type3A = arith.extui %lt3A_355 : i1 to i32
      %cond3A = arith.constant 0 : i32
      %cond3A_356 = arith.cmpi ne, %convert_element_type3A, %cond3A : i32
      scf.if %cond3A_356 {
        %add3A_402 = arith.constant 4 : i32
        %add3A_403 = arith.addi %add3A_346, %add3A_402 : i32
        %dma_start3A_404 = arith.constant 0 : i32
        %dma_start3A_405 = tpu.memref_slice %arg7[%add3A_403, %dma_start3A_404] : memref<40x128xi32, #tpu.memory_space<vmem>> -> memref<1x128xi32, #tpu.memory_space<vmem>>
        %dma_start3A_406 = tpu.memref_squeeze %dma_start3A_405 : memref<1x128xi32, #tpu.memory_space<vmem>> -> memref<128xi32, #tpu.memory_space<vmem>>
        %dma_start3A_407 = arith.constant 0 : i32
        %dma_start3A_408 = arith.constant 0 : i32
        %dma_start3A_409 = tpu.memref_slice %arg16[%dma_start3A_407, %dma_start3A_408] : memref<10112x64xf32, #tpu.memory_space<vmem_shared>> -> memref<10112x64xf32, #tpu.memory_space<vmem_shared>>
        tpu.enqueue_indirect_dma source(%dma_start3A_409 : memref<10112x64xf32, #tpu.memory_space<vmem_shared>>) target(%arg11 : memref<128x64xf32, #tpu.memory_space<vmem>>) offsets(%dma_start3A_406 : memref<128xi32, #tpu.memory_space<vmem>>) semaphore(%arg18 : memref<!tpu.dma_semaphore, #tpu.memory_space<semaphore_mem>>)
      } else {
      }
      %add3A_357 = arith.constant 1 : i32
      %add3A_358 = arith.addi %mul3A_288, %add3A_357 : i32
      %dma_wait3A_359 = arith.constant 0 : i32
      %dma_wait3A_360 = tpu.memref_slice %arg8[%add3A_358, %dma_wait3A_359] : memref<40x128xi32, #tpu.memory_space<vmem>> -> memref<1x128xi32, #tpu.memory_space<vmem>>
      %dma_wait3A_361 = tpu.memref_squeeze %dma_wait3A_360 : memref<1x128xi32, #tpu.memory_space<vmem>> -> memref<128xi32, #tpu.memory_space<vmem>>
      %dma_wait3A_362 = arith.constant 0 : i32
      %dma_wait3A_363 = arith.constant 0 : i32
      %dma_wait3A_364 = tpu.memref_slice %arg17[%dma_wait3A_362, %dma_wait3A_363] : memref<10112x64xf32, #tpu.memory_space<vmem_shared>> -> memref<10112x64xf32, #tpu.memory_space<vmem_shared>>
      tpu.wait_indirect_dma semaphore(%arg23 : memref<!tpu.dma_semaphore, #tpu.memory_space<semaphore_mem>>) src(%arg12 : memref<128x64xf32, #tpu.memory_space<vmem>>) dst(%dma_wait3A_364 : memref<10112x64xf32, #tpu.memory_space<vmem_shared>>)
      %add3A_365 = arith.constant 4 : i32
      %add3A_366 = arith.addi %add3A_358, %add3A_365 : i32
      %lt3A_367 = arith.constant 40 : i32
      %lt3A_368 = arith.cmpi slt, %add3A_366, %lt3A_367 : i32
      %convert_element_type3A_369 = arith.extui %lt3A_368 : i1 to i32
      %cond3A_370 = arith.constant 0 : i32
      %cond3A_371 = arith.cmpi ne, %convert_element_type3A_369, %cond3A_370 : i32
      scf.if %cond3A_371 {
        %add3A_402 = arith.constant 4 : i32
        %add3A_403 = arith.addi %add3A_358, %add3A_402 : i32
        %dma_start3A_404 = arith.constant 0 : i32
        %dma_start3A_405 = tpu.memref_slice %arg7[%add3A_403, %dma_start3A_404] : memref<40x128xi32, #tpu.memory_space<vmem>> -> memref<1x128xi32, #tpu.memory_space<vmem>>
        %dma_start3A_406 = tpu.memref_squeeze %dma_start3A_405 : memref<1x128xi32, #tpu.memory_space<vmem>> -> memref<128xi32, #tpu.memory_space<vmem>>
        %dma_start3A_407 = arith.constant 0 : i32
        %dma_start3A_408 = arith.constant 0 : i32
        %dma_start3A_409 = tpu.memref_slice %arg16[%dma_start3A_407, %dma_start3A_408] : memref<10112x64xf32, #tpu.memory_space<vmem_shared>> -> memref<10112x64xf32, #tpu.memory_space<vmem_shared>>
        tpu.enqueue_indirect_dma source(%dma_start3A_409 : memref<10112x64xf32, #tpu.memory_space<vmem_shared>>) target(%arg12 : memref<128x64xf32, #tpu.memory_space<vmem>>) offsets(%dma_start3A_406 : memref<128xi32, #tpu.memory_space<vmem>>) semaphore(%arg19 : memref<!tpu.dma_semaphore, #tpu.memory_space<semaphore_mem>>)
      } else {
      }
      %add3A_372 = arith.constant 2 : i32
      %add3A_373 = arith.addi %mul3A_288, %add3A_372 : i32
      %dma_wait3A_374 = arith.constant 0 : i32
      %dma_wait3A_375 = tpu.memref_slice %arg8[%add3A_373, %dma_wait3A_374] : memref<40x128xi32, #tpu.memory_space<vmem>> -> memref<1x128xi32, #tpu.memory_space<vmem>>
      %dma_wait3A_376 = tpu.memref_squeeze %dma_wait3A_375 : memref<1x128xi32, #tpu.memory_space<vmem>> -> memref<128xi32, #tpu.memory_space<vmem>>
      %dma_wait3A_377 = arith.constant 0 : i32
      %dma_wait3A_378 = arith.constant 0 : i32
      %dma_wait3A_379 = tpu.memref_slice %arg17[%dma_wait3A_377, %dma_wait3A_378] : memref<10112x64xf32, #tpu.memory_space<vmem_shared>> -> memref<10112x64xf32, #tpu.memory_space<vmem_shared>>
      tpu.wait_indirect_dma semaphore(%arg24 : memref<!tpu.dma_semaphore, #tpu.memory_space<semaphore_mem>>) src(%arg13 : memref<128x64xf32, #tpu.memory_space<vmem>>) dst(%dma_wait3A_379 : memref<10112x64xf32, #tpu.memory_space<vmem_shared>>)
      %add3A_380 = arith.constant 4 : i32
      %add3A_381 = arith.addi %add3A_373, %add3A_380 : i32
      %lt3A_382 = arith.constant 40 : i32
      %lt3A_383 = arith.cmpi slt, %add3A_381, %lt3A_382 : i32
      %convert_element_type3A_384 = arith.extui %lt3A_383 : i1 to i32
      %cond3A_385 = arith.constant 0 : i32
      %cond3A_386 = arith.cmpi ne, %convert_element_type3A_384, %cond3A_385 : i32
      scf.if %cond3A_386 {
        %add3A_402 = arith.constant 4 : i32
        %add3A_403 = arith.addi %add3A_373, %add3A_402 : i32
        %dma_start3A_404 = arith.constant 0 : i32
        %dma_start3A_405 = tpu.memref_slice %arg7[%add3A_403, %dma_start3A_404] : memref<40x128xi32, #tpu.memory_space<vmem>> -> memref<1x128xi32, #tpu.memory_space<vmem>>
        %dma_start3A_406 = tpu.memref_squeeze %dma_start3A_405 : memref<1x128xi32, #tpu.memory_space<vmem>> -> memref<128xi32, #tpu.memory_space<vmem>>
        %dma_start3A_407 = arith.constant 0 : i32
        %dma_start3A_408 = arith.constant 0 : i32
        %dma_start3A_409 = tpu.memref_slice %arg16[%dma_start3A_407, %dma_start3A_408] : memref<10112x64xf32, #tpu.memory_space<vmem_shared>> -> memref<10112x64xf32, #tpu.memory_space<vmem_shared>>
        tpu.enqueue_indirect_dma source(%dma_start3A_409 : memref<10112x64xf32, #tpu.memory_space<vmem_shared>>) target(%arg13 : memref<128x64xf32, #tpu.memory_space<vmem>>) offsets(%dma_start3A_406 : memref<128xi32, #tpu.memory_space<vmem>>) semaphore(%arg20 : memref<!tpu.dma_semaphore, #tpu.memory_space<semaphore_mem>>)
      } else {
      }
      %add3A_387 = arith.constant 3 : i32
      %add3A_388 = arith.addi %mul3A_288, %add3A_387 : i32
      %dma_wait3A_389 = arith.constant 0 : i32
      %dma_wait3A_390 = tpu.memref_slice %arg8[%add3A_388, %dma_wait3A_389] : memref<40x128xi32, #tpu.memory_space<vmem>> -> memref<1x128xi32, #tpu.memory_space<vmem>>
      %dma_wait3A_391 = tpu.memref_squeeze %dma_wait3A_390 : memref<1x128xi32, #tpu.memory_space<vmem>> -> memref<128xi32, #tpu.memory_space<vmem>>
      %dma_wait3A_392 = arith.constant 0 : i32
      %dma_wait3A_393 = arith.constant 0 : i32
      %dma_wait3A_394 = tpu.memref_slice %arg17[%dma_wait3A_392, %dma_wait3A_393] : memref<10112x64xf32, #tpu.memory_space<vmem_shared>> -> memref<10112x64xf32, #tpu.memory_space<vmem_shared>>
      tpu.wait_indirect_dma semaphore(%arg25 : memref<!tpu.dma_semaphore, #tpu.memory_space<semaphore_mem>>) src(%arg14 : memref<128x64xf32, #tpu.memory_space<vmem>>) dst(%dma_wait3A_394 : memref<10112x64xf32, #tpu.memory_space<vmem_shared>>)
      %add3A_395 = arith.constant 4 : i32
      %add3A_396 = arith.addi %add3A_388, %add3A_395 : i32
      %lt3A_397 = arith.constant 40 : i32
      %lt3A_398 = arith.cmpi slt, %add3A_396, %lt3A_397 : i32
      %convert_element_type3A_399 = arith.extui %lt3A_398 : i1 to i32
      %cond3A_400 = arith.constant 0 : i32
      %cond3A_401 = arith.cmpi ne, %convert_element_type3A_399, %cond3A_400 : i32
      scf.if %cond3A_401 {
        %add3A_402 = arith.constant 4 : i32
        %add3A_403 = arith.addi %add3A_388, %add3A_402 : i32
        %dma_start3A_404 = arith.constant 0 : i32
        %dma_start3A_405 = tpu.memref_slice %arg7[%add3A_403, %dma_start3A_404] : memref<40x128xi32, #tpu.memory_space<vmem>> -> memref<1x128xi32, #tpu.memory_space<vmem>>
        %dma_start3A_406 = tpu.memref_squeeze %dma_start3A_405 : memref<1x128xi32, #tpu.memory_space<vmem>> -> memref<128xi32, #tpu.memory_space<vmem>>
        %dma_start3A_407 = arith.constant 0 : i32
        %dma_start3A_408 = arith.constant 0 : i32
        %dma_start3A_409 = tpu.memref_slice %arg16[%dma_start3A_407, %dma_start3A_408] : memref<10112x64xf32, #tpu.memory_space<vmem_shared>> -> memref<10112x64xf32, #tpu.memory_space<vmem_shared>>
        tpu.enqueue_indirect_dma source(%dma_start3A_409 : memref<10112x64xf32, #tpu.memory_space<vmem_shared>>) target(%arg14 : memref<128x64xf32, #tpu.memory_space<vmem>>) offsets(%dma_start3A_406 : memref<128xi32, #tpu.memory_space<vmem>>) semaphore(%arg21 : memref<!tpu.dma_semaphore, #tpu.memory_space<semaphore_mem>>)
      } else {
      }
    }
    %scan3A_284 = arith.constant 10 : i32
    %barrier3A_285 = arith.constant 0 : index
    tpu.barrier barrier_id(%barrier3A_285)
    "tpu.region"() ({
      %run_scoped3A_286 = tpu.sem_alloc : memref<!tpu.dma_semaphore, #tpu.memory_space<semaphore_mem>>
      %dma_start3A_287 = arith.constant 0 : i32
      %dma_start3A_288 = tpu.memref_slice %arg6[%arg0, %mul3A_2, %dma_start3A_287] : memref<2x10112x64xf32, #tpu.memory_space<hbm>> -> memref<1x632x64xf32, #tpu.memory_space<hbm>>
      %dma_start3A_289 = tpu.memref_squeeze %dma_start3A_288 : memref<1x632x64xf32, #tpu.memory_space<hbm>> -> memref<632x64xf32, #tpu.memory_space<hbm>>
      %dma_start3A_290 = arith.constant 0 : i32
      %dma_start3A_291 = tpu.memref_slice %arg17[%mul3A_2, %dma_start3A_290] : memref<10112x64xf32, #tpu.memory_space<vmem_shared>> -> memref<632x64xf32, #tpu.memory_space<vmem_shared>>
      tpu.enqueue_dma source(%dma_start3A_291 : memref<632x64xf32, #tpu.memory_space<vmem_shared>>) target(%dma_start3A_289 : memref<632x64xf32, #tpu.memory_space<hbm>>) target_semaphore(%run_scoped3A_286 : memref<!tpu.dma_semaphore, #tpu.memory_space<semaphore_mem>>)
      %dma_wait3A_292 = arith.constant 0 : i32
      %dma_wait3A_293 = tpu.memref_slice %arg6[%arg0, %mul3A_2, %dma_wait3A_292] : memref<2x10112x64xf32, #tpu.memory_space<hbm>> -> memref<1x632x64xf32, #tpu.memory_space<hbm>>
      %dma_wait3A_294 = tpu.memref_squeeze %dma_wait3A_293 : memref<1x632x64xf32, #tpu.memory_space<hbm>> -> memref<632x64xf32, #tpu.memory_space<hbm>>
      %dma_wait3A_295 = arith.constant 0 : i32
      %dma_wait3A_296 = tpu.memref_slice %arg17[%mul3A_2, %dma_wait3A_295] : memref<10112x64xf32, #tpu.memory_space<vmem_shared>> -> memref<632x64xf32, #tpu.memory_space<vmem_shared>>
      tpu.wait_dma2 semaphore(%run_scoped3A_286 : memref<!tpu.dma_semaphore, #tpu.memory_space<semaphore_mem>>) src(%dma_wait3A_296 : memref<632x64xf32, #tpu.memory_space<vmem_shared>>) dst(%dma_wait3A_294 : memref<632x64xf32, #tpu.memory_space<hbm>>)
      tpu.yield
    }) : () -> ()
    return
  }
}

#map = affine_map<(d0, d1) -> (0, 0, 0)>
#map1 = affine_map<(d0, d1) -> (0)>
#map2 = affine_map<(d0, d1) -> (0, 0)>
module attributes {stable_mosaic.version = 14 : i64} {
  func.func @combine(%arg0: i32, %arg1: i32, %arg2: memref<2x10112x64xf32, #tpu.memory_space<hbm>>, %arg3: memref<64xf32, #tpu.memory_space<hbm>>, %arg4: memref<10000x64xf32, #tpu.memory_space<hbm>>, %arg5: memref<313x64xf32, #tpu.memory_space<vmem>>, %arg6: memref<313x64xf32, #tpu.memory_space<vmem>>, %arg7: memref<64xf32, #tpu.memory_space<vmem>>, %arg8: memref<!tpu.dma_semaphore, #tpu.memory_space<semaphore_mem>>, %arg9: memref<!tpu.dma_semaphore, #tpu.memory_space<semaphore_mem>>) attributes {dimension_semantics = [#tpu.dimension_semantics<core_parallel>, #tpu.dimension_semantics<subcore_parallel>], iteration_bounds = array<i64: 2, 16>, scalar_prefetch = 0 : i64, scratch_operands = 5 : i64, tpu.core_type = #tpu.core_type<sc_vector_subcore>, window_params = [{transform_indices = #map}, {transform_indices = #map1}, {transform_indices = #map2}]} {
    %mul3A = arith.constant 2 : i32
    %mul3A_0 = arith.muli %arg1, %mul3A : i32
    %add3A = arith.addi %mul3A_0, %arg0 : i32
    %mul3A_1 = arith.constant 313 : i32
    %mul3A_2 = arith.muli %add3A, %mul3A_1 : i32
    %lt3A = arith.constant 31 : i32
    %lt3A_3 = arith.cmpi slt, %add3A, %lt3A : i32
    %convert_element_type3A = arith.extui %lt3A_3 : i1 to i32
    %cond3A = arith.constant 0 : i32
    %cond3A_4 = arith.cmpi ne, %convert_element_type3A, %cond3A : i32
    scf.if %cond3A_4 {
      %dma_start3A = arith.constant 0 : i32
      %dma_start3A_9 = arith.constant 0 : i32
      %dma_start3A_10 = arith.constant 0 : i32
      %dma_start3A_11 = tpu.memref_slice %arg5[%dma_start3A_9, %dma_start3A_10] : memref<313x64xf32, #tpu.memory_space<vmem>> -> memref<313x64xf32, #tpu.memory_space<vmem>>
      %dma_start3A_12 = arith.constant 0 : i32
      %dma_start3A_13 = tpu.memref_slice %arg2[%dma_start3A, %mul3A_2, %dma_start3A_12] : memref<2x10112x64xf32, #tpu.memory_space<hbm>> -> memref<1x313x64xf32, #tpu.memory_space<hbm>>
      %dma_start3A_14 = tpu.memref_squeeze %dma_start3A_13 : memref<1x313x64xf32, #tpu.memory_space<hbm>> -> memref<313x64xf32, #tpu.memory_space<hbm>>
      %dma_start3A_15 = arith.constant 0 : i32
      %dma_start3A_16 = arith.constant 0 : i32
      %dma_start3A_17 = tpu.memref_slice %arg5[%dma_start3A_15, %dma_start3A_16] : memref<313x64xf32, #tpu.memory_space<vmem>> -> memref<313x64xf32, #tpu.memory_space<vmem>>
      %dma_start3A_18 = arith.constant 0 : i32
      %dma_start3A_19 = tpu.memref_slice %arg2[%dma_start3A, %mul3A_2, %dma_start3A_18] : memref<2x10112x64xf32, #tpu.memory_space<hbm>> -> memref<1x313x64xf32, #tpu.memory_space<hbm>>
      %dma_start3A_20 = tpu.memref_squeeze %dma_start3A_19 : memref<1x313x64xf32, #tpu.memory_space<hbm>> -> memref<313x64xf32, #tpu.memory_space<hbm>>
      tpu.enqueue_dma source(%dma_start3A_20 : memref<313x64xf32, #tpu.memory_space<hbm>>) target(%dma_start3A_17 : memref<313x64xf32, #tpu.memory_space<vmem>>) target_semaphore(%arg8 : memref<!tpu.dma_semaphore, #tpu.memory_space<semaphore_mem>>)
      %dma_start3A_21 = arith.constant 1 : i32
      %dma_start3A_22 = arith.constant 0 : i32
      %dma_start3A_23 = arith.constant 0 : i32
      %dma_start3A_24 = tpu.memref_slice %arg6[%dma_start3A_22, %dma_start3A_23] : memref<313x64xf32, #tpu.memory_space<vmem>> -> memref<313x64xf32, #tpu.memory_space<vmem>>
      %dma_start3A_25 = arith.constant 0 : i32
      %dma_start3A_26 = tpu.memref_slice %arg2[%dma_start3A_21, %mul3A_2, %dma_start3A_25] : memref<2x10112x64xf32, #tpu.memory_space<hbm>> -> memref<1x313x64xf32, #tpu.memory_space<hbm>>
      %dma_start3A_27 = tpu.memref_squeeze %dma_start3A_26 : memref<1x313x64xf32, #tpu.memory_space<hbm>> -> memref<313x64xf32, #tpu.memory_space<hbm>>
      %dma_start3A_28 = arith.constant 0 : i32
      %dma_start3A_29 = arith.constant 0 : i32
      %dma_start3A_30 = tpu.memref_slice %arg6[%dma_start3A_28, %dma_start3A_29] : memref<313x64xf32, #tpu.memory_space<vmem>> -> memref<313x64xf32, #tpu.memory_space<vmem>>
      %dma_start3A_31 = arith.constant 0 : i32
      %dma_start3A_32 = tpu.memref_slice %arg2[%dma_start3A_21, %mul3A_2, %dma_start3A_31] : memref<2x10112x64xf32, #tpu.memory_space<hbm>> -> memref<1x313x64xf32, #tpu.memory_space<hbm>>
      %dma_start3A_33 = tpu.memref_squeeze %dma_start3A_32 : memref<1x313x64xf32, #tpu.memory_space<hbm>> -> memref<313x64xf32, #tpu.memory_space<hbm>>
      tpu.enqueue_dma source(%dma_start3A_33 : memref<313x64xf32, #tpu.memory_space<hbm>>) target(%dma_start3A_30 : memref<313x64xf32, #tpu.memory_space<vmem>>) target_semaphore(%arg9 : memref<!tpu.dma_semaphore, #tpu.memory_space<semaphore_mem>>)
      "tpu.region"() ({
        %run_scoped3A = tpu.sem_alloc : memref<!tpu.dma_semaphore, #tpu.memory_space<semaphore_mem>>
        tpu.enqueue_dma source(%arg3 : memref<64xf32, #tpu.memory_space<hbm>>) target(%arg7 : memref<64xf32, #tpu.memory_space<vmem>>) target_semaphore(%run_scoped3A : memref<!tpu.dma_semaphore, #tpu.memory_space<semaphore_mem>>)
        tpu.wait_dma2 semaphore(%run_scoped3A : memref<!tpu.dma_semaphore, #tpu.memory_space<semaphore_mem>>) src(%arg3 : memref<64xf32, #tpu.memory_space<hbm>>) dst(%arg7 : memref<64xf32, #tpu.memory_space<vmem>>)
        tpu.yield
      }) : () -> ()
      %get3A = arith.constant 0 : index
      %get3A_34 = tpu.vector_load %arg7[%get3A] {strides = array<i32>} : memref<64xf32, #tpu.memory_space<vmem>>, vector<16xf32>,
      %get3A_35 = vector.shape_cast %get3A_34 : vector<16xf32> to vector<16xf32>
      %get3A_36 = arith.constant 16 : index
      %get3A_37 = tpu.vector_load %arg7[%get3A_36] {strides = array<i32>} : memref<64xf32, #tpu.memory_space<vmem>>, vector<16xf32>,
      %get3A_38 = vector.shape_cast %get3A_37 : vector<16xf32> to vector<16xf32>
      %get3A_39 = arith.constant 32 : index
      %get3A_40 = tpu.vector_load %arg7[%get3A_39] {strides = array<i32>} : memref<64xf32, #tpu.memory_space<vmem>>, vector<16xf32>,
      %get3A_41 = vector.shape_cast %get3A_40 : vector<16xf32> to vector<16xf32>
      %get3A_42 = arith.constant 48 : index
      %get3A_43 = tpu.vector_load %arg7[%get3A_42] {strides = array<i32>} : memref<64xf32, #tpu.memory_space<vmem>>, vector<16xf32>,
      %get3A_44 = vector.shape_cast %get3A_43 : vector<16xf32> to vector<16xf32>
      %dma_wait3A = arith.constant 0 : i32
      %dma_wait3A_45 = arith.constant 0 : i32
      %dma_wait3A_46 = arith.constant 0 : i32
      %dma_wait3A_47 = tpu.memref_slice %arg5[%dma_wait3A_45, %dma_wait3A_46] : memref<313x64xf32, #tpu.memory_space<vmem>> -> memref<313x64xf32, #tpu.memory_space<vmem>>
      %dma_wait3A_48 = arith.constant 0 : i32
      %dma_wait3A_49 = tpu.memref_slice %arg2[%dma_wait3A, %mul3A_2, %dma_wait3A_48] : memref<2x10112x64xf32, #tpu.memory_space<hbm>> -> memref<1x313x64xf32, #tpu.memory_space<hbm>>
      %dma_wait3A_50 = tpu.memref_squeeze %dma_wait3A_49 : memref<1x313x64xf32, #tpu.memory_space<hbm>> -> memref<313x64xf32, #tpu.memory_space<hbm>>
      %dma_wait3A_51 = arith.constant 0 : i32
      %dma_wait3A_52 = arith.constant 0 : i32
      %dma_wait3A_53 = tpu.memref_slice %arg5[%dma_wait3A_51, %dma_wait3A_52] : memref<313x64xf32, #tpu.memory_space<vmem>> -> memref<313x64xf32, #tpu.memory_space<vmem>>
      %dma_wait3A_54 = arith.constant 0 : i32
      %dma_wait3A_55 = tpu.memref_slice %arg2[%dma_wait3A, %mul3A_2, %dma_wait3A_54] : memref<2x10112x64xf32, #tpu.memory_space<hbm>> -> memref<1x313x64xf32, #tpu.memory_space<hbm>>
      %dma_wait3A_56 = tpu.memref_squeeze %dma_wait3A_55 : memref<1x313x64xf32, #tpu.memory_space<hbm>> -> memref<313x64xf32, #tpu.memory_space<hbm>>
      tpu.wait_dma2 semaphore(%arg8 : memref<!tpu.dma_semaphore, #tpu.memory_space<semaphore_mem>>) src(%dma_wait3A_56 : memref<313x64xf32, #tpu.memory_space<hbm>>) dst(%dma_wait3A_53 : memref<313x64xf32, #tpu.memory_space<vmem>>)
      %dma_wait3A_57 = arith.constant 1 : i32
      %dma_wait3A_58 = arith.constant 0 : i32
      %dma_wait3A_59 = arith.constant 0 : i32
      %dma_wait3A_60 = tpu.memref_slice %arg6[%dma_wait3A_58, %dma_wait3A_59] : memref<313x64xf32, #tpu.memory_space<vmem>> -> memref<313x64xf32, #tpu.memory_space<vmem>>
      %dma_wait3A_61 = arith.constant 0 : i32
      %dma_wait3A_62 = tpu.memref_slice %arg2[%dma_wait3A_57, %mul3A_2, %dma_wait3A_61] : memref<2x10112x64xf32, #tpu.memory_space<hbm>> -> memref<1x313x64xf32, #tpu.memory_space<hbm>>
      %dma_wait3A_63 = tpu.memref_squeeze %dma_wait3A_62 : memref<1x313x64xf32, #tpu.memory_space<hbm>> -> memref<313x64xf32, #tpu.memory_space<hbm>>
      %dma_wait3A_64 = arith.constant 0 : i32
      %dma_wait3A_65 = arith.constant 0 : i32
      %dma_wait3A_66 = tpu.memref_slice %arg6[%dma_wait3A_64, %dma_wait3A_65] : memref<313x64xf32, #tpu.memory_space<vmem>> -> memref<313x64xf32, #tpu.memory_space<vmem>>
      %dma_wait3A_67 = arith.constant 0 : i32
      %dma_wait3A_68 = tpu.memref_slice %arg2[%dma_wait3A_57, %mul3A_2, %dma_wait3A_67] : memref<2x10112x64xf32, #tpu.memory_space<hbm>> -> memref<1x313x64xf32, #tpu.memory_space<hbm>>
      %dma_wait3A_69 = tpu.memref_squeeze %dma_wait3A_68 : memref<1x313x64xf32, #tpu.memory_space<hbm>> -> memref<313x64xf32, #tpu.memory_space<hbm>>
      tpu.wait_dma2 semaphore(%arg9 : memref<!tpu.dma_semaphore, #tpu.memory_space<semaphore_mem>>) src(%dma_wait3A_69 : memref<313x64xf32, #tpu.memory_space<hbm>>) dst(%dma_wait3A_66 : memref<313x64xf32, #tpu.memory_space<vmem>>)
      %scan3A = arith.constant 0 : i32
      %scan3A_70 = arith.constant 0 : i32
      %scan3A_71 = arith.constant 313 : i32
      %scan3A_72 = arith.addi %scan3A_70, %scan3A_71 : i32
      %scan3A_73 = arith.constant 1 : i32
      scf.for %scan3A_75 = %scan3A_70 to %scan3A_72 step %scan3A_73  : i32 {
        %get3A_76 = arith.index_cast %scan3A_75 : i32 to index
        %get3A_77 = arith.constant 0 : index
        %get3A_78 = tpu.vector_load %arg5[%get3A_76, %get3A_77] {strides = array<i32>} : memref<313x64xf32, #tpu.memory_space<vmem>>, vector<1x16xf32>,
        %get3A_79 = vector.shape_cast %get3A_78 : vector<1x16xf32> to vector<16xf32>
        %get3A_80 = arith.index_cast %scan3A_75 : i32 to index
        %get3A_81 = arith.constant 0 : index
        %get3A_82 = tpu.vector_load %arg6[%get3A_80, %get3A_81] {strides = array<i32>} : memref<313x64xf32, #tpu.memory_space<vmem>>, vector<1x16xf32>,
        %get3A_83 = vector.shape_cast %get3A_82 : vector<1x16xf32> to vector<16xf32>
        %add3A_84 = arith.addf %get3A_79, %get3A_83 : vector<16xf32>
        %add3A_85 = arith.addf %add3A_84, %get3A_35 : vector<16xf32>
        %swap3A = arith.index_cast %scan3A_75 : i32 to index
        %swap3A_86 = arith.constant 0 : index
        %swap3A_87 = tpu.vector_load %arg5[%swap3A, %swap3A_86] {strides = array<i32>} : memref<313x64xf32, #tpu.memory_space<vmem>>, vector<1x16xf32>,
        %swap3A_88 = vector.shape_cast %swap3A_87 : vector<1x16xf32> to vector<16xf32>
        %swap3A_89 = vector.shape_cast %add3A_85 : vector<16xf32> to vector<1x16xf32>
        tpu.vector_store %arg5[%swap3A, %swap3A_86], %swap3A_89 {strides = array<i32>} : memref<313x64xf32, #tpu.memory_space<vmem>>, vector<1x16xf32>,
        %get3A_90 = arith.index_cast %scan3A_75 : i32 to index
        %get3A_91 = arith.constant 16 : index
        %get3A_92 = tpu.vector_load %arg5[%get3A_90, %get3A_91] {strides = array<i32>} : memref<313x64xf32, #tpu.memory_space<vmem>>, vector<1x16xf32>,
        %get3A_93 = vector.shape_cast %get3A_92 : vector<1x16xf32> to vector<16xf32>
        %get3A_94 = arith.index_cast %scan3A_75 : i32 to index
        %get3A_95 = arith.constant 16 : index
        %get3A_96 = tpu.vector_load %arg6[%get3A_94, %get3A_95] {strides = array<i32>} : memref<313x64xf32, #tpu.memory_space<vmem>>, vector<1x16xf32>,
        %get3A_97 = vector.shape_cast %get3A_96 : vector<1x16xf32> to vector<16xf32>
        %add3A_98 = arith.addf %get3A_93, %get3A_97 : vector<16xf32>
        %add3A_99 = arith.addf %add3A_98, %get3A_38 : vector<16xf32>
        %swap3A_100 = arith.index_cast %scan3A_75 : i32 to index
        %swap3A_101 = arith.constant 16 : index
        %swap3A_102 = tpu.vector_load %arg5[%swap3A_100, %swap3A_101] {strides = array<i32>} : memref<313x64xf32, #tpu.memory_space<vmem>>, vector<1x16xf32>,
        %swap3A_103 = vector.shape_cast %swap3A_102 : vector<1x16xf32> to vector<16xf32>
        %swap3A_104 = vector.shape_cast %add3A_99 : vector<16xf32> to vector<1x16xf32>
        tpu.vector_store %arg5[%swap3A_100, %swap3A_101], %swap3A_104 {strides = array<i32>} : memref<313x64xf32, #tpu.memory_space<vmem>>, vector<1x16xf32>,
        %get3A_105 = arith.index_cast %scan3A_75 : i32 to index
        %get3A_106 = arith.constant 32 : index
        %get3A_107 = tpu.vector_load %arg5[%get3A_105, %get3A_106] {strides = array<i32>} : memref<313x64xf32, #tpu.memory_space<vmem>>, vector<1x16xf32>,
        %get3A_108 = vector.shape_cast %get3A_107 : vector<1x16xf32> to vector<16xf32>
        %get3A_109 = arith.index_cast %scan3A_75 : i32 to index
        %get3A_110 = arith.constant 32 : index
        %get3A_111 = tpu.vector_load %arg6[%get3A_109, %get3A_110] {strides = array<i32>} : memref<313x64xf32, #tpu.memory_space<vmem>>, vector<1x16xf32>,
        %get3A_112 = vector.shape_cast %get3A_111 : vector<1x16xf32> to vector<16xf32>
        %add3A_113 = arith.addf %get3A_108, %get3A_112 : vector<16xf32>
        %add3A_114 = arith.addf %add3A_113, %get3A_41 : vector<16xf32>
        %swap3A_115 = arith.index_cast %scan3A_75 : i32 to index
        %swap3A_116 = arith.constant 32 : index
        %swap3A_117 = tpu.vector_load %arg5[%swap3A_115, %swap3A_116] {strides = array<i32>} : memref<313x64xf32, #tpu.memory_space<vmem>>, vector<1x16xf32>,
        %swap3A_118 = vector.shape_cast %swap3A_117 : vector<1x16xf32> to vector<16xf32>
        %swap3A_119 = vector.shape_cast %add3A_114 : vector<16xf32> to vector<1x16xf32>
        tpu.vector_store %arg5[%swap3A_115, %swap3A_116], %swap3A_119 {strides = array<i32>} : memref<313x64xf32, #tpu.memory_space<vmem>>, vector<1x16xf32>,
        %get3A_120 = arith.index_cast %scan3A_75 : i32 to index
        %get3A_121 = arith.constant 48 : index
        %get3A_122 = tpu.vector_load %arg5[%get3A_120, %get3A_121] {strides = array<i32>} : memref<313x64xf32, #tpu.memory_space<vmem>>, vector<1x16xf32>,
        %get3A_123 = vector.shape_cast %get3A_122 : vector<1x16xf32> to vector<16xf32>
        %get3A_124 = arith.index_cast %scan3A_75 : i32 to index
        %get3A_125 = arith.constant 48 : index
        %get3A_126 = tpu.vector_load %arg6[%get3A_124, %get3A_125] {strides = array<i32>} : memref<313x64xf32, #tpu.memory_space<vmem>>, vector<1x16xf32>,
        %get3A_127 = vector.shape_cast %get3A_126 : vector<1x16xf32> to vector<16xf32>
        %add3A_128 = arith.addf %get3A_123, %get3A_127 : vector<16xf32>
        %add3A_129 = arith.addf %add3A_128, %get3A_44 : vector<16xf32>
        %swap3A_130 = arith.index_cast %scan3A_75 : i32 to index
        %swap3A_131 = arith.constant 48 : index
        %swap3A_132 = tpu.vector_load %arg5[%swap3A_130, %swap3A_131] {strides = array<i32>} : memref<313x64xf32, #tpu.memory_space<vmem>>, vector<1x16xf32>,
        %swap3A_133 = vector.shape_cast %swap3A_132 : vector<1x16xf32> to vector<16xf32>
        %swap3A_134 = vector.shape_cast %add3A_129 : vector<16xf32> to vector<1x16xf32>
        tpu.vector_store %arg5[%swap3A_130, %swap3A_131], %swap3A_134 {strides = array<i32>} : memref<313x64xf32, #tpu.memory_space<vmem>>, vector<1x16xf32>,
      }
      %scan3A_74 = arith.constant 313 : i32
      "tpu.region"() ({
        %run_scoped3A = tpu.sem_alloc : memref<!tpu.dma_semaphore, #tpu.memory_space<semaphore_mem>>
        %dma_start3A_75 = arith.constant 0 : i32
        %dma_start3A_76 = arith.constant 0 : i32
        %dma_start3A_77 = tpu.memref_slice %arg5[%dma_start3A_75, %dma_start3A_76] : memref<313x64xf32, #tpu.memory_space<vmem>> -> memref<313x64xf32, #tpu.memory_space<vmem>>
        %dma_start3A_78 = arith.constant 0 : i32
        %dma_start3A_79 = tpu.memref_slice %arg4[%mul3A_2, %dma_start3A_78] : memref<10000x64xf32, #tpu.memory_space<hbm>> -> memref<313x64xf32, #tpu.memory_space<hbm>>
        %dma_start3A_80 = arith.constant 0 : i32
        %dma_start3A_81 = tpu.memref_slice %arg4[%mul3A_2, %dma_start3A_80] : memref<10000x64xf32, #tpu.memory_space<hbm>> -> memref<313x64xf32, #tpu.memory_space<hbm>>
        %dma_start3A_82 = arith.constant 0 : i32
        %dma_start3A_83 = arith.constant 0 : i32
        %dma_start3A_84 = tpu.memref_slice %arg5[%dma_start3A_82, %dma_start3A_83] : memref<313x64xf32, #tpu.memory_space<vmem>> -> memref<313x64xf32, #tpu.memory_space<vmem>>
        tpu.enqueue_dma source(%dma_start3A_84 : memref<313x64xf32, #tpu.memory_space<vmem>>) target(%dma_start3A_81 : memref<313x64xf32, #tpu.memory_space<hbm>>) target_semaphore(%run_scoped3A : memref<!tpu.dma_semaphore, #tpu.memory_space<semaphore_mem>>)
        %dma_wait3A_85 = arith.constant 0 : i32
        %dma_wait3A_86 = arith.constant 0 : i32
        %dma_wait3A_87 = tpu.memref_slice %arg5[%dma_wait3A_85, %dma_wait3A_86] : memref<313x64xf32, #tpu.memory_space<vmem>> -> memref<313x64xf32, #tpu.memory_space<vmem>>
        %dma_wait3A_88 = arith.constant 0 : i32
        %dma_wait3A_89 = tpu.memref_slice %arg4[%mul3A_2, %dma_wait3A_88] : memref<10000x64xf32, #tpu.memory_space<hbm>> -> memref<313x64xf32, #tpu.memory_space<hbm>>
        %dma_wait3A_90 = arith.constant 0 : i32
        %dma_wait3A_91 = tpu.memref_slice %arg4[%mul3A_2, %dma_wait3A_90] : memref<10000x64xf32, #tpu.memory_space<hbm>> -> memref<313x64xf32, #tpu.memory_space<hbm>>
        %dma_wait3A_92 = arith.constant 0 : i32
        %dma_wait3A_93 = arith.constant 0 : i32
        %dma_wait3A_94 = tpu.memref_slice %arg5[%dma_wait3A_92, %dma_wait3A_93] : memref<313x64xf32, #tpu.memory_space<vmem>> -> memref<313x64xf32, #tpu.memory_space<vmem>>
        tpu.wait_dma2 semaphore(%run_scoped3A : memref<!tpu.dma_semaphore, #tpu.memory_space<semaphore_mem>>) src(%dma_wait3A_94 : memref<313x64xf32, #tpu.memory_space<vmem>>) dst(%dma_wait3A_91 : memref<313x64xf32, #tpu.memory_space<hbm>>)
        tpu.yield
      }) : () -> ()
    } else {
    }
    %eq3A = arith.constant 31 : i32
    %eq3A_5 = arith.cmpi eq, %add3A, %eq3A : i32
    %convert_element_type3A_6 = arith.extui %eq3A_5 : i1 to i32
    %cond3A_7 = arith.constant 0 : i32
    %cond3A_8 = arith.cmpi ne, %convert_element_type3A_6, %cond3A_7 : i32
    scf.if %cond3A_8 {
      %dma_start3A = arith.constant 0 : i32
      %dma_start3A_9 = arith.constant 0 : i32
      %dma_start3A_10 = arith.constant 0 : i32
      %dma_start3A_11 = tpu.memref_slice %arg5[%dma_start3A_9, %dma_start3A_10] : memref<313x64xf32, #tpu.memory_space<vmem>> -> memref<297x64xf32, #tpu.memory_space<vmem>>
      %dma_start3A_12 = arith.constant 0 : i32
      %dma_start3A_13 = tpu.memref_slice %arg2[%dma_start3A, %mul3A_2, %dma_start3A_12] : memref<2x10112x64xf32, #tpu.memory_space<hbm>> -> memref<1x297x64xf32, #tpu.memory_space<hbm>>
      %dma_start3A_14 = tpu.memref_squeeze %dma_start3A_13 : memref<1x297x64xf32, #tpu.memory_space<hbm>> -> memref<297x64xf32, #tpu.memory_space<hbm>>
      %dma_start3A_15 = arith.constant 0 : i32
      %dma_start3A_16 = arith.constant 0 : i32
      %dma_start3A_17 = tpu.memref_slice %arg5[%dma_start3A_15, %dma_start3A_16] : memref<313x64xf32, #tpu.memory_space<vmem>> -> memref<297x64xf32, #tpu.memory_space<vmem>>
      %dma_start3A_18 = arith.constant 0 : i32
      %dma_start3A_19 = tpu.memref_slice %arg2[%dma_start3A, %mul3A_2, %dma_start3A_18] : memref<2x10112x64xf32, #tpu.memory_space<hbm>> -> memref<1x297x64xf32, #tpu.memory_space<hbm>>
      %dma_start3A_20 = tpu.memref_squeeze %dma_start3A_19 : memref<1x297x64xf32, #tpu.memory_space<hbm>> -> memref<297x64xf32, #tpu.memory_space<hbm>>
      tpu.enqueue_dma source(%dma_start3A_20 : memref<297x64xf32, #tpu.memory_space<hbm>>) target(%dma_start3A_17 : memref<297x64xf32, #tpu.memory_space<vmem>>) target_semaphore(%arg8 : memref<!tpu.dma_semaphore, #tpu.memory_space<semaphore_mem>>)
      %dma_start3A_21 = arith.constant 1 : i32
      %dma_start3A_22 = arith.constant 0 : i32
      %dma_start3A_23 = arith.constant 0 : i32
      %dma_start3A_24 = tpu.memref_slice %arg6[%dma_start3A_22, %dma_start3A_23] : memref<313x64xf32, #tpu.memory_space<vmem>> -> memref<297x64xf32, #tpu.memory_space<vmem>>
      %dma_start3A_25 = arith.constant 0 : i32
      %dma_start3A_26 = tpu.memref_slice %arg2[%dma_start3A_21, %mul3A_2, %dma_start3A_25] : memref<2x10112x64xf32, #tpu.memory_space<hbm>> -> memref<1x297x64xf32, #tpu.memory_space<hbm>>
      %dma_start3A_27 = tpu.memref_squeeze %dma_start3A_26 : memref<1x297x64xf32, #tpu.memory_space<hbm>> -> memref<297x64xf32, #tpu.memory_space<hbm>>
      %dma_start3A_28 = arith.constant 0 : i32
      %dma_start3A_29 = arith.constant 0 : i32
      %dma_start3A_30 = tpu.memref_slice %arg6[%dma_start3A_28, %dma_start3A_29] : memref<313x64xf32, #tpu.memory_space<vmem>> -> memref<297x64xf32, #tpu.memory_space<vmem>>
      %dma_start3A_31 = arith.constant 0 : i32
      %dma_start3A_32 = tpu.memref_slice %arg2[%dma_start3A_21, %mul3A_2, %dma_start3A_31] : memref<2x10112x64xf32, #tpu.memory_space<hbm>> -> memref<1x297x64xf32, #tpu.memory_space<hbm>>
      %dma_start3A_33 = tpu.memref_squeeze %dma_start3A_32 : memref<1x297x64xf32, #tpu.memory_space<hbm>> -> memref<297x64xf32, #tpu.memory_space<hbm>>
      tpu.enqueue_dma source(%dma_start3A_33 : memref<297x64xf32, #tpu.memory_space<hbm>>) target(%dma_start3A_30 : memref<297x64xf32, #tpu.memory_space<vmem>>) target_semaphore(%arg9 : memref<!tpu.dma_semaphore, #tpu.memory_space<semaphore_mem>>)
      "tpu.region"() ({
        %run_scoped3A = tpu.sem_alloc : memref<!tpu.dma_semaphore, #tpu.memory_space<semaphore_mem>>
        tpu.enqueue_dma source(%arg3 : memref<64xf32, #tpu.memory_space<hbm>>) target(%arg7 : memref<64xf32, #tpu.memory_space<vmem>>) target_semaphore(%run_scoped3A : memref<!tpu.dma_semaphore, #tpu.memory_space<semaphore_mem>>)
        tpu.wait_dma2 semaphore(%run_scoped3A : memref<!tpu.dma_semaphore, #tpu.memory_space<semaphore_mem>>) src(%arg3 : memref<64xf32, #tpu.memory_space<hbm>>) dst(%arg7 : memref<64xf32, #tpu.memory_space<vmem>>)
        tpu.yield
      }) : () -> ()
      %get3A = arith.constant 0 : index
      %get3A_34 = tpu.vector_load %arg7[%get3A] {strides = array<i32>} : memref<64xf32, #tpu.memory_space<vmem>>, vector<16xf32>,
      %get3A_35 = vector.shape_cast %get3A_34 : vector<16xf32> to vector<16xf32>
      %get3A_36 = arith.constant 16 : index
      %get3A_37 = tpu.vector_load %arg7[%get3A_36] {strides = array<i32>} : memref<64xf32, #tpu.memory_space<vmem>>, vector<16xf32>,
      %get3A_38 = vector.shape_cast %get3A_37 : vector<16xf32> to vector<16xf32>
      %get3A_39 = arith.constant 32 : index
      %get3A_40 = tpu.vector_load %arg7[%get3A_39] {strides = array<i32>} : memref<64xf32, #tpu.memory_space<vmem>>, vector<16xf32>,
      %get3A_41 = vector.shape_cast %get3A_40 : vector<16xf32> to vector<16xf32>
      %get3A_42 = arith.constant 48 : index
      %get3A_43 = tpu.vector_load %arg7[%get3A_42] {strides = array<i32>} : memref<64xf32, #tpu.memory_space<vmem>>, vector<16xf32>,
      %get3A_44 = vector.shape_cast %get3A_43 : vector<16xf32> to vector<16xf32>
      %dma_wait3A = arith.constant 0 : i32
      %dma_wait3A_45 = arith.constant 0 : i32
      %dma_wait3A_46 = arith.constant 0 : i32
      %dma_wait3A_47 = tpu.memref_slice %arg5[%dma_wait3A_45, %dma_wait3A_46] : memref<313x64xf32, #tpu.memory_space<vmem>> -> memref<297x64xf32, #tpu.memory_space<vmem>>
      %dma_wait3A_48 = arith.constant 0 : i32
      %dma_wait3A_49 = tpu.memref_slice %arg2[%dma_wait3A, %mul3A_2, %dma_wait3A_48] : memref<2x10112x64xf32, #tpu.memory_space<hbm>> -> memref<1x297x64xf32, #tpu.memory_space<hbm>>
      %dma_wait3A_50 = tpu.memref_squeeze %dma_wait3A_49 : memref<1x297x64xf32, #tpu.memory_space<hbm>> -> memref<297x64xf32, #tpu.memory_space<hbm>>
      %dma_wait3A_51 = arith.constant 0 : i32
      %dma_wait3A_52 = arith.constant 0 : i32
      %dma_wait3A_53 = tpu.memref_slice %arg5[%dma_wait3A_51, %dma_wait3A_52] : memref<313x64xf32, #tpu.memory_space<vmem>> -> memref<297x64xf32, #tpu.memory_space<vmem>>
      %dma_wait3A_54 = arith.constant 0 : i32
      %dma_wait3A_55 = tpu.memref_slice %arg2[%dma_wait3A, %mul3A_2, %dma_wait3A_54] : memref<2x10112x64xf32, #tpu.memory_space<hbm>> -> memref<1x297x64xf32, #tpu.memory_space<hbm>>
      %dma_wait3A_56 = tpu.memref_squeeze %dma_wait3A_55 : memref<1x297x64xf32, #tpu.memory_space<hbm>> -> memref<297x64xf32, #tpu.memory_space<hbm>>
      tpu.wait_dma2 semaphore(%arg8 : memref<!tpu.dma_semaphore, #tpu.memory_space<semaphore_mem>>) src(%dma_wait3A_56 : memref<297x64xf32, #tpu.memory_space<hbm>>) dst(%dma_wait3A_53 : memref<297x64xf32, #tpu.memory_space<vmem>>)
      %dma_wait3A_57 = arith.constant 1 : i32
      %dma_wait3A_58 = arith.constant 0 : i32
      %dma_wait3A_59 = arith.constant 0 : i32
      %dma_wait3A_60 = tpu.memref_slice %arg6[%dma_wait3A_58, %dma_wait3A_59] : memref<313x64xf32, #tpu.memory_space<vmem>> -> memref<297x64xf32, #tpu.memory_space<vmem>>
      %dma_wait3A_61 = arith.constant 0 : i32
      %dma_wait3A_62 = tpu.memref_slice %arg2[%dma_wait3A_57, %mul3A_2, %dma_wait3A_61] : memref<2x10112x64xf32, #tpu.memory_space<hbm>> -> memref<1x297x64xf32, #tpu.memory_space<hbm>>
      %dma_wait3A_63 = tpu.memref_squeeze %dma_wait3A_62 : memref<1x297x64xf32, #tpu.memory_space<hbm>> -> memref<297x64xf32, #tpu.memory_space<hbm>>
      %dma_wait3A_64 = arith.constant 0 : i32
      %dma_wait3A_65 = arith.constant 0 : i32
      %dma_wait3A_66 = tpu.memref_slice %arg6[%dma_wait3A_64, %dma_wait3A_65] : memref<313x64xf32, #tpu.memory_space<vmem>> -> memref<297x64xf32, #tpu.memory_space<vmem>>
      %dma_wait3A_67 = arith.constant 0 : i32
      %dma_wait3A_68 = tpu.memref_slice %arg2[%dma_wait3A_57, %mul3A_2, %dma_wait3A_67] : memref<2x10112x64xf32, #tpu.memory_space<hbm>> -> memref<1x297x64xf32, #tpu.memory_space<hbm>>
      %dma_wait3A_69 = tpu.memref_squeeze %dma_wait3A_68 : memref<1x297x64xf32, #tpu.memory_space<hbm>> -> memref<297x64xf32, #tpu.memory_space<hbm>>
      tpu.wait_dma2 semaphore(%arg9 : memref<!tpu.dma_semaphore, #tpu.memory_space<semaphore_mem>>) src(%dma_wait3A_69 : memref<297x64xf32, #tpu.memory_space<hbm>>) dst(%dma_wait3A_66 : memref<297x64xf32, #tpu.memory_space<vmem>>)
      %scan3A = arith.constant 0 : i32
      %scan3A_70 = arith.constant 0 : i32
      %scan3A_71 = arith.constant 297 : i32
      %scan3A_72 = arith.addi %scan3A_70, %scan3A_71 : i32
      %scan3A_73 = arith.constant 1 : i32
      scf.for %scan3A_75 = %scan3A_70 to %scan3A_72 step %scan3A_73  : i32 {
        %get3A_76 = arith.index_cast %scan3A_75 : i32 to index
        %get3A_77 = arith.constant 0 : index
        %get3A_78 = tpu.vector_load %arg5[%get3A_76, %get3A_77] {strides = array<i32>} : memref<313x64xf32, #tpu.memory_space<vmem>>, vector<1x16xf32>,
        %get3A_79 = vector.shape_cast %get3A_78 : vector<1x16xf32> to vector<16xf32>
        %get3A_80 = arith.index_cast %scan3A_75 : i32 to index
        %get3A_81 = arith.constant 0 : index
        %get3A_82 = tpu.vector_load %arg6[%get3A_80, %get3A_81] {strides = array<i32>} : memref<313x64xf32, #tpu.memory_space<vmem>>, vector<1x16xf32>,
        %get3A_83 = vector.shape_cast %get3A_82 : vector<1x16xf32> to vector<16xf32>
        %add3A_84 = arith.addf %get3A_79, %get3A_83 : vector<16xf32>
        %add3A_85 = arith.addf %add3A_84, %get3A_35 : vector<16xf32>
        %swap3A = arith.index_cast %scan3A_75 : i32 to index
        %swap3A_86 = arith.constant 0 : index
        %swap3A_87 = tpu.vector_load %arg5[%swap3A, %swap3A_86] {strides = array<i32>} : memref<313x64xf32, #tpu.memory_space<vmem>>, vector<1x16xf32>,
        %swap3A_88 = vector.shape_cast %swap3A_87 : vector<1x16xf32> to vector<16xf32>
        %swap3A_89 = vector.shape_cast %add3A_85 : vector<16xf32> to vector<1x16xf32>
        tpu.vector_store %arg5[%swap3A, %swap3A_86], %swap3A_89 {strides = array<i32>} : memref<313x64xf32, #tpu.memory_space<vmem>>, vector<1x16xf32>,
        %get3A_90 = arith.index_cast %scan3A_75 : i32 to index
        %get3A_91 = arith.constant 16 : index
        %get3A_92 = tpu.vector_load %arg5[%get3A_90, %get3A_91] {strides = array<i32>} : memref<313x64xf32, #tpu.memory_space<vmem>>, vector<1x16xf32>,
        %get3A_93 = vector.shape_cast %get3A_92 : vector<1x16xf32> to vector<16xf32>
        %get3A_94 = arith.index_cast %scan3A_75 : i32 to index
        %get3A_95 = arith.constant 16 : index
        %get3A_96 = tpu.vector_load %arg6[%get3A_94, %get3A_95] {strides = array<i32>} : memref<313x64xf32, #tpu.memory_space<vmem>>, vector<1x16xf32>,
        %get3A_97 = vector.shape_cast %get3A_96 : vector<1x16xf32> to vector<16xf32>
        %add3A_98 = arith.addf %get3A_93, %get3A_97 : vector<16xf32>
        %add3A_99 = arith.addf %add3A_98, %get3A_38 : vector<16xf32>
        %swap3A_100 = arith.index_cast %scan3A_75 : i32 to index
        %swap3A_101 = arith.constant 16 : index
        %swap3A_102 = tpu.vector_load %arg5[%swap3A_100, %swap3A_101] {strides = array<i32>} : memref<313x64xf32, #tpu.memory_space<vmem>>, vector<1x16xf32>,
        %swap3A_103 = vector.shape_cast %swap3A_102 : vector<1x16xf32> to vector<16xf32>
        %swap3A_104 = vector.shape_cast %add3A_99 : vector<16xf32> to vector<1x16xf32>
        tpu.vector_store %arg5[%swap3A_100, %swap3A_101], %swap3A_104 {strides = array<i32>} : memref<313x64xf32, #tpu.memory_space<vmem>>, vector<1x16xf32>,
        %get3A_105 = arith.index_cast %scan3A_75 : i32 to index
        %get3A_106 = arith.constant 32 : index
        %get3A_107 = tpu.vector_load %arg5[%get3A_105, %get3A_106] {strides = array<i32>} : memref<313x64xf32, #tpu.memory_space<vmem>>, vector<1x16xf32>,
        %get3A_108 = vector.shape_cast %get3A_107 : vector<1x16xf32> to vector<16xf32>
        %get3A_109 = arith.index_cast %scan3A_75 : i32 to index
        %get3A_110 = arith.constant 32 : index
        %get3A_111 = tpu.vector_load %arg6[%get3A_109, %get3A_110] {strides = array<i32>} : memref<313x64xf32, #tpu.memory_space<vmem>>, vector<1x16xf32>,
        %get3A_112 = vector.shape_cast %get3A_111 : vector<1x16xf32> to vector<16xf32>
        %add3A_113 = arith.addf %get3A_108, %get3A_112 : vector<16xf32>
        %add3A_114 = arith.addf %add3A_113, %get3A_41 : vector<16xf32>
        %swap3A_115 = arith.index_cast %scan3A_75 : i32 to index
        %swap3A_116 = arith.constant 32 : index
        %swap3A_117 = tpu.vector_load %arg5[%swap3A_115, %swap3A_116] {strides = array<i32>} : memref<313x64xf32, #tpu.memory_space<vmem>>, vector<1x16xf32>,
        %swap3A_118 = vector.shape_cast %swap3A_117 : vector<1x16xf32> to vector<16xf32>
        %swap3A_119 = vector.shape_cast %add3A_114 : vector<16xf32> to vector<1x16xf32>
        tpu.vector_store %arg5[%swap3A_115, %swap3A_116], %swap3A_119 {strides = array<i32>} : memref<313x64xf32, #tpu.memory_space<vmem>>, vector<1x16xf32>,
        %get3A_120 = arith.index_cast %scan3A_75 : i32 to index
        %get3A_121 = arith.constant 48 : index
        %get3A_122 = tpu.vector_load %arg5[%get3A_120, %get3A_121] {strides = array<i32>} : memref<313x64xf32, #tpu.memory_space<vmem>>, vector<1x16xf32>,
        %get3A_123 = vector.shape_cast %get3A_122 : vector<1x16xf32> to vector<16xf32>
        %get3A_124 = arith.index_cast %scan3A_75 : i32 to index
        %get3A_125 = arith.constant 48 : index
        %get3A_126 = tpu.vector_load %arg6[%get3A_124, %get3A_125] {strides = array<i32>} : memref<313x64xf32, #tpu.memory_space<vmem>>, vector<1x16xf32>,
        %get3A_127 = vector.shape_cast %get3A_126 : vector<1x16xf32> to vector<16xf32>
        %add3A_128 = arith.addf %get3A_123, %get3A_127 : vector<16xf32>
        %add3A_129 = arith.addf %add3A_128, %get3A_44 : vector<16xf32>
        %swap3A_130 = arith.index_cast %scan3A_75 : i32 to index
        %swap3A_131 = arith.constant 48 : index
        %swap3A_132 = tpu.vector_load %arg5[%swap3A_130, %swap3A_131] {strides = array<i32>} : memref<313x64xf32, #tpu.memory_space<vmem>>, vector<1x16xf32>,
        %swap3A_133 = vector.shape_cast %swap3A_132 : vector<1x16xf32> to vector<16xf32>
        %swap3A_134 = vector.shape_cast %add3A_129 : vector<16xf32> to vector<1x16xf32>
        tpu.vector_store %arg5[%swap3A_130, %swap3A_131], %swap3A_134 {strides = array<i32>} : memref<313x64xf32, #tpu.memory_space<vmem>>, vector<1x16xf32>,
      }
      %scan3A_74 = arith.constant 297 : i32
      "tpu.region"() ({
        %run_scoped3A = tpu.sem_alloc : memref<!tpu.dma_semaphore, #tpu.memory_space<semaphore_mem>>
        %dma_start3A_75 = arith.constant 0 : i32
        %dma_start3A_76 = arith.constant 0 : i32
        %dma_start3A_77 = tpu.memref_slice %arg5[%dma_start3A_75, %dma_start3A_76] : memref<313x64xf32, #tpu.memory_space<vmem>> -> memref<297x64xf32, #tpu.memory_space<vmem>>
        %dma_start3A_78 = arith.constant 0 : i32
        %dma_start3A_79 = tpu.memref_slice %arg4[%mul3A_2, %dma_start3A_78] : memref<10000x64xf32, #tpu.memory_space<hbm>> -> memref<297x64xf32, #tpu.memory_space<hbm>>
        %dma_start3A_80 = arith.constant 0 : i32
        %dma_start3A_81 = tpu.memref_slice %arg4[%mul3A_2, %dma_start3A_80] : memref<10000x64xf32, #tpu.memory_space<hbm>> -> memref<297x64xf32, #tpu.memory_space<hbm>>
        %dma_start3A_82 = arith.constant 0 : i32
        %dma_start3A_83 = arith.constant 0 : i32
        %dma_start3A_84 = tpu.memref_slice %arg5[%dma_start3A_82, %dma_start3A_83] : memref<313x64xf32, #tpu.memory_space<vmem>> -> memref<297x64xf32, #tpu.memory_space<vmem>>
        tpu.enqueue_dma source(%dma_start3A_84 : memref<297x64xf32, #tpu.memory_space<vmem>>) target(%dma_start3A_81 : memref<297x64xf32, #tpu.memory_space<hbm>>) target_semaphore(%run_scoped3A : memref<!tpu.dma_semaphore, #tpu.memory_space<semaphore_mem>>)
        %dma_wait3A_85 = arith.constant 0 : i32
        %dma_wait3A_86 = arith.constant 0 : i32
        %dma_wait3A_87 = tpu.memref_slice %arg5[%dma_wait3A_85, %dma_wait3A_86] : memref<313x64xf32, #tpu.memory_space<vmem>> -> memref<297x64xf32, #tpu.memory_space<vmem>>
        %dma_wait3A_88 = arith.constant 0 : i32
        %dma_wait3A_89 = tpu.memref_slice %arg4[%mul3A_2, %dma_wait3A_88] : memref<10000x64xf32, #tpu.memory_space<hbm>> -> memref<297x64xf32, #tpu.memory_space<hbm>>
        %dma_wait3A_90 = arith.constant 0 : i32
        %dma_wait3A_91 = tpu.memref_slice %arg4[%mul3A_2, %dma_wait3A_90] : memref<10000x64xf32, #tpu.memory_space<hbm>> -> memref<297x64xf32, #tpu.memory_space<hbm>>
        %dma_wait3A_92 = arith.constant 0 : i32
        %dma_wait3A_93 = arith.constant 0 : i32
        %dma_wait3A_94 = tpu.memref_slice %arg5[%dma_wait3A_92, %dma_wait3A_93] : memref<313x64xf32, #tpu.memory_space<vmem>> -> memref<297x64xf32, #tpu.memory_space<vmem>>
        tpu.wait_dma2 semaphore(%run_scoped3A : memref<!tpu.dma_semaphore, #tpu.memory_space<semaphore_mem>>) src(%dma_wait3A_94 : memref<297x64xf32, #tpu.memory_space<vmem>>) dst(%dma_wait3A_91 : memref<297x64xf32, #tpu.memory_space<hbm>>)
        tpu.yield
      }) : () -> ()
    } else {
    }
    return
  }
}

module attributes {stable_mosaic.version = 14 : i64} {
  func.func @body(%arg0: i32, %arg1: memref<1264x256xf32, #tpu.memory_space<vmem>>, %arg2: memref<64x256xf32, #tpu.memory_space<vmem>>, %arg3: memref<2x20480xi32, #tpu.memory_space<vmem>>, %arg4: memref<1264x64xf32, #tpu.memory_space<vmem>>, %arg5: memref<2x160x128xi32, #tpu.memory_space<vmem>>) attributes {dimension_semantics = [#tpu.dimension_semantics<arbitrary>], iteration_bounds = array<i64: 8>, scalar_prefetch = 0 : i64, scratch_operands = 0 : i64, tpu.core_type = #tpu.core_type<tc>, window_params = [{transform_indices = @transform_0, window_bounds = array<i64: 1264, 256>}, {pipeline_mode = #tpu.pipeline_mode<synchronous>, transform_indices = @transform_1, window_bounds = array<i64: 64, 256>}, {transform_indices = @transform_2, window_bounds = array<i64: 2, 20480>}, {transform_indices = @transform_3, window_bounds = array<i64: 1264, 64>}, {transform_indices = @transform_4, window_bounds = array<i64: 2, 160, 128>}]} {
    %get3A = arith.constant 0 : index
    %get3A_0 = arith.constant 0 : index
    %get3A_1 = vector.load %arg1[%get3A, %get3A_0] : memref<1264x256xf32, #tpu.memory_space<vmem>>, vector<1264x256xf32>
    %get3A_2 = arith.constant 0 : index
    %get3A_3 = arith.constant 0 : index
    %get3A_4 = vector.load %arg2[%get3A_2, %get3A_3] : memref<64x256xf32, #tpu.memory_space<vmem>>, vector<64x256xf32>
    %transpose3A = tpu.transpose %get3A_4, [1, 0] : vector<64x256xf32> -> vector<256x64xf32>
    %dot_general3A = arith.constant dense<0.000000e+00> : vector<1264x64xf32>
    %dot_general3A_5 = tpu.matmul %get3A_1, %transpose3A, %dot_general3A {dimension_numbers = #tpu.dot_dimension_numbers<[1], [0], [0], [1], [0, 0, 1, 1], [], []>, transpose_lhs_hint = false} : vector<1264x256xf32>, vector<256x64xf32>, vector<1264x64xf32> -> vector<1264x64xf32>
    %swap3A = arith.constant 0 : index
    %swap3A_6 = arith.constant 0 : index
    %swap3A_7 = vector.load %arg4[%swap3A, %swap3A_6] : memref<1264x64xf32, #tpu.memory_space<vmem>>, vector<1264x64xf32>
    tpu.vector_store %arg4[%swap3A, %swap3A_6], %dot_general3A_5 {strides = array<i32>} : memref<1264x64xf32, #tpu.memory_space<vmem>>, vector<1264x64xf32>,
    %mul3A = arith.constant 20480 : i32
    %mul3A_8 = arith.muli %arg0, %mul3A : i32
    %iota3A = tpu.iota {dimensions = array<i32: 1>} : vector<2x20480xi32>
    %add3A = vector.broadcast %mul3A_8 : i32 to vector<2x20480xi32>
    %add3A_9 = arith.addi %add3A, %iota3A : vector<2x20480xi32>
    %lt3A = arith.constant 160000 : i32
    %lt3A_10 = vector.broadcast %lt3A : i32 to vector<2x20480xi32>
    %lt3A_11 = arith.cmpi slt, %add3A_9, %lt3A_10 : vector<2x20480xi32>
    %get3A_12 = arith.constant 0 : index
    %get3A_13 = arith.constant 0 : index
    %get3A_14 = vector.load %arg3[%get3A_12, %get3A_13] : memref<2x20480xi32, #tpu.memory_space<vmem>>, vector<2x20480xi32>
    %jit3A = arith.constant 10000 : i32
    %broadcast_in_dim3A = vector.broadcast %jit3A : i32 to vector<2x20480xi32>
    %select_n3A = arith.select %lt3A_11, %get3A_14, %broadcast_in_dim3A : vector<2x20480xi1>, vector<2x20480xi32>
    %reshape3A = vector.shape_cast %select_n3A : vector<2x20480xi32> to vector<2x160x128xi32>
    %swap3A_15 = arith.constant 0 : index
    %swap3A_16 = arith.constant 0 : index
    %swap3A_17 = arith.constant 0 : index
    %swap3A_18 = vector.load %arg5[%swap3A_15, %swap3A_16, %swap3A_17] : memref<2x160x128xi32, #tpu.memory_space<vmem>>, vector<2x160x128xi32>
    tpu.vector_store %arg5[%swap3A_15, %swap3A_16, %swap3A_17], %reshape3A {strides = array<i32>} : memref<2x160x128xi32, #tpu.memory_space<vmem>>, vector<2x160x128xi32>,
    return
  }
  func.func @transform_0(%arg0: i32) -> (i32, i32) {
    %c0_i32 = arith.constant 0 : i32
    %c0_i32_0 = arith.constant 0 : i32
    return %arg0, %c0_i32 : i32, i32
  }
  func.func @transform_1(%arg0: i32) -> (i32, i32) {
    %c0_i32 = arith.constant 0 : i32
    %c0_i32_0 = arith.constant 0 : i32
    %c0_i32_1 = arith.constant 0 : i32
    return %c0_i32, %c0_i32_0 : i32, i32
  }
  func.func @transform_2(%arg0: i32) -> (i32, i32) {
    %c0_i32 = arith.constant 0 : i32
    %c0_i32_0 = arith.constant 0 : i32
    return %c0_i32, %arg0 : i32, i32
  }
  func.func @transform_3(%arg0: i32) -> (i32, i32) {
    %c0_i32 = arith.constant 0 : i32
    %c0_i32_0 = arith.constant 0 : i32
    return %arg0, %c0_i32 : i32, i32
  }
  func.func @transform_4(%arg0: i32) -> (i32, i32, i32) {
    %c0_i32 = arith.constant 0 : i32
    %c0_i32_0 = arith.constant 0 : i32
    %c0_i32_1 = arith.constant 0 : i32
    return %c0_i32, %arg0, %c0_i32_0 : i32, i32, i32
  }
}

</mosaic_0001>

<sc_bundles>
// kernel: kernel.12.cloned.1.call-start
scs
__scs_entry_jumppad:
0x0: {  	(pc) =	sbr.rel $0x88, $3  }
0x1: {  	(tag) =	ssettag $0x0;
	lr =	simm.s32 $0x1  }
0x2: {  	[smem:$0x3F9D] =	sst lr;
	_ =	strace $0xD0000000  }
0x3: {  	_ = 	snop  }
0x4: {  	_ = 	snop  }
0x5: {  	_ = 	snop  }
0x6: {  	_ = 	snop  }
0x7: {  	_ = 	snop  }
__scs_overlays_trampoline_lowered:
0x8: {  	[smem:$0x3FAC] =	sst s0  }
0x9: {  	[smem:$0x3FAD] =	sst s1  }
0xa: {  	[smem:$0x3FAE] =	sst s2  }
0xb: {  	[smem:$0x3FAF] =	sst s3  }
0xc: {  	[smem:$0x3FB0] =	sst s4  }
0xd: {  	[smem:$0x3FB1] =	sst s5  }
0xe: {  	[smem:$0x3FB2] =	sst s6  }
0xf: {  	[smem:$0x3FB3] =	sst s7  }
0x10: {  	[smem:$0x3FB4] =	sst s8  }
0x11: {  	[smem:$0x3FB5] =	sst s9;
	s0 =	simm.s32 @!p0 $0x0  }
0x12: {  	s1 =	sld [smem:$0x3F9B];
	s0 =	simm.s32 @p0 $0x1  }
0x13: {  	[smem:$0x3FB6] =	sst s0;
	s0 =	simm.s32 @!p1 $0x0  }
0x14: {  	s2 =	sld [smem:$0x3F9A];
	s0 =	simm.s32 @p1 $0x1  }
0x15: {  	[smem:$0x3FB7] =	sst s0;
	s0 =	simm.s32 @!p2 $0x0  }
0x16: {  	s3 =	sld [smem:$0x3FDB];
	s0 =	simm.s32 @p2 $0x1  }
0x17: {  	s4 =	simm.s32 $0x1BF5;
	[smem:$0x3FB9] =	sst s0  }
0x18: {  	s0 =	sld [smem:$0x3F9C];
	_ =	swait.ge [sflag:s4], $0x0  }
0x19: {  	s7 =	sld [smem:$0x3F9D]  }
0x1a: {  	s8 =	sadd.s32 $0xFFFFE003, lr  }
0x1b: {  	s9 =	sadd.s32 $0xFFFFFEF7, lr;
	s5 =	simm.s32 $0xFFFFFFFF;
	p2 =	slt.u32 s8, $0xFFFFF086  }
0x1c: {  	p1 =	slt.u32 s9, $0xF7A;
	s5 =	simm.s32 @!p2 $0x0  }
0x1d: {  	s5 =	simm.s32 @p1 $0x1;
	p0 =	seq.s32 s7, s2  }
0x1e: {  	s7 =	smul.u32 @!p0 $0xF7A, s2;
	p2 =	seq.s32 @!p0 s5, $0x0  }
0x1f: {  	s9 =	smul.u32 $0xF7A, s1;
	s8 =	simm.s32 @!p0 $0x1BF5;
	p2 =	por !p2, p0  }
0x20: {  	[sflag:s8] =	ssyncset.s32 @!p0 $0xFFFFF086;
	s6 =	sadd.s32 @!p0 s3, s7;
	s7 =	simm.s32 @!p0 $0x108  }
0x21: {  	s3 =	sadd.s32 s3, s9;
	s6 =	sadd.s32 @!p0 $0x88, s6;
	s7 =	simm.s32 @p2 $0x1082  }
0x22: {  	[simem:s7], [sflag:s8] =	dma.local @!p0 [hbm:s6], $0xF7A  }
0x23: {  	s9 =	sor.u32 $0xD0000000, s2;
	s6 =	simm.s32 $0x108;
	_ =	swait.ge @!p0 [sflag:s8], $0x0  }
0x24: {  	s3 =	sadd.s32 $0x88, s3;
	s6 =	simm.s32 @!p1 $0x1082;
	[sflag:s4] =	ssyncset.s32 $0xFFFFF086  }
0x25: {  	[simem:s6], [sflag:s4] =	dma.local [hbm:s3], $0xF7A  }
0x26: {  	[smem:$0x3F9D] =	sst s1;
	(tag) =	ssettag s2;
	_ =	strace s9  }
0x27: {  	s1 =	sld [smem:$0x3FAD]  }
0x28: {  	s2 =	sld [smem:$0x3FAE]  }
0x29: {  	s4 =	sld [smem:$0x3FB0]  }
0x2a: {  	p0 =	seq.s32 s5, $0x0;
	s5 =	sld [smem:$0x3FB1]  }
0x2b: {  	s6 =	sld [smem:$0x3FB2]  }
0x2c: {  	s7 =	sld [smem:$0x3FB3]  }
0x2d: {  	s3 =	simm.s32 $0x108;
	s8 =	sld [smem:$0x3FB4]  }
0x2e: {  	s3 =	simm.s32 @!p0 $0x1082;
	s9 =	sld [smem:$0x3FB5]  }
0x2f: {  	lr =	sadd.s32 s0, s3;
	s0 =	sld [smem:$0x3FAC]  }
0x30: {  	s3 =	sld [smem:$0x3FAF]  }
0x31: {  	[smem:$0x3FB8] =	sst s10  }
0x32: {  	s10 =	sld [smem:$0x3FB6];
	_ =	sdelay $0x3  }
0x33: {  	p0 =	seq.s32 s10, $0x1;
	s10 =	sld [smem:$0x3FB8];
	_ =	sdelay $0x3  }
0x34: {  	[smem:$0x3FB8] =	sst s10  }
0x35: {  	s10 =	sld [smem:$0x3FB7];
	_ =	sdelay $0x3  }
0x36: {  	p1 =	seq.s32 s10, $0x1;
	s10 =	sld [smem:$0x3FB8];
	_ =	sdelay $0x3  }
0x37: {  	[smem:$0x3FB8] =	sst s10  }
0x38: {  	s10 =	sld [smem:$0x3FB9]  }
0x39: {  	_ = 	snop;
	(pc) =	sbr.ind lr, $3  }
0x3a: {  	_ = 	snop  }
0x3b: {  	_ = 	snop  }
0x3c: {  	p2 =	seq.s32 s10, $0x1;
	s10 =	sld [smem:$0x3FB8]  }
0x3d: {  	_ =	shalt  }
0x3e: {  	_ =	shalt  }
0x3f: {  	_ =	shalt  }
0x40: {  	_ =	shalt  }
0x41: {  	_ =	shalt  }
0x42: {  	_ =	shalt  }
0x43: {  	_ =	shalt  }
0x44: {  	_ =	shalt  }
0x45: {  	_ =	shalt  }
0x46: {  	_ =	shalt  }
0x47: {  	_ =	shalt  }
0x48: {  	_ =	shalt  }
0x49: {  	_ =	shalt  }
0x4a: {  	_ =	shalt  }
0x4b: {  	_ =	shalt  }
0x4c: {  	_ =	shalt  }
0x4d: {  	_ =	shalt  }
0x4e: {  	_ =	shalt  }
0x4f: {  	_ =	shalt  }
0x50: {  	_ =	shalt  }
0x51: {  	_ =	shalt  }
0x52: {  	_ =	shalt  }
0x53: {  	_ =	shalt  }
0x54: {  	_ =	shalt  }
0x55: {  	_ =	shalt  }
0x56: {  	_ =	shalt  }
0x57: {  	_ =	shalt  }
0x58: {  	_ =	shalt  }
0x59: {  	_ =	shalt  }
0x5a: {  	_ =	shalt  }
0x5b: {  	_ =	shalt  }
0x5c: {  	_ =	shalt  }
0x5d: {  	_ =	shalt  }
0x5e: {  	_ =	shalt  }
0x5f: {  	_ =	shalt  }
0x60: {  	_ =	shalt  }
0x61: {  	_ =	shalt  }
0x62: {  	_ =	shalt  }
0x63: {  	_ =	shalt  }
0x64: {  	_ =	shalt  }
0x65: {  	_ =	shalt  }
0x66: {  	_ =	shalt  }
0x67: {  	_ =	shalt  }
0x68: {  	_ =	shalt  }
0x69: {  	_ =	shalt  }
0x6a: {  	_ =	shalt  }
0x6b: {  	_ =	shalt  }
0x6c: {  	_ =	shalt  }
0x6d: {  	_ =	shalt  }
0x6e: {  	_ =	shalt  }
0x6f: {  	_ =	shalt  }
0x70: {  	_ =	shalt  }
0x71: {  	_ =	shalt  }
0x72: {  	_ =	shalt  }
0x73: {  	_ =	shalt  }
0x74: {  	_ =	shalt  }
0x75: {  	_ =	shalt  }
0x76: {  	_ =	shalt  }
0x77: {  	_ =	shalt  }
0x78: {  	_ =	shalt  }
0x79: {  	_ =	shalt  }
0x7a: {  	_ =	shalt  }
0x7b: {  	_ =	shalt  }
0x7c: {  	_ =	shalt  }
0x7d: {  	_ =	shalt  }
0x7e: {  	_ =	shalt  }
0x7f: {  	_ =	shalt  }
0x80: {  	_ =	shalt  }
0x81: {  	_ =	shalt  }
0x82: {  	_ =	shalt  }
0x83: {  	_ =	shalt  }
0x84: {  	_ =	shalt  }
0x85: {  	_ =	shalt  }
0x86: {  	_ =	shalt  }
0x87: {  	_ =	shalt  }
.Lfunc_end0:
.L_simem_size_0:
called_computation.2_lowered:
.L_overlay_start_0:
0x88: {  	s2 =	sld [smem:$0x3FD9]  }
0x89: {  	s3 =	sld [smem:$0x3FFE];
	_ =	sdelay $0x1  }
0x8a: {  	s1 =	srdreg.scid  }
0x8b: {  	s0 =	sand.u32 $0x1, s1  }
0x8c: {  	s17 =	sshll.u32 s0, $0xA;
	s2 =	sadd.s32 s3, s2  }
0x8d: {  	s2 =	sadd.s32 s2, s17  }
0x8e: {  	[smem:$0x3FC4] =	sst s2  }
0x8f: {  	_ = 	snop  }
0x90: {  	s2 =	sld [smem:$0x3FC6]  }
0x91: {  	s18 =	sld [smem:$0x3FD0];
	(tm) =	ssettm $0x1  }
0x92: {  	s4 =	sld [smem:$0x3FFB];
	_ =	sdelay $0x3  }
0x93: {  	_ =	strace s4  }
0x94: {  	s4 =	sld [smem:$0x3FFC];
	_ =	sdelay $0x3  }
0x95: {  	_ =	strace s4  }
0x96: {  	s4 =	sld [smem:$0x3FFD];
	_ =	sdelay $0x3  }
0x97: {  	_ =	strace s4  }
0x98: {  	_ =	strace $0x8FFFFFFF  }
0x99: {  	s19 =	sld [smem:$0x3FDB];
	_ =	sdelay $0x1  }
0x9a: {  	s5 =	simm.s32 $_scs_section_size  }
0x9b: {  	s6 =	simm.s32 $_size__tile_overlayer_lowered;
	s7 =	simm.s32 $_tile_overlayer_lowered  }
0x9c: {  	s22 =	simm.s32 $0x1BFF;
	s21 =	sshll.u32 s7, $0x1;
	s4 =	sadd.s32 s5, s19  }
0x9d: {  	s8 =	simm.s32 $0x0;
	s20 =	sshll.u32 s6, $0x1;
	s6 =	sadd.s32 s21, s4  }
0x9e: {  	[timem:s8], [sflag:s22] =	dma.local [hbm:s6], s20  }
0x9f: {  	_ =	swait.ge [sflag:s22], s20  }
0xa0: {  	s5 =	ssub.s32 $0x0, s20;
	[sflag:s22] =	ssyncset.done $0x0  }
0xa1: {  	[sflag:s22] =	ssyncadd.s32 s5;
	_ =	sdelay $0x1  }
0xa2: {  	s23 =	simm.s32 $0x1B8B  }
0xa3: {  	_ =	swait.ge [sflag:s23], $0x1  }
0xa4: {  	[sflag:s23] =	ssyncset.done $0x0  }
0xa5: {  	s25 =	simm.s32 $0x1B8E;
	s24 =	sld [smem:$0x3FFE];
	[sflag:s23] =	ssyncadd.s32 $0xFFFFFFFF  }
0xa6: {  	s26 =	simm.s32 $execute0_lowered;
	[smem:$0x3FD2] =	sst s25  }
0xa7: {  	s6 =	sshll.u32 s26, $0x1;
	_ =	strace $0x8000004C;
	[dreg:$0x1] =	wrdreg $0xFFFFFFFF  }
0xa8: {  	s28 =	simm.s32 $_size_execute0_lowered;
	s4 =	sadd.s32 s4, s6;
	[dreg:$0x0] =	wrdreg $0x0  }
0xa9: {  	s6 =	sshll.u32 s28, $0x1;
	[dreg:$0x2] =	wrdreg s4  }
0xaa: {  	[dreg:$0x3] =	wrdreg s6  }
0xab: {  	[dreg:$0x4] =	wrdreg $0xC0  }
0xac: {  	_ =	task [dreg:s8], $0x5FFFF  }
0xad: {  	[dreg:$0x1] =	wrdreg $0xFFFFFFFF  }
0xae: {  	[dreg:$0x0] =	wrdreg $0x60  }
0xaf: {  	[dreg:$0x2] =	wrdreg s24  }
0xb0: {  	[dreg:$0x3] =	wrdreg s2  }
0xb1: {  	[dreg:$0x4] =	wrdreg s18  }
0xb2: {  	[dreg:$0x5] =	wrdreg $0x9  }
0xb3: {  	_ =	task.clear_ibuf [dreg:s8], $0x6FFFF;
	_ =	strace $0x9000004C  }
0xb4: {  	s29 =	simm.s32 $0x9;
	_ =	strace $0x8000004E  }
0xb5: {  	_ =	swait.ge [sflag:s29], $0x1  }
0xb6: {  	[sflag:s29] =	ssyncadd.s32 $0xFFFFFFFF  }
0xb7: {  	_ =	strace $0x9000004E  }
0xb8: {  	_ =	sfence  }
0xb9: {  	s30 =	sld [smem:$0x0];
	_ =	sdelay $0x2  }
0xba: {  	s31 =	sshll.u32 s1, $0xD;
	s1 =	sshrl.u32 s1, $0x2  }
0xbb: {  	s3 =	sand.u32 $0x4000, s31;
	s1 =	sadd.s32 s1, s30  }
0xbc: {  	s0 =	sor.u32 s3, s0;
	s1 =	sshll.u32 s1, $0x11  }
0xbd: {  	s0 =	sor.u32 s1, s0  }
0xbe: {  	s0 =	sadd.s32 $0x8F2B, s0  }
0xbf: {  	[sflag:s0] =	ssyncadd.remote.s32 $0x1  }
0xc0: {  	_ =	sfence.sel $0xFFFF  }
0xc1: {  	[dreg:$0x0] =	wrdreg $0xFFFFFFFF;
	(pc) =	sbr.abs _section_cstart, $3  }
0xc2: {  	[dreg:$0x1] =	wrdreg $0xFFFFFFFF  }
0xc3: {  	_ =	task.clear_ibuf [dreg:s8], $0x2FFFF;
	_ =	strace $0x9FFFFFFF  }
0xc4: {  	(tm) =	ssettm $0x7FFFFFFF  }
0xc5: {  	_ =	shalt  }
tec
execute0_lowered:
.L_overlay_start_1:
0x0: {  	(tag) =	ssettag $0x1  }
0x1: {  	s8 =	rddreg [dreg:$0x0]  }
0x2: {  	s1 =	srdreg.scid;
	s2 =	rddreg [dreg:$0x1]  }
0x3: {  	s0 =	stileid.u32;
	s9 =	rddreg [dreg:$0x2];
	s3 =	simm.s32 $0x0  }
0x4: {  	s12 =	simm.s32 $0x9C80;
	s13 =	simm.s32 $0x3;
	s14 =	simm.s32 $0x1  }
0x5: {  	s15 =	simm.s32 $0x2;
	s4 =	sand.u32 $0x1, s1;
	s31 =	sshll.u32 s0, $0x1  }
0x6: {  	s16 =	simm.s32 $0x0;
	s1 =	rddreg [dreg:$0x3];
	s11 =	sor.u32 s4, s31  }
0x7: {  	[smem:$0x7FF] =	sst s3;
	s4 =	ssub.s32 $0x2, s4;
	s5 =	smul.u32 $0x4E40, s11  }
.Ltmp0:
0x8: {  	_ =	strace $0x8000004D;
	s7 =	sshrl.u32 s4, $0x1;
	(pc) =	sbr.rel .LBB2_1-.Ltmp0, $4  }
0x9: {  	p0 =	seq.s32 s11, $0x1F;
	s11 =	simm.s32 $0x4E40;
	s10 =	ssub.s32 s4, s7  }
0xa: {  	s7 =	sadd.s32 $0x46938, s8;
	s6 =	sshrl.u32 s5, $0x3;
	s10 =	smax.u32 s10, $0x1  }
0xb: {  	s5 =	sadd.s32 s6, s8;
	s6 =	sadd.s32 s9, s6;
	s8 =	sadd.s32 $0x5A538, s8  }
0xc: {  	s9 =	sadd.s32 $0x12F38, s9;
	s4 =	sadd.s32 $0x33A00, s5;
	s5 =	sadd.s32 $0x47600, s5  }
.LBB2_7:
0xd: {  	v11 =	vld [tilespmem:s17+$0x30];
	_ =	sdelay $0x1  }
0xe: {  	v6 =	vadd.f32 v6, v9  }
0xf: {  	v7 =	vadd.f32 v7, v10  }
0x10: {  	v5 =	vadd.f32 v5, v8;
	v3 =	vadd.f32 v6, v3  }
0x11: {  	v2 =	vadd.f32 v7, v2;
	v4 =	vadd.f32 v4, v11  }
0x12: {  	v1 =	vadd.f32 v5, v1;
	[tilespmem:s17+$0x0] =	vst v3  }
0x13: {  	[tilespmem:s17+$0x10] =	vst v2;
	v0 =	vadd.f32 v4, v0  }
0x14: {  	[tilespmem:s17+$0x20] =	vst v1  }
0x15: {  	[tilespmem:s17+$0x30] =	vst v0  }
0x16: {  	[hbm4b:s9+s3] =	stream.linear.scatter [tilespmem:s3], [sflag:$0x3], $0x4A40, $0x38;
	[tilespmem:$0x9CC0] =	vst v63  }
0x17: {  	_ =	swait.ge [sflag:s13], $0x4A40  }
0x18: {  	[sflag:s13] =	ssyncset.done $0x0  }
0x19: {  	[sflag:s13] =	ssyncadd.s32 $0xFFFFB5C0  }
.LBB2_8:
0x1a: {  	s16 =	sadd.s32 $0x1, s16  }
0x1b: {  	p1 =	sne.s32 s16, s10  }
.Ltmp1:
0x1c: {  	_ = 	snop;
	(pc) =	sbr.rel @!p1 .LBB2_9-.Ltmp1, $1  }
0x1d: {  	_ =	sdelay $0x3  }
.LBB2_1:
.Ltmp2:
0x1e: {  	(pc) =	sbr.rel @!p0 .LBB2_2-.Ltmp2, $2  }
0x1f: {  	_ =	sdelay $0x2  }
0x20: {  	s17 =	simm.s32 $0x0  }
0x21: {  	[tilespmem:s17], [sflag:$0x1] =	stream.linear.gather [hbm4b:s7+s17], $0x4A40, $0x38;
	[tilespmem:$0x9CC0] =	vst v63  }
0x22: {  	_ = 	snop  }
0x23: {  	[tilespmem:s11], [sflag:$0x2] =	stream.linear.gather [hbm4b:s8+s17], $0x4A40, $0x38;
	[tilespmem:$0x9CC0] =	vst v63  }
0x24: {  	_ = 	snop  }
0x25: {  	[tilespmem:s12], [sflag:$0x3] =	stream.linear.gather [hbm4b:s2+s17], $0x40, $0x38;
	[tilespmem:$0x9CC0] =	vst v63  }
0x26: {  	_ =	swait.ge [sflag:s13], $0x40  }
0x27: {  	[sflag:s13] =	ssyncset.done $0x0  }
0x28: {  	[sflag:s13] =	ssyncadd.s32 $0xFFFFFFC0  }
0x29: {  	v3 =	vld [tilespmem:$0x9C80]  }
0x2a: {  	v2 =	vld [tilespmem:$0x9C90]  }
0x2b: {  	v1 =	vld [tilespmem:$0x9CA0]  }
0x2c: {  	v0 =	vld [tilespmem:$0x9CB0];
	_ =	swait.ge [sflag:s14], $0x4A40  }
0x2d: {  	[sflag:s14] =	ssyncset.done $0x0  }
0x2e: {  	[sflag:s14] =	ssyncadd.s32 $0xFFFFB5C0  }
0x2f: {  	_ =	swait.ge [sflag:s15], $0x4A40  }
0x30: {  	[sflag:s15] =	ssyncset.done $0x0  }
0x31: {  	s17 =	simm.s32 $0x0;
	[sflag:s15] =	ssyncadd.s32 $0xFFFFB5C0  }
0x32: {  	v6 =	vld [tilespmem:s17+$0x4E40]  }
0x33: {  	v7 =	vld [tilespmem:s17+$0x4E50]  }
0x34: {  	v5 =	vld [tilespmem:s17+$0x4E60]  }
0x35: {  	v4 =	vld [tilespmem:s17+$0x4E70]  }
0x36: {  	v9 =	vld [tilespmem:s17+$0x0]  }
0x37: {  	v10 =	vld [tilespmem:s17+$0x10]  }
0x38: {  	s18 =	simm.s32 $0x100;
	v8 =	vld [tilespmem:s17+$0x20]  }
.LBB2_6:
0x39: {  	p1 =	sne.s32 s18, $0x12800;
	v11 =	vld [tilespmem:s17+$0x30];
	_ =	sdelay $0x1  }
0x3a: {  	s19 =	sshra.s32 s18, $0x2;
	v9 =	vadd.f32 v6, v9  }
0x3b: {  	v10 =	vadd.f32 v7, v10;
	v6 =	vld [tilespmem:s19+$0x4E40]  }
0x3c: {  	v8 =	vadd.f32 v5, v8;
	v9 =	vadd.f32 v9, v3;
	v7 =	vld [tilespmem:s19+$0x4E50]  }
.Ltmp3:
0x3d: {  	v10 =	vadd.f32 v10, v2;
	v5 =	vld [tilespmem:s19+$0x4E60];
	v11 =	vadd.f32 v4, v11;
	(pc) =	sbr.rel @p1 .LBB2_6-.Ltmp3, $4  }
0x3e: {  	v8 =	vadd.f32 v8, v1;
	v4 =	vld [tilespmem:s19+$0x4E70];
	[tilespmem:s17+$0x0] =	vst v9  }
0x3f: {  	v9 =	vld [tilespmem:s19+$0x0];
	[tilespmem:s17+$0x10] =	vst v10;
	v11 =	vadd.f32 v11, v0  }
0x40: {  	v10 =	vld [tilespmem:s19+$0x10];
	[tilespmem:s17+$0x20] =	vst v8  }
0x41: {  	s18 =	sadd.s32 $0x100, s18;
	v8 =	vld [tilespmem:s19+$0x20];
	[tilespmem:s17+$0x30] =	vst v11;
	s17 =	smov.u32 s19  }
.Ltmp4:
0x42: {  	_ = 	snop;
	(pc) =	sbr.rel .LBB2_7-.Ltmp4, $1  }
0x43: {  	_ =	sdelay $0x3  }
.LBB2_2:
0x44: {  	[tilespmem:s17], [sflag:$0x1] =	stream.linear.gather [hbm4b:s4+s17], $0x4E40, $0x38;
	[tilespmem:$0x9CC0] =	vst v63  }
0x45: {  	_ = 	snop  }
0x46: {  	[tilespmem:s11], [sflag:$0x2] =	stream.linear.gather [hbm4b:s5+s17], $0x4E40, $0x38;
	[tilespmem:$0x9CC0] =	vst v63  }
0x47: {  	_ = 	snop  }
0x48: {  	[tilespmem:s12], [sflag:$0x3] =	stream.linear.gather [hbm4b:s2+s17], $0x40, $0x38;
	[tilespmem:$0x9CC0] =	vst v63  }
0x49: {  	_ =	swait.ge [sflag:s13], $0x40  }
0x4a: {  	[sflag:s13] =	ssyncset.done $0x0  }
0x4b: {  	[sflag:s13] =	ssyncadd.s32 $0xFFFFFFC0  }
0x4c: {  	v3 =	vld [tilespmem:$0x9C80]  }
0x4d: {  	v2 =	vld [tilespmem:$0x9C90]  }
0x4e: {  	v1 =	vld [tilespmem:$0x9CA0]  }
0x4f: {  	v0 =	vld [tilespmem:$0x9CB0];
	_ =	swait.ge [sflag:s14], $0x4E40  }
0x50: {  	[sflag:s14] =	ssyncset.done $0x0  }
0x51: {  	[sflag:s14] =	ssyncadd.s32 $0xFFFFB1C0  }
0x52: {  	_ =	swait.ge [sflag:s15], $0x4E40  }
0x53: {  	[sflag:s15] =	ssyncset.done $0x0  }
0x54: {  	s17 =	simm.s32 $0x0;
	[sflag:s15] =	ssyncadd.s32 $0xFFFFB1C0  }
0x55: {  	v6 =	vld [tilespmem:s17+$0x4E40]  }
0x56: {  	v7 =	vld [tilespmem:s17+$0x4E50]  }
0x57: {  	v5 =	vld [tilespmem:s17+$0x4E60]  }
0x58: {  	v4 =	vld [tilespmem:s17+$0x4E70]  }
0x59: {  	v9 =	vld [tilespmem:s17+$0x0]  }
0x5a: {  	v10 =	vld [tilespmem:s17+$0x10]  }
0x5b: {  	s18 =	simm.s32 $0x100;
	v8 =	vld [tilespmem:s17+$0x20]  }
.LBB2_3:
0x5c: {  	p1 =	sne.s32 s18, $0x13800;
	v11 =	vld [tilespmem:s17+$0x30];
	_ =	sdelay $0x1  }
0x5d: {  	s19 =	sshra.s32 s18, $0x2;
	v9 =	vadd.f32 v6, v9  }
0x5e: {  	v6 =	vld [tilespmem:s19+$0x4E40];
	v10 =	vadd.f32 v7, v10  }
0x5f: {  	v7 =	vld [tilespmem:s19+$0x4E50];
	v9 =	vadd.f32 v9, v3;
	v8 =	vadd.f32 v5, v8  }
.Ltmp5:
0x60: {  	v5 =	vld [tilespmem:s19+$0x4E60];
	v10 =	vadd.f32 v10, v2;
	v11 =	vadd.f32 v4, v11;
	(pc) =	sbr.rel @p1 .LBB2_3-.Ltmp5, $4  }
0x61: {  	v4 =	vld [tilespmem:s19+$0x4E70];
	[tilespmem:s17+$0x0] =	vst v9;
	v8 =	vadd.f32 v8, v1  }
0x62: {  	v9 =	vld [tilespmem:s19+$0x0];
	[tilespmem:s17+$0x10] =	vst v10;
	v11 =	vadd.f32 v11, v0  }
0x63: {  	v10 =	vld [tilespmem:s19+$0x10];
	[tilespmem:s17+$0x20] =	vst v8  }
0x64: {  	s18 =	sadd.s32 $0x100, s18;
	v8 =	vld [tilespmem:s19+$0x20];
	[tilespmem:s17+$0x30] =	vst v11;
	s17 =	smov.u32 s19  }
0x65: {  	v11 =	vld [tilespmem:s17+$0x30];
	_ =	sdelay $0x1  }
0x66: {  	v6 =	vadd.f32 v6, v9  }
0x67: {  	v7 =	vadd.f32 v7, v10  }
0x68: {  	v3 =	vadd.f32 v6, v3;
	v5 =	vadd.f32 v5, v8  }
0x69: {  	v2 =	vadd.f32 v7, v2;
	v4 =	vadd.f32 v4, v11  }
0x6a: {  	[tilespmem:s17+$0x0] =	vst v3;
	v1 =	vadd.f32 v5, v1  }
0x6b: {  	[tilespmem:s17+$0x10] =	vst v2;
	v0 =	vadd.f32 v4, v0  }
0x6c: {  	[tilespmem:s17+$0x20] =	vst v1  }
.Ltmp6:
0x6d: {  	[tilespmem:s17+$0x30] =	vst v0;
	(pc) =	sbr.rel .LBB2_8-.Ltmp6, $4  }
0x6e: {  	[hbm4b:s6+s3] =	stream.linear.scatter [tilespmem:s3], [sflag:$0x3], $0x4E40, $0x38;
	[tilespmem:$0x9CC0] =	vst v63  }
0x6f: {  	_ =	swait.ge [sflag:s13], $0x4E40  }
0x70: {  	[sflag:s13] =	ssyncset.done $0x0  }
0x71: {  	[sflag:s13] =	ssyncadd.s32 $0xFFFFB1C0  }
.LBB2_9:
0x72: {  	_ =	sfence.sel $0x180000  }
0x73: {  	[bflag:$0x0] =	sbarrier.arrive $0xFFFF  }
0x74: {  	p0 =	sne.s32 s0, $0x0;
	_ =	strace $0x9000004D  }
0x75: {  	s0 =	sadd.s32 @!p0 $0x100000, s1;
	[bflag:$0x2] =	sbarrier.arrive $0xFFFF  }
0x76: {  	[sflag:s0] =	ssyncadd.tile.s32 @!p0 $0x1;
	_ =	shalt  }
.Lfunc_end2:
_tile_overlayer_lowered:
.L_overlay_start_2:
0x77: {  	(tag) =	ssettag $0x2  }
0x78: {  	s0 =	rddreg [dreg:$0x0];
	s2 =	stileid.u32  }
0x79: {  	s1 =	rddreg [dreg:$0x1];
	p0 =	sne.s32 s2, $0x0  }
0x7a: {  	s3 =	rddreg [dreg:$0x2];
	[bflag:$0x3] =	sbarrier.arrive $0xFFFF;
	s2 =	simm.s32 @!p0 $0x1C03  }
0x7b: {  	[timem:s3], [sflag:s2] =	dma.local @!p0 [hbm:s0], s1  }
0x7c: {  	s0 =	simm.s32 @!p0 $0x3  }
0x7d: {  	_ =	swait.ge @!p0 [sflag:s0], s1  }
0x7e: {  	s1 =	ssub.s32 @!p0 $0x0, s1;
	[sflag:s0] =	ssyncset.done @!p0 $0x0  }
0x7f: {  	[sflag:s0] =	ssyncadd.s32 @!p0 s1  }
0x80: {  	[bflag:$0x3] =	sbarrier.arrive $0xFFFF  }
0x81: {  	_ =	shalt  }

// kernel: kernel.6.cloned.1.call-start
scs
__scs_entry_jumppad:
0x0: {  	(pc) =	sbr.rel $0x88, $3  }
0x1: {  	(tag) =	ssettag $0x0;
	lr =	simm.s32 $0x1  }
0x2: {  	[smem:$0x3F9D] =	sst lr;
	_ =	strace $0xD0000000  }
0x3: {  	_ = 	snop  }
0x4: {  	_ = 	snop  }
0x5: {  	_ = 	snop  }
0x6: {  	_ = 	snop  }
0x7: {  	_ = 	snop  }
__scs_overlays_trampoline_lowered:
0x8: {  	[smem:$0x3FAC] =	sst s0  }
0x9: {  	[smem:$0x3FAD] =	sst s1  }
0xa: {  	[smem:$0x3FAE] =	sst s2  }
0xb: {  	[smem:$0x3FAF] =	sst s3  }
0xc: {  	[smem:$0x3FB0] =	sst s4  }
0xd: {  	[smem:$0x3FB1] =	sst s5  }
0xe: {  	[smem:$0x3FB2] =	sst s6  }
0xf: {  	[smem:$0x3FB3] =	sst s7  }
0x10: {  	[smem:$0x3FB4] =	sst s8  }
0x11: {  	[smem:$0x3FB5] =	sst s9;
	s0 =	simm.s32 @!p0 $0x0  }
0x12: {  	s1 =	sld [smem:$0x3F9B];
	s0 =	simm.s32 @p0 $0x1  }
0x13: {  	[smem:$0x3FB6] =	sst s0;
	s0 =	simm.s32 @!p1 $0x0  }
0x14: {  	s2 =	sld [smem:$0x3F9A];
	s0 =	simm.s32 @p1 $0x1  }
0x15: {  	[smem:$0x3FB7] =	sst s0;
	s0 =	simm.s32 @!p2 $0x0  }
0x16: {  	s3 =	sld [smem:$0x3FDB];
	s0 =	simm.s32 @p2 $0x1  }
0x17: {  	s4 =	simm.s32 $0x1BF5;
	[smem:$0x3FB9] =	sst s0  }
0x18: {  	s0 =	sld [smem:$0x3F9C];
	_ =	swait.ge [sflag:s4], $0x0  }
0x19: {  	s7 =	sld [smem:$0x3F9D]  }
0x1a: {  	s8 =	sadd.s32 $0xFFFFE003, lr  }
0x1b: {  	s9 =	sadd.s32 $0xFFFFFEF7, lr;
	s5 =	simm.s32 $0xFFFFFFFF;
	p2 =	slt.u32 s8, $0xFFFFF086  }
0x1c: {  	p1 =	slt.u32 s9, $0xF7A;
	s5 =	simm.s32 @!p2 $0x0  }
0x1d: {  	s5 =	simm.s32 @p1 $0x1;
	p0 =	seq.s32 s7, s2  }
0x1e: {  	s7 =	smul.u32 @!p0 $0xF7A, s2;
	p2 =	seq.s32 @!p0 s5, $0x0  }
0x1f: {  	s9 =	smul.u32 $0xF7A, s1;
	s8 =	simm.s32 @!p0 $0x1BF5;
	p2 =	por !p2, p0  }
0x20: {  	[sflag:s8] =	ssyncset.s32 @!p0 $0xFFFFF086;
	s6 =	sadd.s32 @!p0 s3, s7;
	s7 =	simm.s32 @!p0 $0x108  }
0x21: {  	s3 =	sadd.s32 s3, s9;
	s6 =	sadd.s32 @!p0 $0x88, s6;
	s7 =	simm.s32 @p2 $0x1082  }
0x22: {  	[simem:s7], [sflag:s8] =	dma.local @!p0 [hbm:s6], $0xF7A  }
0x23: {  	s9 =	sor.u32 $0xD0000000, s2;
	s6 =	simm.s32 $0x108;
	_ =	swait.ge @!p0 [sflag:s8], $0x0  }
0x24: {  	s3 =	sadd.s32 $0x88, s3;
	s6 =	simm.s32 @!p1 $0x1082;
	[sflag:s4] =	ssyncset.s32 $0xFFFFF086  }
0x25: {  	[simem:s6], [sflag:s4] =	dma.local [hbm:s3], $0xF7A  }
0x26: {  	[smem:$0x3F9D] =	sst s1;
	(tag) =	ssettag s2;
	_ =	strace s9  }
0x27: {  	s1 =	sld [smem:$0x3FAD]  }
0x28: {  	s2 =	sld [smem:$0x3FAE]  }
0x29: {  	s4 =	sld [smem:$0x3FB0]  }
0x2a: {  	p0 =	seq.s32 s5, $0x0;
	s5 =	sld [smem:$0x3FB1]  }
0x2b: {  	s6 =	sld [smem:$0x3FB2]  }
0x2c: {  	s7 =	sld [smem:$0x3FB3]  }
0x2d: {  	s3 =	simm.s32 $0x108;
	s8 =	sld [smem:$0x3FB4]  }
0x2e: {  	s3 =	simm.s32 @!p0 $0x1082;
	s9 =	sld [smem:$0x3FB5]  }
0x2f: {  	lr =	sadd.s32 s0, s3;
	s0 =	sld [smem:$0x3FAC]  }
0x30: {  	s3 =	sld [smem:$0x3FAF]  }
0x31: {  	[smem:$0x3FB8] =	sst s10  }
0x32: {  	s10 =	sld [smem:$0x3FB6];
	_ =	sdelay $0x3  }
0x33: {  	p0 =	seq.s32 s10, $0x1;
	s10 =	sld [smem:$0x3FB8];
	_ =	sdelay $0x3  }
0x34: {  	[smem:$0x3FB8] =	sst s10  }
0x35: {  	s10 =	sld [smem:$0x3FB7];
	_ =	sdelay $0x3  }
0x36: {  	p1 =	seq.s32 s10, $0x1;
	s10 =	sld [smem:$0x3FB8];
	_ =	sdelay $0x3  }
0x37: {  	[smem:$0x3FB8] =	sst s10  }
0x38: {  	s10 =	sld [smem:$0x3FB9]  }
0x39: {  	_ = 	snop;
	(pc) =	sbr.ind lr, $3  }
0x3a: {  	_ = 	snop  }
0x3b: {  	_ = 	snop  }
0x3c: {  	p2 =	seq.s32 s10, $0x1;
	s10 =	sld [smem:$0x3FB8]  }
0x3d: {  	_ =	shalt  }
0x3e: {  	_ =	shalt  }
0x3f: {  	_ =	shalt  }
0x40: {  	_ =	shalt  }
0x41: {  	_ =	shalt  }
0x42: {  	_ =	shalt  }
0x43: {  	_ =	shalt  }
0x44: {  	_ =	shalt  }
0x45: {  	_ =	shalt  }
0x46: {  	_ =	shalt  }
0x47: {  	_ =	shalt  }
0x48: {  	_ =	shalt  }
0x49: {  	_ =	shalt  }
0x4a: {  	_ =	shalt  }
0x4b: {  	_ =	shalt  }
0x4c: {  	_ =	shalt  }
0x4d: {  	_ =	shalt  }
0x4e: {  	_ =	shalt  }
0x4f: {  	_ =	shalt  }
0x50: {  	_ =	shalt  }
0x51: {  	_ =	shalt  }
0x52: {  	_ =	shalt  }
0x53: {  	_ =	shalt  }
0x54: {  	_ =	shalt  }
0x55: {  	_ =	shalt  }
0x56: {  	_ =	shalt  }
0x57: {  	_ =	shalt  }
0x58: {  	_ =	shalt  }
0x59: {  	_ =	shalt  }
0x5a: {  	_ =	shalt  }
0x5b: {  	_ =	shalt  }
0x5c: {  	_ =	shalt  }
0x5d: {  	_ =	shalt  }
0x5e: {  	_ =	shalt  }
0x5f: {  	_ =	shalt  }
0x60: {  	_ =	shalt  }
0x61: {  	_ =	shalt  }
0x62: {  	_ =	shalt  }
0x63: {  	_ =	shalt  }
0x64: {  	_ =	shalt  }
0x65: {  	_ =	shalt  }
0x66: {  	_ =	shalt  }
0x67: {  	_ =	shalt  }
0x68: {  	_ =	shalt  }
0x69: {  	_ =	shalt  }
0x6a: {  	_ =	shalt  }
0x6b: {  	_ =	shalt  }
0x6c: {  	_ =	shalt  }
0x6d: {  	_ =	shalt  }
0x6e: {  	_ =	shalt  }
0x6f: {  	_ =	shalt  }
0x70: {  	_ =	shalt  }
0x71: {  	_ =	shalt  }
0x72: {  	_ =	shalt  }
0x73: {  	_ =	shalt  }
0x74: {  	_ =	shalt  }
0x75: {  	_ =	shalt  }
0x76: {  	_ =	shalt  }
0x77: {  	_ =	shalt  }
0x78: {  	_ =	shalt  }
0x79: {  	_ =	shalt  }
0x7a: {  	_ =	shalt  }
0x7b: {  	_ =	shalt  }
0x7c: {  	_ =	shalt  }
0x7d: {  	_ =	shalt  }
0x7e: {  	_ =	shalt  }
0x7f: {  	_ =	shalt  }
0x80: {  	_ =	shalt  }
0x81: {  	_ =	shalt  }
0x82: {  	_ =	shalt  }
0x83: {  	_ =	shalt  }
0x84: {  	_ =	shalt  }
0x85: {  	_ =	shalt  }
0x86: {  	_ =	shalt  }
0x87: {  	_ =	shalt  }
.Lfunc_end0:
.L_simem_size_0:
called_computation_lowered:
.L_overlay_start_0:
0x88: {  	s2 =	sld [smem:$0x3FD9]  }
0x89: {  	s3 =	sld [smem:$0x3FFE];
	_ =	sdelay $0x1  }
0x8a: {  	s1 =	srdreg.scid  }
0x8b: {  	s0 =	sand.u32 $0x1, s1  }
0x8c: {  	s17 =	sshll.u32 s0, $0xA;
	s2 =	sadd.s32 s3, s2  }
0x8d: {  	s2 =	sadd.s32 s2, s17  }
0x8e: {  	[smem:$0x3FC4] =	sst s2  }
0x8f: {  	_ = 	snop  }
0x90: {  	s2 =	sld [smem:$0x3FD0];
	(tm) =	ssettm $0x1  }
0x91: {  	s18 =	sld [smem:$0x3FFB];
	_ =	sdelay $0x3  }
0x92: {  	_ =	strace s18  }
0x93: {  	s3 =	sld [smem:$0x3FFC];
	_ =	sdelay $0x3  }
0x94: {  	_ =	strace s3  }
0x95: {  	s3 =	sld [smem:$0x3FFD];
	_ =	sdelay $0x3  }
0x96: {  	_ =	strace s3  }
0x97: {  	_ =	strace $0x8FFFFFFF  }
0x98: {  	s19 =	sld [smem:$0x3FDB];
	_ =	sdelay $0x1  }
0x99: {  	s4 =	simm.s32 $_scs_section_size  }
0x9a: {  	s5 =	simm.s32 $_size__tile_overlayer_lowered;
	s6 =	simm.s32 $_tile_overlayer_lowered  }
0x9b: {  	s22 =	simm.s32 $0x1BFF;
	s21 =	sshll.u32 s6, $0x1;
	s3 =	sadd.s32 s4, s19  }
0x9c: {  	s7 =	simm.s32 $0x0;
	s20 =	sshll.u32 s5, $0x1;
	s5 =	sadd.s32 s21, s3  }
0x9d: {  	[timem:s7], [sflag:s22] =	dma.local [hbm:s5], s20  }
0x9e: {  	_ =	swait.ge [sflag:s22], s20  }
0x9f: {  	s4 =	ssub.s32 $0x0, s20;
	[sflag:s22] =	ssyncset.done $0x0  }
0xa0: {  	[sflag:s22] =	ssyncadd.s32 s4;
	_ =	sdelay $0x1  }
0xa1: {  	s23 =	simm.s32 $0x1B8B  }
0xa2: {  	_ =	swait.ge [sflag:s23], $0x1  }
0xa3: {  	[sflag:s23] =	ssyncset.done $0x0  }
0xa4: {  	s25 =	simm.s32 $0x1B8E;
	s24 =	sld [smem:$0x3FFE];
	[sflag:s23] =	ssyncadd.s32 $0xFFFFFFFF  }
0xa5: {  	s26 =	simm.s32 $execute0_lowered;
	[smem:$0x3FD2] =	sst s25  }
0xa6: {  	s5 =	sshll.u32 s26, $0x1;
	_ =	strace $0x80000046;
	[dreg:$0x1] =	wrdreg $0xFFFFFFFF  }
0xa7: {  	s28 =	simm.s32 $_size_execute0_lowered;
	s3 =	sadd.s32 s3, s5;
	[dreg:$0x0] =	wrdreg $0x0  }
0xa8: {  	s5 =	sshll.u32 s28, $0x1;
	[dreg:$0x2] =	wrdreg s3  }
0xa9: {  	[dreg:$0x3] =	wrdreg s5  }
0xaa: {  	[dreg:$0x4] =	wrdreg $0xC0  }
0xab: {  	_ =	task [dreg:s7], $0x5FFFF  }
0xac: {  	[dreg:$0x1] =	wrdreg $0xFFFFFFFF  }
0xad: {  	[dreg:$0x0] =	wrdreg $0x60  }
0xae: {  	[dreg:$0x2] =	wrdreg s2  }
0xaf: {  	[dreg:$0x3] =	wrdreg s24  }
0xb0: {  	[dreg:$0x4] =	wrdreg $0x156000  }
0xb1: {  	[dreg:$0x5] =	wrdreg $0xB8000  }
0xb2: {  	[dreg:$0x6] =	wrdreg $0x9  }
0xb3: {  	_ =	task.clear_ibuf [dreg:s7], $0x7FFFF;
	_ =	strace $0x90000046  }
0xb4: {  	s29 =	simm.s32 $0x9;
	_ =	strace $0x80000048  }
0xb5: {  	_ =	swait.ge [sflag:s29], $0x1  }
0xb6: {  	[sflag:s29] =	ssyncadd.s32 $0xFFFFFFFF  }
0xb7: {  	_ =	strace $0x90000048  }
0xb8: {  	_ =	sfence  }
0xb9: {  	s30 =	sld [smem:$0x0];
	_ =	sdelay $0x2  }
0xba: {  	s31 =	sshll.u32 s1, $0xD;
	s1 =	sshrl.u32 s1, $0x2  }
0xbb: {  	s3 =	sand.u32 $0x4000, s31;
	s1 =	sadd.s32 s1, s30  }
0xbc: {  	s0 =	sor.u32 s3, s0;
	s1 =	sshll.u32 s1, $0x11  }
0xbd: {  	s0 =	sor.u32 s1, s0  }
0xbe: {  	s0 =	sadd.s32 $0x8F2B, s0  }
0xbf: {  	[sflag:s0] =	ssyncadd.remote.s32 $0x1  }
0xc0: {  	_ =	sfence.sel $0xFFFF  }
0xc1: {  	[dreg:$0x0] =	wrdreg $0xFFFFFFFF;
	(pc) =	sbr.abs _section_cstart, $3  }
0xc2: {  	[dreg:$0x1] =	wrdreg $0xFFFFFFFF  }
0xc3: {  	_ =	task.clear_ibuf [dreg:s7], $0x2FFFF;
	_ =	strace $0x9FFFFFFF  }
0xc4: {  	(tm) =	ssettm $0x7FFFFFFF  }
0xc5: {  	_ =	shalt  }
tec
execute0_lowered:
.L_overlay_start_1:
0x0: {  	(tag) =	ssettag $0x1  }
0x1: {  	s0 =	rddreg [dreg:$0x0]  }
0x2: {  	s1 =	srdreg.scid;
	s5 =	rddreg [dreg:$0x1]  }
0x3: {  	s11 =	stileid.u32;
	s2 =	rddreg [dreg:$0x2]  }
0x4: {  	s28 =	simm.s32 $0x2800;
	s29 =	simm.s32 $0x4800;
	s31 =	simm.s32 $0x6800  }
0x5: {  	s30 =	simm.s32 $0x2;
	s1 =	sand.u32 $0x1, s1;
	s7 =	smul.u32 $0x9E00, s11  }
0x6: {  	s3 =	sshll.u32 s11, $0x1;
	s9 =	smul.u32 $0x27800, s11;
	s26 =	sshll.u32 s11, $0x6  }
0x7: {  	s4 =	sor.u32 s1, s3;
	s3 =	rddreg [dreg:$0x3];
	s8 =	smul.u32 $0x9E000, s1  }
0x8: {  	s1 =	ssub.s32 $0x2, s1;
	s16 =	sor.u32 $0x1C09, s26;
	s26 =	simm.s32 $0x80  }
0x9: {  	s6 =	smul.u32 $0x1400, s4;
	s4 =	simm.s32 $0x0;
	s10 =	sshrl.u32 s1, $0x1  }
0xa: {  	s9 =	sshrl.u32 s9, $0x2;
	s25 =	sshrl.u32 s7, $0x3;
	[smem:$0x7FF] =	sst s4  }
0xb: {  	s8 =	sadd.s32 s7, s8;
	s1 =	ssub.s32 s1, s10;
	s9 =	sadd.s32 s9, s2  }
0xc: {  	s15 =	sadd.s32 s0, s25;
	s25 =	simm.s32 $0x8;
	s0 =	simm.s32 $0x8800  }
0xd: {  	_ =	strace $0x80000047;
	s6 =	sshrl.u32 s6, $0x3;
	s18 =	sadd.s32 $0x1000, s9  }
0xe: {  	s8 =	sshrl.u32 s8, $0x3;
	s19 =	sadd.s32 $0x2000, s9;
	[dreg:$0x5] =	wrdreg s18  }
0xf: {  	s20 =	sadd.s32 $0x3000, s9;
	s21 =	sadd.s32 $0x4000, s9;
	[dreg:$0x6] =	wrdreg s19  }
0x10: {  	s22 =	sadd.s32 $0x5000, s9;
	s23 =	sadd.s32 $0x6000, s9;
	[dreg:$0x7] =	wrdreg s20  }
0x11: {  	s24 =	sadd.s32 $0x7000, s9;
	s13 =	sadd.s32 $0x8000, s9;
	[dreg:$0x8] =	wrdreg s21  }
0x12: {  	s14 =	sadd.s32 $0x9000, s9;
	s9 =	simm.s32 $0x7;
	[dreg:$0x9] =	wrdreg s22  }
0x13: {  	s6 =	sadd.s32 s6, s5;
	s8 =	sadd.s32 s8, s5;
	[dreg:$0xa] =	wrdreg s23  }
0x14: {  	s5 =	sadd.s32 s7, s2;
	[dreg:$0xb] =	wrdreg s24;
	s7 =	sadd.s32 s7, s3  }
0x15: {  	s20 =	smax.u32 s1, $0x1;
	s21 =	simm.s32 $0xA800;
	s23 =	simm.s32 $0x9  }
0x16: {  	s24 =	simm.s32 $0x1;
	s1 =	simm.s32 $0x3;
	s17 =	sadd.s32 $0x1A00, s6  }
0x17: {  	s18 =	sadd.s32 $0x6A00, s6;
	s19 =	sadd.s32 $0xC200, s8;
	s22 =	sshrl.u32 s7, $0x3  }
0x18: {  	v0 =	vimm.f32 $0.0e+00;
	s6 =	simm.s32 $0x4;
	s7 =	simm.s32 $0x5;
	s8 =	simm.s32 $0x6  }
.LBB2_1:
0x19: {  	s11 =	simm.s32 $0x100;
	s10 =	simm.s32 $0x0  }
.LBB2_2:
0x1a: {  	p0 =	sne.s32 s11, $0x3F00;
	[tilespmem:s10+$0xA830] =	vst v0;
	s12 =	smov.u32 s11;
	s11 =	sadd.s32 $0x100, s11  }
.Ltmp0:
0x1b: {  	[tilespmem:s10+$0xA820] =	vst v0;
	(pc) =	sbr.rel @p0 .LBB2_2-.Ltmp0, $3  }
0x1c: {  	[tilespmem:s10+$0xA800] =	vst v0  }
0x1d: {  	[tilespmem:s10+$0xA810] =	vst v0;
	_ =	sdelay $0x1  }
0x1e: {  	s10 =	sshra.s32 s12, $0x2  }
0x1f: {  	[tilespmem:s10+$0xA830] =	vst v0  }
0x20: {  	[tilespmem:s10+$0xA820] =	vst v0  }
0x21: {  	[tilespmem:s10+$0xA800] =	vst v0  }
0x22: {  	[tilespmem:s10+$0xA810] =	vst v0  }
0x23: {  	[spmem:s5] =	stream.linear.scatter [tilespmem:s21], [sflag:$0x8], $0x1000, $0x38;
	[tilespmem:$0x1F400] =	vst v63  }
0x24: {  	s11 =	rddreg [dreg:$0x5]  }
0x25: {  	[spmem:s11] =	stream.linear.scatter [tilespmem:s21], [sflag:$0x8], $0x1000, $0x38;
	[tilespmem:$0x1F400] =	vst v63  }
0x26: {  	s12 =	rddreg [dreg:$0x6]  }
0x27: {  	[spmem:s12] =	stream.linear.scatter [tilespmem:s21], [sflag:$0x8], $0x1000, $0x38;
	[tilespmem:$0x1F400] =	vst v63  }
0x28: {  	s11 =	rddreg [dreg:$0x7]  }
0x29: {  	[spmem:s11] =	stream.linear.scatter [tilespmem:s21], [sflag:$0x8], $0x1000, $0x38;
	[tilespmem:$0x1F400] =	vst v63  }
0x2a: {  	s12 =	rddreg [dreg:$0x8]  }
0x2b: {  	[spmem:s12] =	stream.linear.scatter [tilespmem:s21], [sflag:$0x8], $0x1000, $0x38;
	[tilespmem:$0x1F400] =	vst v63  }
0x2c: {  	s11 =	rddreg [dreg:$0x9]  }
0x2d: {  	[spmem:s11] =	stream.linear.scatter [tilespmem:s21], [sflag:$0x8], $0x1000, $0x38;
	[tilespmem:$0x1F400] =	vst v63  }
0x2e: {  	s12 =	rddreg [dreg:$0xa]  }
0x2f: {  	[spmem:s12] =	stream.linear.scatter [tilespmem:s21], [sflag:$0x8], $0x1000, $0x38;
	[tilespmem:$0x1F400] =	vst v63  }
0x30: {  	s11 =	rddreg [dreg:$0xb]  }
0x31: {  	[spmem:s11] =	stream.linear.scatter [tilespmem:s21], [sflag:$0x8], $0x1000, $0x38;
	[tilespmem:$0x1F400] =	vst v63  }
0x32: {  	_ = 	snop  }
0x33: {  	[spmem:s13] =	stream.linear.scatter [tilespmem:s21], [sflag:$0x8], $0x1000, $0x38;
	[tilespmem:$0x1F400] =	vst v63  }
0x34: {  	_ = 	snop  }
0x35: {  	[spmem:s14] =	stream.linear.scatter [tilespmem:s21], [sflag:$0x8], $0xE00, $0x38;
	[tilespmem:$0x1F400] =	vst v63  }
0x36: {  	[spmem:s22], [sflag:s16] =	dma.local [hbm:s15], $0x13C0  }
0x37: {  	_ =	swait.ge [sflag:s23], $0x13C0  }
0x38: {  	[sflag:s23] =	ssyncset.done $0x0  }
0x39: {  	s12 =	simm.s32 $0x0;
	[sflag:s23] =	ssyncadd.s32 $0xFFFFEC40  }
0x3a: {  	[tilespmem:s12], [sflag:$0x9] =	stream.linear.gather [hbm4b:s17+s12], $0x1400, $0x38;
	[tilespmem:$0x1F400] =	vst v63  }
0x3b: {  	_ =	swait.ge [sflag:s23], $0x1400  }
0x3c: {  	[sflag:s23] =	ssyncset.done $0x0  }
0x3d: {  	s11 =	simm.s32 $0x1400;
	[sflag:s23] =	ssyncadd.s32 $0xFFFFEC00  }
0x3e: {  	[tilespmem:s11], [sflag:$0x9] =	stream.linear.gather [hbm4b:s18+s12], $0x1400, $0x38;
	[tilespmem:$0x1F400] =	vst v63  }
0x3f: {  	_ =	swait.ge [sflag:s23], $0x1400  }
0x40: {  	[sflag:s23] =	ssyncset.done $0x0  }
0x41: {  	[sflag:s23] =	ssyncadd.s32 $0xFFFFEC00  }
0x42: {  	_ =	swait.ge [sflag:s25], $0x1000  }
0x43: {  	[sflag:s25] =	ssyncset.done $0x0  }
0x44: {  	[sflag:s25] =	ssyncadd.s32 $0xFFFFF000  }
0x45: {  	_ =	swait.ge [sflag:s25], $0x1000  }
0x46: {  	[sflag:s25] =	ssyncset.done $0x0  }
0x47: {  	[sflag:s25] =	ssyncadd.s32 $0xFFFFF000  }
0x48: {  	_ =	swait.ge [sflag:s25], $0x1000  }
0x49: {  	[sflag:s25] =	ssyncset.done $0x0  }
0x4a: {  	[sflag:s25] =	ssyncadd.s32 $0xFFFFF000  }
0x4b: {  	_ =	swait.ge [sflag:s25], $0x1000  }
0x4c: {  	[sflag:s25] =	ssyncset.done $0x0  }
0x4d: {  	[sflag:s25] =	ssyncadd.s32 $0xFFFFF000  }
0x4e: {  	_ =	swait.ge [sflag:s25], $0x1000  }
0x4f: {  	[sflag:s25] =	ssyncset.done $0x0  }
0x50: {  	[sflag:s25] =	ssyncadd.s32 $0xFFFFF000  }
0x51: {  	_ =	swait.ge [sflag:s25], $0x1000  }
0x52: {  	[sflag:s25] =	ssyncset.done $0x0  }
0x53: {  	[sflag:s25] =	ssyncadd.s32 $0xFFFFF000  }
0x54: {  	_ =	swait.ge [sflag:s25], $0x1000  }
0x55: {  	[sflag:s25] =	ssyncset.done $0x0  }
0x56: {  	[sflag:s25] =	ssyncadd.s32 $0xFFFFF000  }
0x57: {  	_ =	swait.ge [sflag:s25], $0x1000  }
0x58: {  	[sflag:s25] =	ssyncset.done $0x0  }
0x59: {  	[sflag:s25] =	ssyncadd.s32 $0xFFFFF000  }
0x5a: {  	_ =	swait.ge [sflag:s25], $0x1000  }
0x5b: {  	[sflag:s25] =	ssyncset.done $0x0  }
0x5c: {  	[sflag:s25] =	ssyncadd.s32 $0xFFFFF000  }
0x5d: {  	_ =	swait.ge [sflag:s25], $0xE00  }
0x5e: {  	[sflag:s25] =	ssyncset.done $0x0  }
0x5f: {  	[sflag:s25] =	ssyncadd.s32 $0xFFFFF200  }
0x60: {  	[bflag:$0x0] =	sbarrier.arrive $0xFFFF  }
0x61: {  	[tilespmem:s28], [sflag:$0x1] =	stream.indirect.gather [spmem:s3], $0x40, s12, s26, $0xb8;
	[tilespmem:$0x1F400] =	vst v63  }
0x62: {  	_ = 	snop  }
0x63: {  	[tilespmem:s29], [sflag:$0x2] =	stream.indirect.gather [spmem:s3], $0x40, s26, s26, $0xb8;
	[tilespmem:$0x1F400] =	vst v63  }
0x64: {  	s12 =	simm.s32 $0x100  }
0x65: {  	[tilespmem:s31], [sflag:$0x3] =	stream.indirect.gather [spmem:s3], $0x40, s12, s26, $0xb8;
	[tilespmem:$0x1F400] =	vst v63  }
0x66: {  	s11 =	simm.s32 $0x180  }
0x67: {  	[tilespmem:s0], [sflag:$0x4] =	stream.indirect.gather [spmem:s3], $0x40, s11, s26, $0xb8;
	[tilespmem:$0x1F400] =	vst v63  }
0x68: {  	_ =	swait.ge [sflag:s24], $0x2000  }
0x69: {  	[sflag:s24] =	ssyncset.done $0x0  }
0x6a: {  	s12 =	simm.s32 $0x1400;
	[sflag:s24] =	ssyncadd.s32 $0xFFFFE000  }
0x6b: {  	[spmem:s2] =	stream.indirect.scatter.add.f32 [tilespmem:s28], [sflag:$0x5], $0x40, s12, s26, $0xb8;
	[tilespmem:$0x1F400] =	vst v63  }
0x6c: {  	_ =	swait.ge [sflag:s30], $0x2000  }
0x6d: {  	[sflag:s30] =	ssyncset.done $0x0  }
0x6e: {  	s11 =	simm.s32 $0x1480;
	[sflag:s30] =	ssyncadd.s32 $0xFFFFE000  }
0x6f: {  	[spmem:s2] =	stream.indirect.scatter.add.f32 [tilespmem:s29], [sflag:$0x6], $0x40, s11, s26, $0xb8;
	[tilespmem:$0x1F400] =	vst v63  }
0x70: {  	_ =	swait.ge [sflag:s1], $0x2000  }
0x71: {  	[sflag:s1] =	ssyncset.done $0x0  }
0x72: {  	s12 =	simm.s32 $0x1500;
	[sflag:s1] =	ssyncadd.s32 $0xFFFFE000  }
0x73: {  	[spmem:s2] =	stream.indirect.scatter.add.f32 [tilespmem:s31], [sflag:$0x7], $0x40, s12, s26, $0xb8;
	[tilespmem:$0x1F400] =	vst v63  }
0x74: {  	_ =	swait.ge [sflag:s6], $0x2000  }
0x75: {  	[sflag:s6] =	ssyncset.done $0x0  }
0x76: {  	s11 =	simm.s32 $0x1580;
	[sflag:s6] =	ssyncadd.s32 $0xFFFFE000  }
0x77: {  	[spmem:s2] =	stream.indirect.scatter.add.f32 [tilespmem:s0], [sflag:$0x8], $0x40, s11, s26, $0xb8;
	[tilespmem:$0x1F400] =	vst v63  }
0x78: {  	_ =	swait.ge [sflag:s7], $0x2000  }
0x79: {  	[sflag:s7] =	ssyncset.done $0x0  }
0x7a: {  	s12 =	simm.s32 $0x200;
	[sflag:s7] =	ssyncadd.s32 $0xFFFFE000  }
0x7b: {  	[tilespmem:s28], [sflag:$0x1] =	stream.indirect.gather [spmem:s3], $0x40, s12, s26, $0xb8;
	[tilespmem:$0x1F400] =	vst v63  }
0x7c: {  	_ =	swait.ge [sflag:s8], $0x2000  }
0x7d: {  	[sflag:s8] =	ssyncset.done $0x0  }
0x7e: {  	s11 =	simm.s32 $0x280;
	[sflag:s8] =	ssyncadd.s32 $0xFFFFE000  }
0x7f: {  	[tilespmem:s29], [sflag:$0x2] =	stream.indirect.gather [spmem:s3], $0x40, s11, s26, $0xb8;
	[tilespmem:$0x1F400] =	vst v63  }
0x80: {  	_ =	swait.ge [sflag:s9], $0x2000  }
0x81: {  	[sflag:s9] =	ssyncset.done $0x0  }
0x82: {  	s12 =	simm.s32 $0x300;
	[sflag:s9] =	ssyncadd.s32 $0xFFFFE000  }
0x83: {  	[tilespmem:s31], [sflag:$0x3] =	stream.indirect.gather [spmem:s3], $0x40, s12, s26, $0xb8;
	[tilespmem:$0x1F400] =	vst v63  }
0x84: {  	_ =	swait.ge [sflag:s25], $0x2000  }
0x85: {  	[sflag:s25] =	ssyncset.done $0x0  }
0x86: {  	s10 =	simm.s32 $0x800;
	s11 =	simm.s32 $0x380;
	[sflag:s25] =	ssyncadd.s32 $0xFFFFE000  }
.LBB2_4:
0x87: {  	[tilespmem:s0], [sflag:$0x4] =	stream.indirect.gather [spmem:s3], $0x40, s11, s26, $0xb8;
	[tilespmem:$0x1F400] =	vst v63  }
0x88: {  	s11 =	smov.u32 s10  }
0x89: {  	p0 =	sne.s32 s10, $0x4000;
	s10 =	sadd.s32 $0x800, s10;
	_ =	swait.ge [sflag:s24], $0x2000  }
0x8a: {  	s11 =	sshra.s32 s11, $0x2;
	[sflag:s24] =	ssyncset.done $0x0  }
0x8b: {  	s12 =	sadd.s32 $0x1400, s11;
	[sflag:s24] =	ssyncadd.s32 $0xFFFFE000  }
0x8c: {  	[spmem:s2] =	stream.indirect.scatter.add.f32 [tilespmem:s28], [sflag:$0x5], $0x40, s12, s26, $0xb8;
	[tilespmem:$0x1F400] =	vst v63  }
0x8d: {  	_ =	swait.ge [sflag:s30], $0x2000  }
0x8e: {  	[sflag:s30] =	ssyncset.done $0x0  }
0x8f: {  	s12 =	sadd.s32 $0x1480, s11;
	[sflag:s30] =	ssyncadd.s32 $0xFFFFE000  }
0x90: {  	[spmem:s2] =	stream.indirect.scatter.add.f32 [tilespmem:s29], [sflag:$0x6], $0x40, s12, s26, $0xb8;
	[tilespmem:$0x1F400] =	vst v63  }
0x91: {  	_ =	swait.ge [sflag:s1], $0x2000  }
0x92: {  	[sflag:s1] =	ssyncset.done $0x0  }
0x93: {  	s12 =	sadd.s32 $0x1500, s11;
	[sflag:s1] =	ssyncadd.s32 $0xFFFFE000  }
0x94: {  	[spmem:s2] =	stream.indirect.scatter.add.f32 [tilespmem:s31], [sflag:$0x7], $0x40, s12, s26, $0xb8;
	[tilespmem:$0x1F400] =	vst v63  }
0x95: {  	_ =	swait.ge [sflag:s6], $0x2000  }
0x96: {  	[sflag:s6] =	ssyncset.done $0x0  }
0x97: {  	s12 =	sadd.s32 $0x1580, s11;
	[sflag:s6] =	ssyncadd.s32 $0xFFFFE000  }
0x98: {  	[spmem:s2] =	stream.indirect.scatter.add.f32 [tilespmem:s0], [sflag:$0x8], $0x40, s12, s26, $0xb8;
	[tilespmem:$0x1F400] =	vst v63  }
0x99: {  	_ =	swait.ge [sflag:s7], $0x2000  }
0x9a: {  	[sflag:s7] =	ssyncset.done $0x0  }
0x9b: {  	s12 =	sadd.s32 $0x200, s11;
	[sflag:s7] =	ssyncadd.s32 $0xFFFFE000  }
0x9c: {  	[tilespmem:s28], [sflag:$0x1] =	stream.indirect.gather [spmem:s3], $0x40, s12, s26, $0xb8;
	[tilespmem:$0x1F400] =	vst v63  }
0x9d: {  	_ =	swait.ge [sflag:s8], $0x2000  }
0x9e: {  	[sflag:s8] =	ssyncset.done $0x0  }
0x9f: {  	s12 =	sadd.s32 $0x280, s11;
	[sflag:s8] =	ssyncadd.s32 $0xFFFFE000  }
0xa0: {  	[tilespmem:s29], [sflag:$0x2] =	stream.indirect.gather [spmem:s3], $0x40, s12, s26, $0xb8;
	[tilespmem:$0x1F400] =	vst v63  }
0xa1: {  	_ =	swait.ge [sflag:s9], $0x2000  }
0xa2: {  	[sflag:s9] =	ssyncset.done $0x0  }
.Ltmp1:
0xa3: {  	s12 =	sadd.s32 $0x300, s11;
	[sflag:s9] =	ssyncadd.s32 $0xFFFFE000;
	(pc) =	sbr.rel @p0 .LBB2_4-.Ltmp1, $4  }
0xa4: {  	[tilespmem:s31], [sflag:$0x3] =	stream.indirect.gather [spmem:s3], $0x40, s12, s26, $0xb8;
	[tilespmem:$0x1F400] =	vst v63  }
0xa5: {  	_ =	swait.ge [sflag:s25], $0x2000  }
0xa6: {  	[sflag:s25] =	ssyncset.done $0x0  }
0xa7: {  	s11 =	sadd.s32 $0x380, s11;
	[sflag:s25] =	ssyncadd.s32 $0xFFFFE000  }
0xa8: {  	[tilespmem:s0], [sflag:$0x4] =	stream.indirect.gather [spmem:s3], $0x40, s11, s26, $0xb8;
	[tilespmem:$0x1F400] =	vst v63  }
0xa9: {  	_ =	swait.ge [sflag:s24], $0x2000  }
0xaa: {  	[sflag:s24] =	ssyncset.done $0x0  }
0xab: {  	s10 =	simm.s32 $0x2600;
	[sflag:s24] =	ssyncadd.s32 $0xFFFFE000  }
0xac: {  	[spmem:s2] =	stream.indirect.scatter.add.f32 [tilespmem:s28], [sflag:$0x5], $0x40, s10, s26, $0xb8;
	[tilespmem:$0x1F400] =	vst v63  }
0xad: {  	_ =	swait.ge [sflag:s30], $0x2000  }
0xae: {  	[sflag:s30] =	ssyncset.done $0x0  }
0xaf: {  	s11 =	simm.s32 $0x2680;
	[sflag:s30] =	ssyncadd.s32 $0xFFFFE000  }
0xb0: {  	[spmem:s2] =	stream.indirect.scatter.add.f32 [tilespmem:s29], [sflag:$0x6], $0x40, s11, s26, $0xb8;
	[tilespmem:$0x1F400] =	vst v63  }
0xb1: {  	_ =	swait.ge [sflag:s1], $0x2000  }
0xb2: {  	[sflag:s1] =	ssyncset.done $0x0  }
0xb3: {  	s12 =	simm.s32 $0x2700;
	[sflag:s1] =	ssyncadd.s32 $0xFFFFE000  }
0xb4: {  	[spmem:s2] =	stream.indirect.scatter.add.f32 [tilespmem:s31], [sflag:$0x7], $0x40, s12, s26, $0xb8;
	[tilespmem:$0x1F400] =	vst v63  }
0xb5: {  	_ =	swait.ge [sflag:s6], $0x2000  }
0xb6: {  	[sflag:s6] =	ssyncset.done $0x0  }
0xb7: {  	s11 =	simm.s32 $0x2780;
	[sflag:s6] =	ssyncadd.s32 $0xFFFFE000  }
0xb8: {  	[spmem:s2] =	stream.indirect.scatter.add.f32 [tilespmem:s0], [sflag:$0x8], $0x40, s11, s26, $0xb8;
	[tilespmem:$0x1F400] =	vst v63  }
0xb9: {  	_ =	swait.ge [sflag:s7], $0x2000  }
0xba: {  	[sflag:s7] =	ssyncset.done $0x0  }
0xbb: {  	[sflag:s7] =	ssyncadd.s32 $0xFFFFE000  }
0xbc: {  	_ =	swait.ge [sflag:s8], $0x2000  }
0xbd: {  	[sflag:s8] =	ssyncset.done $0x0  }
0xbe: {  	[sflag:s8] =	ssyncadd.s32 $0xFFFFE000  }
0xbf: {  	_ =	swait.ge [sflag:s9], $0x2000  }
0xc0: {  	[sflag:s9] =	ssyncset.done $0x0  }
0xc1: {  	[sflag:s9] =	ssyncadd.s32 $0xFFFFE000  }
0xc2: {  	_ =	swait.ge [sflag:s25], $0x2000  }
0xc3: {  	s4 =	sadd.s32 $0x1, s4;
	[sflag:s25] =	ssyncset.done $0x0  }
0xc4: {  	p0 =	sne.s32 s4, s20;
	[sflag:s25] =	ssyncadd.s32 $0xFFFFE000  }
.Ltmp2:
0xc5: {  	s12 =	sshrl.u32 s5, $0x3;
	[bflag:$0x0] =	sbarrier.arrive $0xFFFF;
	(pc) =	sbr.rel @p0 .LBB2_1-.Ltmp2, $4  }
0xc6: {  	[hbm:s19], [sflag:s16] =	dma.local [spmem:s12], $0x13C0  }
0xc7: {  	_ =	swait.ge [sflag:s23], $0x13C0  }
0xc8: {  	[sflag:s23] =	ssyncset.done $0x0  }
0xc9: {  	[sflag:s23] =	ssyncadd.s32 $0xFFFFEC40  }
0xca: {  	_ =	sfence.sel $0x180000  }
0xcb: {  	[bflag:$0x0] =	sbarrier.arrive $0xFFFF  }
0xcc: {  	_ =	strace $0x90000047  }
0xcd: {  	s0 =	stileid.u32;
	[bflag:$0x2] =	sbarrier.arrive $0xFFFF  }
0xce: {  	p0 =	sne.s32 s0, $0x0;
	s0 =	rddreg [dreg:$0x4]  }
0xcf: {  	s0 =	sadd.s32 @!p0 $0x100000, s0  }
0xd0: {  	[sflag:s0] =	ssyncadd.tile.s32 @!p0 $0x1;
	_ =	shalt  }
.Lfunc_end2:
_tile_overlayer_lowered:
.L_overlay_start_2:
0xd1: {  	(tag) =	ssettag $0x2  }
0xd2: {  	s0 =	rddreg [dreg:$0x0];
	s2 =	stileid.u32  }
0xd3: {  	s1 =	rddreg [dreg:$0x1];
	p0 =	sne.s32 s2, $0x0  }
0xd4: {  	s3 =	rddreg [dreg:$0x2];
	[bflag:$0x3] =	sbarrier.arrive $0xFFFF;
	s2 =	simm.s32 @!p0 $0x1C09  }
0xd5: {  	[timem:s3], [sflag:s2] =	dma.local @!p0 [hbm:s0], s1  }
0xd6: {  	s0 =	simm.s32 @!p0 $0x9  }
0xd7: {  	_ =	swait.ge @!p0 [sflag:s0], s1  }
0xd8: {  	s1 =	ssub.s32 @!p0 $0x0, s1;
	[sflag:s0] =	ssyncset.done @!p0 $0x0  }
0xd9: {  	[sflag:s0] =	ssyncadd.s32 @!p0 s1  }
0xda: {  	[bflag:$0x3] =	sbarrier.arrive $0xFFFF  }
0xdb: {  	_ =	shalt  }

// kernel: kernel.9.cloned.1.call-start
scs
__scs_entry_jumppad:
0x0: {  	(pc) =	sbr.rel $0x88, $3  }
0x1: {  	(tag) =	ssettag $0x0;
	lr =	simm.s32 $0x1  }
0x2: {  	[smem:$0x3F9D] =	sst lr;
	_ =	strace $0xD0000000  }
0x3: {  	_ = 	snop  }
0x4: {  	_ = 	snop  }
0x5: {  	_ = 	snop  }
0x6: {  	_ = 	snop  }
0x7: {  	_ = 	snop  }
__scs_overlays_trampoline_lowered:
0x8: {  	[smem:$0x3FAC] =	sst s0  }
0x9: {  	[smem:$0x3FAD] =	sst s1  }
0xa: {  	[smem:$0x3FAE] =	sst s2  }
0xb: {  	[smem:$0x3FAF] =	sst s3  }
0xc: {  	[smem:$0x3FB0] =	sst s4  }
0xd: {  	[smem:$0x3FB1] =	sst s5  }
0xe: {  	[smem:$0x3FB2] =	sst s6  }
0xf: {  	[smem:$0x3FB3] =	sst s7  }
0x10: {  	[smem:$0x3FB4] =	sst s8  }
0x11: {  	[smem:$0x3FB5] =	sst s9;
	s0 =	simm.s32 @!p0 $0x0  }
0x12: {  	s1 =	sld [smem:$0x3F9B];
	s0 =	simm.s32 @p0 $0x1  }
0x13: {  	[smem:$0x3FB6] =	sst s0;
	s0 =	simm.s32 @!p1 $0x0  }
0x14: {  	s2 =	sld [smem:$0x3F9A];
	s0 =	simm.s32 @p1 $0x1  }
0x15: {  	[smem:$0x3FB7] =	sst s0;
	s0 =	simm.s32 @!p2 $0x0  }
0x16: {  	s3 =	sld [smem:$0x3FDB];
	s0 =	simm.s32 @p2 $0x1  }
0x17: {  	s4 =	simm.s32 $0x1BF5;
	[smem:$0x3FB9] =	sst s0  }
0x18: {  	s0 =	sld [smem:$0x3F9C];
	_ =	swait.ge [sflag:s4], $0x0  }
0x19: {  	s7 =	sld [smem:$0x3F9D]  }
0x1a: {  	s8 =	sadd.s32 $0xFFFFE003, lr  }
0x1b: {  	s9 =	sadd.s32 $0xFFFFFEF7, lr;
	s5 =	simm.s32 $0xFFFFFFFF;
	p2 =	slt.u32 s8, $0xFFFFF086  }
0x1c: {  	p1 =	slt.u32 s9, $0xF7A;
	s5 =	simm.s32 @!p2 $0x0  }
0x1d: {  	s5 =	simm.s32 @p1 $0x1;
	p0 =	seq.s32 s7, s2  }
0x1e: {  	s7 =	smul.u32 @!p0 $0xF7A, s2;
	p2 =	seq.s32 @!p0 s5, $0x0  }
0x1f: {  	s9 =	smul.u32 $0xF7A, s1;
	s8 =	simm.s32 @!p0 $0x1BF5;
	p2 =	por !p2, p0  }
0x20: {  	[sflag:s8] =	ssyncset.s32 @!p0 $0xFFFFF086;
	s6 =	sadd.s32 @!p0 s3, s7;
	s7 =	simm.s32 @!p0 $0x108  }
0x21: {  	s3 =	sadd.s32 s3, s9;
	s6 =	sadd.s32 @!p0 $0x88, s6;
	s7 =	simm.s32 @p2 $0x1082  }
0x22: {  	[simem:s7], [sflag:s8] =	dma.local @!p0 [hbm:s6], $0xF7A  }
0x23: {  	s9 =	sor.u32 $0xD0000000, s2;
	s6 =	simm.s32 $0x108;
	_ =	swait.ge @!p0 [sflag:s8], $0x0  }
0x24: {  	s3 =	sadd.s32 $0x88, s3;
	s6 =	simm.s32 @!p1 $0x1082;
	[sflag:s4] =	ssyncset.s32 $0xFFFFF086  }
0x25: {  	[simem:s6], [sflag:s4] =	dma.local [hbm:s3], $0xF7A  }
0x26: {  	[smem:$0x3F9D] =	sst s1;
	(tag) =	ssettag s2;
	_ =	strace s9  }
0x27: {  	s1 =	sld [smem:$0x3FAD]  }
0x28: {  	s2 =	sld [smem:$0x3FAE]  }
0x29: {  	s4 =	sld [smem:$0x3FB0]  }
0x2a: {  	p0 =	seq.s32 s5, $0x0;
	s5 =	sld [smem:$0x3FB1]  }
0x2b: {  	s6 =	sld [smem:$0x3FB2]  }
0x2c: {  	s7 =	sld [smem:$0x3FB3]  }
0x2d: {  	s3 =	simm.s32 $0x108;
	s8 =	sld [smem:$0x3FB4]  }
0x2e: {  	s3 =	simm.s32 @!p0 $0x1082;
	s9 =	sld [smem:$0x3FB5]  }
0x2f: {  	lr =	sadd.s32 s0, s3;
	s0 =	sld [smem:$0x3FAC]  }
0x30: {  	s3 =	sld [smem:$0x3FAF]  }
0x31: {  	[smem:$0x3FB8] =	sst s10  }
0x32: {  	s10 =	sld [smem:$0x3FB6];
	_ =	sdelay $0x3  }
0x33: {  	p0 =	seq.s32 s10, $0x1;
	s10 =	sld [smem:$0x3FB8];
	_ =	sdelay $0x3  }
0x34: {  	[smem:$0x3FB8] =	sst s10  }
0x35: {  	s10 =	sld [smem:$0x3FB7];
	_ =	sdelay $0x3  }
0x36: {  	p1 =	seq.s32 s10, $0x1;
	s10 =	sld [smem:$0x3FB8];
	_ =	sdelay $0x3  }
0x37: {  	[smem:$0x3FB8] =	sst s10  }
0x38: {  	s10 =	sld [smem:$0x3FB9]  }
0x39: {  	_ = 	snop;
	(pc) =	sbr.ind lr, $3  }
0x3a: {  	_ = 	snop  }
0x3b: {  	_ = 	snop  }
0x3c: {  	p2 =	seq.s32 s10, $0x1;
	s10 =	sld [smem:$0x3FB8]  }
0x3d: {  	_ =	shalt  }
0x3e: {  	_ =	shalt  }
0x3f: {  	_ =	shalt  }
0x40: {  	_ =	shalt  }
0x41: {  	_ =	shalt  }
0x42: {  	_ =	shalt  }
0x43: {  	_ =	shalt  }
0x44: {  	_ =	shalt  }
0x45: {  	_ =	shalt  }
0x46: {  	_ =	shalt  }
0x47: {  	_ =	shalt  }
0x48: {  	_ =	shalt  }
0x49: {  	_ =	shalt  }
0x4a: {  	_ =	shalt  }
0x4b: {  	_ =	shalt  }
0x4c: {  	_ =	shalt  }
0x4d: {  	_ =	shalt  }
0x4e: {  	_ =	shalt  }
0x4f: {  	_ =	shalt  }
0x50: {  	_ =	shalt  }
0x51: {  	_ =	shalt  }
0x52: {  	_ =	shalt  }
0x53: {  	_ =	shalt  }
0x54: {  	_ =	shalt  }
0x55: {  	_ =	shalt  }
0x56: {  	_ =	shalt  }
0x57: {  	_ =	shalt  }
0x58: {  	_ =	shalt  }
0x59: {  	_ =	shalt  }
0x5a: {  	_ =	shalt  }
0x5b: {  	_ =	shalt  }
0x5c: {  	_ =	shalt  }
0x5d: {  	_ =	shalt  }
0x5e: {  	_ =	shalt  }
0x5f: {  	_ =	shalt  }
0x60: {  	_ =	shalt  }
0x61: {  	_ =	shalt  }
0x62: {  	_ =	shalt  }
0x63: {  	_ =	shalt  }
0x64: {  	_ =	shalt  }
0x65: {  	_ =	shalt  }
0x66: {  	_ =	shalt  }
0x67: {  	_ =	shalt  }
0x68: {  	_ =	shalt  }
0x69: {  	_ =	shalt  }
0x6a: {  	_ =	shalt  }
0x6b: {  	_ =	shalt  }
0x6c: {  	_ =	shalt  }
0x6d: {  	_ =	shalt  }
0x6e: {  	_ =	shalt  }
0x6f: {  	_ =	shalt  }
0x70: {  	_ =	shalt  }
0x71: {  	_ =	shalt  }
0x72: {  	_ =	shalt  }
0x73: {  	_ =	shalt  }
0x74: {  	_ =	shalt  }
0x75: {  	_ =	shalt  }
0x76: {  	_ =	shalt  }
0x77: {  	_ =	shalt  }
0x78: {  	_ =	shalt  }
0x79: {  	_ =	shalt  }
0x7a: {  	_ =	shalt  }
0x7b: {  	_ =	shalt  }
0x7c: {  	_ =	shalt  }
0x7d: {  	_ =	shalt  }
0x7e: {  	_ =	shalt  }
0x7f: {  	_ =	shalt  }
0x80: {  	_ =	shalt  }
0x81: {  	_ =	shalt  }
0x82: {  	_ =	shalt  }
0x83: {  	_ =	shalt  }
0x84: {  	_ =	shalt  }
0x85: {  	_ =	shalt  }
0x86: {  	_ =	shalt  }
0x87: {  	_ =	shalt  }
.Lfunc_end0:
.L_simem_size_0:
called_computation.1_lowered:
.L_overlay_start_0:
0x88: {  	s2 =	sld [smem:$0x3FD9]  }
0x89: {  	s3 =	sld [smem:$0x3FFE];
	_ =	sdelay $0x1  }
0x8a: {  	s1 =	srdreg.scid  }
0x8b: {  	s0 =	sand.u32 $0x1, s1  }
0x8c: {  	s16 =	sshll.u32 s0, $0xA;
	s2 =	sadd.s32 s3, s2  }
0x8d: {  	s2 =	sadd.s32 s2, s16  }
0x8e: {  	[smem:$0x3FC4] =	sst s2  }
0x8f: {  	_ = 	snop  }
0x90: {  	(tm) =	ssettm $0x1  }
0x91: {  	s17 =	sld [smem:$0x3FFB];
	_ =	sdelay $0x3  }
0x92: {  	_ =	strace s17  }
0x93: {  	s2 =	sld [smem:$0x3FFC];
	_ =	sdelay $0x3  }
0x94: {  	_ =	strace s2  }
0x95: {  	s2 =	sld [smem:$0x3FFD];
	_ =	sdelay $0x3  }
0x96: {  	_ =	strace s2  }
0x97: {  	_ =	strace $0x8FFFFFFF  }
0x98: {  	s18 =	sld [smem:$0x3FDB];
	_ =	sdelay $0x1  }
0x99: {  	s19 =	simm.s32 $_scs_section_size  }
0x9a: {  	s4 =	simm.s32 $_size__tile_overlayer_lowered;
	s5 =	simm.s32 $_tile_overlayer_lowered  }
0x9b: {  	s22 =	simm.s32 $0x1BFF;
	s21 =	sshll.u32 s5, $0x1;
	s2 =	sadd.s32 s19, s18  }
0x9c: {  	s6 =	simm.s32 $0x0;
	s20 =	sshll.u32 s4, $0x1;
	s4 =	sadd.s32 s21, s2  }
0x9d: {  	[timem:s6], [sflag:s22] =	dma.local [hbm:s4], s20  }
0x9e: {  	_ =	swait.ge [sflag:s22], s20  }
0x9f: {  	s3 =	ssub.s32 $0x0, s20;
	[sflag:s22] =	ssyncset.done $0x0  }
0xa0: {  	[sflag:s22] =	ssyncadd.s32 s3;
	_ =	sdelay $0x1  }
0xa1: {  	s23 =	simm.s32 $0x1B8B  }
0xa2: {  	_ =	swait.ge [sflag:s23], $0x1  }
0xa3: {  	[sflag:s23] =	ssyncset.done $0x0  }
0xa4: {  	s25 =	simm.s32 $0x1B8E;
	s24 =	sld [smem:$0x3FFE];
	[sflag:s23] =	ssyncadd.s32 $0xFFFFFFFF  }
0xa5: {  	s26 =	simm.s32 $execute0_lowered;
	[smem:$0x3FD2] =	sst s25  }
0xa6: {  	s4 =	sshll.u32 s26, $0x1;
	_ =	strace $0x80000049;
	[dreg:$0x1] =	wrdreg $0xFFFFFFFF  }
0xa7: {  	s28 =	simm.s32 $_size_execute0_lowered;
	s2 =	sadd.s32 s2, s4;
	[dreg:$0x0] =	wrdreg $0x0  }
0xa8: {  	s4 =	sshll.u32 s28, $0x1;
	[dreg:$0x2] =	wrdreg s2  }
0xa9: {  	[dreg:$0x3] =	wrdreg s4  }
0xaa: {  	[dreg:$0x4] =	wrdreg $0xC0  }
0xab: {  	_ =	task [dreg:s6], $0x5FFFF  }
0xac: {  	[dreg:$0x1] =	wrdreg $0xFFFFFFFF  }
0xad: {  	[dreg:$0x0] =	wrdreg $0x60  }
0xae: {  	[dreg:$0x2] =	wrdreg s24  }
0xaf: {  	[dreg:$0x3] =	wrdreg $0x158780  }
0xb0: {  	[dreg:$0x4] =	wrdreg $0xBA780  }
0xb1: {  	[dreg:$0x5] =	wrdreg $0x9  }
0xb2: {  	_ =	task.clear_ibuf [dreg:s6], $0x6FFFF;
	_ =	strace $0x90000049  }
0xb3: {  	s29 =	simm.s32 $0x9;
	_ =	strace $0x8000004B  }
0xb4: {  	_ =	swait.ge [sflag:s29], $0x1  }
0xb5: {  	[sflag:s29] =	ssyncadd.s32 $0xFFFFFFFF  }
0xb6: {  	_ =	strace $0x9000004B  }
0xb7: {  	_ =	sfence  }
0xb8: {  	s30 =	sld [smem:$0x0];
	_ =	sdelay $0x2  }
0xb9: {  	s31 =	sshll.u32 s1, $0xD;
	s1 =	sshrl.u32 s1, $0x2  }
0xba: {  	s3 =	sand.u32 $0x4000, s31;
	s1 =	sadd.s32 s1, s30  }
0xbb: {  	s0 =	sor.u32 s3, s0;
	s1 =	sshll.u32 s1, $0x11  }
0xbc: {  	s0 =	sor.u32 s1, s0  }
0xbd: {  	s0 =	sadd.s32 $0x8F2B, s0  }
0xbe: {  	[sflag:s0] =	ssyncadd.remote.s32 $0x1  }
0xbf: {  	_ =	sfence.sel $0xFFFF  }
0xc0: {  	[dreg:$0x0] =	wrdreg $0xFFFFFFFF;
	(pc) =	sbr.abs _section_cstart, $3  }
0xc1: {  	[dreg:$0x1] =	wrdreg $0xFFFFFFFF  }
0xc2: {  	_ =	task.clear_ibuf [dreg:s6], $0x2FFFF;
	_ =	strace $0x9FFFFFFF  }
0xc3: {  	(tm) =	ssettm $0x7FFFFFFF  }
tec
execute0_lowered:
.L_overlay_start_1:
0x0: {  	(tag) =	ssettag $0x1  }
0x1: {  	s0 =	rddreg [dreg:$0x0]  }
0x2: {  	s2 =	rddreg [dreg:$0x1]  }
0x3: {  	s3 =	rddreg [dreg:$0x2]  }
0x4: {  	s12 =	stileid.u32;
	s1 =	srdreg.scid  }
0x5: {  	s4 =	simm.s32 $0x0;
	s30 =	simm.s32 $0xAA78;
	s31 =	simm.s32 $0x2A78  }
0x6: {  	s1 =	sand.u32 $0x1, s1;
	s5 =	sshll.u32 s12, $0x1;
	s6 =	smul.u32 $0x9E00, s12  }
0x7: {  	[smem:$0x7FF] =	sst s4;
	s8 =	smul.u32 $0xF, s12;
	s11 =	sshll.u32 s12, $0x6  }
0x8: {  	s23 =	smul.u32 $0x27800, s12;
	s12 =	simm.s32 $0x1;
	s5 =	sor.u32 s1, s5  }
0x9: {  	_ =	strace $0x8000004A;
	s9 =	smul.u32 $0x9E000, s1;
	s24 =	sadd.s32 s11, s0  }
0xa: {  	s1 =	ssub.s32 $0x2, s1;
	s5 =	smul.u32 $0x1400, s5;
	s7 =	sshrl.u32 s6, $0x3  }
0xb: {  	s8 =	sadd.s32 s8, s0;
	s25 =	sshrl.u32 s1, $0x1;
	s7 =	sadd.s32 s7, s0  }
0xc: {  	s9 =	sadd.s32 s6, s9;
	s1 =	ssub.s32 s1, s25;
	s8 =	sadd.s32 $0x1800, s8  }
0xd: {  	s5 =	sshrl.u32 s5, $0x3;
	s19 =	sadd.s32 $0x1FE00, s7;
	[dreg:$0xf] =	wrdreg s8  }
0xe: {  	s9 =	sshrl.u32 s9, $0x3;
	s20 =	sadd.s32 $0x20200, s7;
	[dreg:$0xa] =	wrdreg s19  }
0xf: {  	s21 =	sadd.s32 $0x20600, s7;
	s22 =	sadd.s32 $0x20A00, s7;
	[dreg:$0xb] =	wrdreg s20  }
0x10: {  	s8 =	simm.s32 $0x2A00;
	s10 =	sadd.s32 s5, s0;
	[dreg:$0xc] =	wrdreg s21  }
0x11: {  	s5 =	sshrl.u32 s23, $0x2;
	s0 =	sadd.s32 s9, s0;
	[dreg:$0xd] =	wrdreg s22  }
0x12: {  	s23 =	sadd.s32 $0xBE00, s24;
	s24 =	sadd.s32 $0xC200, s7;
	s19 =	sor.u32 $0x1C09, s11  }
0x13: {  	s7 =	sadd.s32 $0x20E00, s7;
	s9 =	simm.s32 $0x9;
	[dreg:$0xe] =	wrdreg s23  }
0x14: {  	s11 =	simm.s32 $0x6;
	s13 =	sadd.s32 s5, s2;
	[dreg:$0x10] =	wrdreg s24  }
0x15: {  	s5 =	sadd.s32 s6, s2;
	s6 =	sadd.s32 s6, s3;
	[dreg:$0x11] =	wrdreg s7  }
0x16: {  	s25 =	sadd.s32 $0x1A00, s10;
	s23 =	sadd.s32 $0x33A00, s0;
	s24 =	smax.u32 s1, $0x1  }
0x17: {  	s0 =	simm.s32 $0x4A78;
	s26 =	sadd.s32 $0x1000, s13;
	[dreg:$0x12] =	wrdreg s25  }
0x18: {  	s1 =	simm.s32 $0x6A78;
	s14 =	sadd.s32 $0x2000, s5;
	[dreg:$0x4] =	wrdreg s26  }
0x19: {  	s7 =	simm.s32 $0x2800;
	s15 =	sadd.s32 $0x3000, s13;
	[dreg:$0x5] =	wrdreg s14  }
0x1a: {  	s16 =	sadd.s32 $0x5000, s13;
	s17 =	sadd.s32 $0x7000, s13;
	[dreg:$0x6] =	wrdreg s15  }
0x1b: {  	s18 =	sadd.s32 $0x9000, s13;
	s25 =	sshrl.u32 s6, $0x3;
	[dreg:$0x7] =	wrdreg s16  }
0x1c: {  	s28 =	sadd.s32 $0x6000, s5;
	s29 =	sadd.s32 $0x8000, s5;
	[dreg:$0x8] =	wrdreg s17  }
0x1d: {  	s6 =	simm.s32 $0x8A78;
	s13 =	simm.s32 $0x80;
	[dreg:$0x9] =	wrdreg s18  }
0x1e: {  	s26 =	sadd.s32 $0x6A00, s10;
	s10 =	simm.s32 $0x5;
	s14 =	simm.s32 $0x2  }
0x1f: {  	s15 =	simm.s32 $0x3;
	s16 =	simm.s32 $0x4;
	s17 =	simm.s32 $0x8  }
0x20: {  	v0 =	vimm.f32 $0.0e+00;
	s18 =	simm.s32 $0x7;
	[dreg:$0x13] =	wrdreg s26;
	s26 =	sadd.s32 $0x4000, s5  }
.LBB2_1:
0x21: {  	s21 =	simm.s32 $0x100;
	s20 =	simm.s32 $0x0  }
.LBB2_2:
0x22: {  	p0 =	sne.s32 s21, $0x3F00;
	[tilespmem:s20+$0xAAA8] =	vst v0;
	s22 =	smov.u32 s21;
	s21 =	sadd.s32 $0x100, s21  }
.Ltmp0:
0x23: {  	[tilespmem:s20+$0xAA98] =	vst v0;
	(pc) =	sbr.rel @p0 .LBB2_2-.Ltmp0, $3  }
0x24: {  	[tilespmem:s20+$0xAA78] =	vst v0  }
0x25: {  	[tilespmem:s20+$0xAA88] =	vst v0;
	_ =	sdelay $0x1  }
0x26: {  	s20 =	sshra.s32 s22, $0x2  }
0x27: {  	[tilespmem:s20+$0xAAA8] =	vst v0  }
0x28: {  	[tilespmem:s20+$0xAA98] =	vst v0  }
0x29: {  	[tilespmem:s20+$0xAA78] =	vst v0  }
0x2a: {  	[tilespmem:s20+$0xAA88] =	vst v0  }
0x2b: {  	[spmem:s5] =	stream.linear.scatter [tilespmem:s30], [sflag:$0x8], $0x1000, $0x38;
	[tilespmem:$0x1F678] =	vst v63  }
0x2c: {  	s22 =	rddreg [dreg:$0x4]  }
0x2d: {  	[spmem:s22] =	stream.linear.scatter [tilespmem:s30], [sflag:$0x8], $0x1000, $0x38;
	[tilespmem:$0x1F678] =	vst v63  }
0x2e: {  	s21 =	rddreg [dreg:$0x5]  }
0x2f: {  	[spmem:s21] =	stream.linear.scatter [tilespmem:s30], [sflag:$0x8], $0x1000, $0x38;
	[tilespmem:$0x1F678] =	vst v63  }
0x30: {  	s22 =	rddreg [dreg:$0x6]  }
0x31: {  	[spmem:s22] =	stream.linear.scatter [tilespmem:s30], [sflag:$0x8], $0x1000, $0x38;
	[tilespmem:$0x1F678] =	vst v63  }
0x32: {  	_ = 	snop  }
0x33: {  	[spmem:s26] =	stream.linear.scatter [tilespmem:s30], [sflag:$0x8], $0x1000, $0x38;
	[tilespmem:$0x1F678] =	vst v63  }
0x34: {  	s21 =	rddreg [dreg:$0x7]  }
0x35: {  	[spmem:s21] =	stream.linear.scatter [tilespmem:s30], [sflag:$0x8], $0x1000, $0x38;
	[tilespmem:$0x1F678] =	vst v63  }
0x36: {  	_ = 	snop  }
0x37: {  	[spmem:s28] =	stream.linear.scatter [tilespmem:s30], [sflag:$0x8], $0x1000, $0x38;
	[tilespmem:$0x1F678] =	vst v63  }
0x38: {  	s22 =	rddreg [dreg:$0x8]  }
0x39: {  	[spmem:s22] =	stream.linear.scatter [tilespmem:s30], [sflag:$0x8], $0x1000, $0x38;
	[tilespmem:$0x1F678] =	vst v63  }
0x3a: {  	_ = 	snop  }
0x3b: {  	[spmem:s29] =	stream.linear.scatter [tilespmem:s30], [sflag:$0x8], $0x1000, $0x38;
	[tilespmem:$0x1F678] =	vst v63  }
0x3c: {  	s21 =	rddreg [dreg:$0x9]  }
0x3d: {  	[spmem:s21] =	stream.linear.scatter [tilespmem:s30], [sflag:$0x8], $0xE00, $0x38;
	[tilespmem:$0x1F678] =	vst v63  }
0x3e: {  	s20 =	simm.s32 $0x0;
	s21 =	rddreg [dreg:$0xa]  }
0x3f: {  	[tilespmem:s31], [sflag:$0x1] =	stream.linear.gather [hbm4b:s21+s20], $0x2000, $0x38;
	[tilespmem:$0x1F678] =	vst v63  }
0x40: {  	s22 =	rddreg [dreg:$0xb]  }
0x41: {  	[tilespmem:s0], [sflag:$0x2] =	stream.linear.gather [hbm4b:s22+s20], $0x2000, $0x38;
	[tilespmem:$0x1F678] =	vst v63  }
0x42: {  	s22 =	rddreg [dreg:$0xc]  }
0x43: {  	[tilespmem:s1], [sflag:$0x3] =	stream.linear.gather [hbm4b:s22+s20], $0x2000, $0x38;
	[tilespmem:$0x1F678] =	vst v63  }
0x44: {  	s22 =	rddreg [dreg:$0xd]  }
0x45: {  	[tilespmem:s6], [sflag:$0x4] =	stream.linear.gather [hbm4b:s22+s20], $0x2000, $0x38;
	[tilespmem:$0x1F678] =	vst v63  }
0x46: {  	s22 =	rddreg [dreg:$0xe]  }
0x47: {  	[tilespmem:s7], [sflag:$0x5] =	stream.linear.gather [hbm4b:s22+s20], $0x200, $0x38;
	[tilespmem:$0x1F678] =	vst v63  }
0x48: {  	s22 =	rddreg [dreg:$0xf]  }
0x49: {  	[tilespmem:s8], [sflag:$0x6] =	stream.linear.gather [hbm4b:s22+s20], $0x78, $0x38;
	[tilespmem:$0x1F678] =	vst v63  }
0x4a: {  	s22 =	rddreg [dreg:$0x10]  }
0x4b: {  	[spmem:s25], [sflag:s19] =	dma.local [hbm:s22], $0x13C0  }
0x4c: {  	_ =	swait.ge [sflag:s9], $0x13C0  }
0x4d: {  	[sflag:s9] =	ssyncset.done $0x0  }
0x4e: {  	[sflag:s9] =	ssyncadd.s32 $0xFFFFEC40  }
0x4f: {  	_ =	swait.ge [sflag:s10], $0x200  }
0x50: {  	[sflag:s10] =	ssyncset.done $0x0  }
0x51: {  	[sflag:s10] =	ssyncadd.s32 $0xFFFFFE00  }
0x52: {  	_ =	swait.ge [sflag:s11], $0x78  }
0x53: {  	[sflag:s11] =	ssyncset.done $0x0  }
0x54: {  	[sflag:s11] =	ssyncadd.s32 $0xFFFFFF88  }
0x55: {  	_ =	swait.ge [sflag:s12], $0x2000  }
0x56: {  	[sflag:s12] =	ssyncset.done $0x0  }
0x57: {  	[sflag:s12] =	ssyncadd.s32 $0xFFFFE000  }
0x58: {  	[spmem:s3] =	stream.indirect.scatter.add.f32 [tilespmem:s31], [sflag:$0x9], $0x40, s7, s13, $0xb8;
	[tilespmem:$0x1F678] =	vst v63  }
0x59: {  	_ =	swait.ge [sflag:s9], $0x2000  }
0x5a: {  	[sflag:s9] =	ssyncset.done $0x0  }
0x5b: {  	[sflag:s9] =	ssyncadd.s32 $0xFFFFE000  }
0x5c: {  	_ =	swait.ge [sflag:s14], $0x2000  }
0x5d: {  	[sflag:s14] =	ssyncset.done $0x0  }
0x5e: {  	s22 =	simm.s32 $0x2880;
	[sflag:s14] =	ssyncadd.s32 $0xFFFFE000  }
0x5f: {  	[spmem:s3] =	stream.indirect.scatter.add.f32 [tilespmem:s0], [sflag:$0x9], $0x40, s22, s13, $0xb8;
	[tilespmem:$0x1F678] =	vst v63  }
0x60: {  	_ =	swait.ge [sflag:s9], $0x2000  }
0x61: {  	[sflag:s9] =	ssyncset.done $0x0  }
0x62: {  	[sflag:s9] =	ssyncadd.s32 $0xFFFFE000  }
0x63: {  	_ =	swait.ge [sflag:s15], $0x2000  }
0x64: {  	[sflag:s15] =	ssyncset.done $0x0  }
0x65: {  	s22 =	simm.s32 $0x2900;
	[sflag:s15] =	ssyncadd.s32 $0xFFFFE000  }
0x66: {  	[spmem:s3] =	stream.indirect.scatter.add.f32 [tilespmem:s1], [sflag:$0x9], $0x40, s22, s13, $0xb8;
	[tilespmem:$0x1F678] =	vst v63  }
0x67: {  	_ =	swait.ge [sflag:s9], $0x2000  }
0x68: {  	[sflag:s9] =	ssyncset.done $0x0  }
0x69: {  	[sflag:s9] =	ssyncadd.s32 $0xFFFFE000  }
0x6a: {  	_ =	swait.ge [sflag:s16], $0x2000  }
0x6b: {  	[sflag:s16] =	ssyncset.done $0x0  }
0x6c: {  	s22 =	simm.s32 $0x2980;
	[sflag:s16] =	ssyncadd.s32 $0xFFFFE000  }
0x6d: {  	[spmem:s3] =	stream.indirect.scatter.add.f32 [tilespmem:s6], [sflag:$0x9], $0x40, s22, s13, $0xb8;
	[tilespmem:$0x1F678] =	vst v63  }
0x6e: {  	_ =	swait.ge [sflag:s9], $0x2000  }
0x6f: {  	[sflag:s9] =	ssyncset.done $0x0  }
0x70: {  	s22 =	rddreg [dreg:$0x11];
	[sflag:s9] =	ssyncadd.s32 $0xFFFFE000  }
0x71: {  	[tilespmem:s31], [sflag:$0x9] =	stream.linear.gather [hbm4b:s22+s20], $0x1E00, $0x38;
	[tilespmem:$0x1F678] =	vst v63  }
0x72: {  	_ =	swait.ge [sflag:s9], $0x1E00  }
0x73: {  	[sflag:s9] =	ssyncset.done $0x0  }
0x74: {  	s22 =	simm.s32 $0x78;
	[sflag:s9] =	ssyncadd.s32 $0xFFFFE200  }
0x75: {  	[spmem:s3] =	stream.indirect.scatter.add.f32 [tilespmem:s31], [sflag:$0x9], $0x40, s8, s22, $0xb8;
	[tilespmem:$0x1F678] =	vst v63  }
0x76: {  	_ =	swait.ge [sflag:s9], $0x1E00  }
0x77: {  	[sflag:s9] =	ssyncset.done $0x0  }
0x78: {  	s22 =	rddreg [dreg:$0x12];
	[sflag:s9] =	ssyncadd.s32 $0xFFFFE200  }
0x79: {  	[tilespmem:s20], [sflag:$0x9] =	stream.linear.gather [hbm4b:s22+s20], $0x1400, $0x38;
	[tilespmem:$0x1F678] =	vst v63  }
0x7a: {  	_ =	swait.ge [sflag:s9], $0x1400  }
0x7b: {  	[sflag:s9] =	ssyncset.done $0x0  }
0x7c: {  	s22 =	simm.s32 $0x1400;
	s21 =	rddreg [dreg:$0x13];
	[sflag:s9] =	ssyncadd.s32 $0xFFFFEC00  }
0x7d: {  	[tilespmem:s22], [sflag:$0x9] =	stream.linear.gather [hbm4b:s21+s20], $0x1400, $0x38;
	[tilespmem:$0x1F678] =	vst v63  }
0x7e: {  	_ =	swait.ge [sflag:s9], $0x1400  }
0x7f: {  	[sflag:s9] =	ssyncset.done $0x0  }
0x80: {  	[sflag:s9] =	ssyncadd.s32 $0xFFFFEC00  }
0x81: {  	_ =	swait.ge [sflag:s17], $0x1000  }
0x82: {  	[sflag:s17] =	ssyncset.done $0x0  }
0x83: {  	[sflag:s17] =	ssyncadd.s32 $0xFFFFF000  }
0x84: {  	_ =	swait.ge [sflag:s17], $0x1000  }
0x85: {  	[sflag:s17] =	ssyncset.done $0x0  }
0x86: {  	[sflag:s17] =	ssyncadd.s32 $0xFFFFF000  }
0x87: {  	_ =	swait.ge [sflag:s17], $0x1000  }
0x88: {  	[sflag:s17] =	ssyncset.done $0x0  }
0x89: {  	[sflag:s17] =	ssyncadd.s32 $0xFFFFF000  }
0x8a: {  	_ =	swait.ge [sflag:s17], $0x1000  }
0x8b: {  	[sflag:s17] =	ssyncset.done $0x0  }
0x8c: {  	[sflag:s17] =	ssyncadd.s32 $0xFFFFF000  }
0x8d: {  	_ =	swait.ge [sflag:s17], $0x1000  }
0x8e: {  	[sflag:s17] =	ssyncset.done $0x0  }
0x8f: {  	[sflag:s17] =	ssyncadd.s32 $0xFFFFF000  }
0x90: {  	_ =	swait.ge [sflag:s17], $0x1000  }
0x91: {  	[sflag:s17] =	ssyncset.done $0x0  }
0x92: {  	[sflag:s17] =	ssyncadd.s32 $0xFFFFF000  }
0x93: {  	_ =	swait.ge [sflag:s17], $0x1000  }
0x94: {  	[sflag:s17] =	ssyncset.done $0x0  }
0x95: {  	[sflag:s17] =	ssyncadd.s32 $0xFFFFF000  }
0x96: {  	_ =	swait.ge [sflag:s17], $0x1000  }
0x97: {  	[sflag:s17] =	ssyncset.done $0x0  }
0x98: {  	[sflag:s17] =	ssyncadd.s32 $0xFFFFF000  }
0x99: {  	_ =	swait.ge [sflag:s17], $0x1000  }
0x9a: {  	[sflag:s17] =	ssyncset.done $0x0  }
0x9b: {  	[sflag:s17] =	ssyncadd.s32 $0xFFFFF000  }
0x9c: {  	_ =	swait.ge [sflag:s17], $0xE00  }
0x9d: {  	[sflag:s17] =	ssyncset.done $0x0  }
0x9e: {  	[sflag:s17] =	ssyncadd.s32 $0xFFFFF200  }
0x9f: {  	[bflag:$0x0] =	sbarrier.arrive $0xFFFF  }
0xa0: {  	[tilespmem:s31], [sflag:$0x1] =	stream.indirect.gather [spmem:s3], $0x40, s20, s13, $0xb8;
	[tilespmem:$0x1F678] =	vst v63  }
0xa1: {  	_ = 	snop  }
0xa2: {  	[tilespmem:s0], [sflag:$0x2] =	stream.indirect.gather [spmem:s3], $0x40, s13, s13, $0xb8;
	[tilespmem:$0x1F678] =	vst v63  }
0xa3: {  	s22 =	simm.s32 $0x100  }
0xa4: {  	[tilespmem:s1], [sflag:$0x3] =	stream.indirect.gather [spmem:s3], $0x40, s22, s13, $0xb8;
	[tilespmem:$0x1F678] =	vst v63  }
0xa5: {  	s21 =	simm.s32 $0x180  }
0xa6: {  	[tilespmem:s6], [sflag:$0x4] =	stream.indirect.gather [spmem:s3], $0x40, s21, s13, $0xb8;
	[tilespmem:$0x1F678] =	vst v63  }
0xa7: {  	_ =	swait.ge [sflag:s12], $0x2000  }
0xa8: {  	[sflag:s12] =	ssyncset.done $0x0  }
0xa9: {  	s22 =	simm.s32 $0x1400;
	[sflag:s12] =	ssyncadd.s32 $0xFFFFE000  }
0xaa: {  	[spmem:s2] =	stream.indirect.scatter.add.f32 [tilespmem:s31], [sflag:$0x5], $0x40, s22, s13, $0xb8;
	[tilespmem:$0x1F678] =	vst v63  }
0xab: {  	_ =	swait.ge [sflag:s14], $0x2000  }
0xac: {  	[sflag:s14] =	ssyncset.done $0x0  }
0xad: {  	s21 =	simm.s32 $0x1480;
	[sflag:s14] =	ssyncadd.s32 $0xFFFFE000  }
0xae: {  	[spmem:s2] =	stream.indirect.scatter.add.f32 [tilespmem:s0], [sflag:$0x6], $0x40, s21, s13, $0xb8;
	[tilespmem:$0x1F678] =	vst v63  }
0xaf: {  	_ =	swait.ge [sflag:s15], $0x2000  }
0xb0: {  	[sflag:s15] =	ssyncset.done $0x0  }
0xb1: {  	s22 =	simm.s32 $0x1500;
	[sflag:s15] =	ssyncadd.s32 $0xFFFFE000  }
0xb2: {  	[spmem:s2] =	stream.indirect.scatter.add.f32 [tilespmem:s1], [sflag:$0x7], $0x40, s22, s13, $0xb8;
	[tilespmem:$0x1F678] =	vst v63  }
0xb3: {  	_ =	swait.ge [sflag:s16], $0x2000  }
0xb4: {  	[sflag:s16] =	ssyncset.done $0x0  }
0xb5: {  	s21 =	simm.s32 $0x1580;
	[sflag:s16] =	ssyncadd.s32 $0xFFFFE000  }
0xb6: {  	[spmem:s2] =	stream.indirect.scatter.add.f32 [tilespmem:s6], [sflag:$0x8], $0x40, s21, s13, $0xb8;
	[tilespmem:$0x1F678] =	vst v63  }
0xb7: {  	_ =	swait.ge [sflag:s10], $0x2000  }
0xb8: {  	[sflag:s10] =	ssyncset.done $0x0  }
0xb9: {  	s22 =	simm.s32 $0x200;
	[sflag:s10] =	ssyncadd.s32 $0xFFFFE000  }
0xba: {  	[tilespmem:s31], [sflag:$0x1] =	stream.indirect.gather [spmem:s3], $0x40, s22, s13, $0xb8;
	[tilespmem:$0x1F678] =	vst v63  }
0xbb: {  	_ =	swait.ge [sflag:s11], $0x2000  }
0xbc: {  	[sflag:s11] =	ssyncset.done $0x0  }
0xbd: {  	s21 =	simm.s32 $0x280;
	[sflag:s11] =	ssyncadd.s32 $0xFFFFE000  }
0xbe: {  	[tilespmem:s0], [sflag:$0x2] =	stream.indirect.gather [spmem:s3], $0x40, s21, s13, $0xb8;
	[tilespmem:$0x1F678] =	vst v63  }
0xbf: {  	_ =	swait.ge [sflag:s18], $0x2000  }
0xc0: {  	[sflag:s18] =	ssyncset.done $0x0  }
0xc1: {  	s22 =	simm.s32 $0x300;
	[sflag:s18] =	ssyncadd.s32 $0xFFFFE000  }
0xc2: {  	[tilespmem:s1], [sflag:$0x3] =	stream.indirect.gather [spmem:s3], $0x40, s22, s13, $0xb8;
	[tilespmem:$0x1F678] =	vst v63  }
0xc3: {  	_ =	swait.ge [sflag:s17], $0x2000  }
0xc4: {  	[sflag:s17] =	ssyncset.done $0x0  }
0xc5: {  	s20 =	simm.s32 $0x800;
	s21 =	simm.s32 $0x380;
	[sflag:s17] =	ssyncadd.s32 $0xFFFFE000  }
.LBB2_4:
0xc6: {  	[tilespmem:s6], [sflag:$0x4] =	stream.indirect.gather [spmem:s3], $0x40, s21, s13, $0xb8;
	[tilespmem:$0x1F678] =	vst v63  }
0xc7: {  	s21 =	smov.u32 s20  }
0xc8: {  	p0 =	sne.s32 s20, $0x4000;
	s20 =	sadd.s32 $0x800, s20;
	_ =	swait.ge [sflag:s12], $0x2000  }
0xc9: {  	s21 =	sshra.s32 s21, $0x2;
	[sflag:s12] =	ssyncset.done $0x0  }
0xca: {  	s22 =	sadd.s32 $0x1400, s21;
	[sflag:s12] =	ssyncadd.s32 $0xFFFFE000  }
0xcb: {  	[spmem:s2] =	stream.indirect.scatter.add.f32 [tilespmem:s31], [sflag:$0x5], $0x40, s22, s13, $0xb8;
	[tilespmem:$0x1F678] =	vst v63  }
0xcc: {  	_ =	swait.ge [sflag:s14], $0x2000  }
0xcd: {  	[sflag:s14] =	ssyncset.done $0x0  }
0xce: {  	s22 =	sadd.s32 $0x1480, s21;
	[sflag:s14] =	ssyncadd.s32 $0xFFFFE000  }
0xcf: {  	[spmem:s2] =	stream.indirect.scatter.add.f32 [tilespmem:s0], [sflag:$0x6], $0x40, s22, s13, $0xb8;
	[tilespmem:$0x1F678] =	vst v63  }
0xd0: {  	_ =	swait.ge [sflag:s15], $0x2000  }
0xd1: {  	[sflag:s15] =	ssyncset.done $0x0  }
0xd2: {  	s22 =	sadd.s32 $0x1500, s21;
	[sflag:s15] =	ssyncadd.s32 $0xFFFFE000  }
0xd3: {  	[spmem:s2] =	stream.indirect.scatter.add.f32 [tilespmem:s1], [sflag:$0x7], $0x40, s22, s13, $0xb8;
	[tilespmem:$0x1F678] =	vst v63  }
0xd4: {  	_ =	swait.ge [sflag:s16], $0x2000  }
0xd5: {  	[sflag:s16] =	ssyncset.done $0x0  }
0xd6: {  	s22 =	sadd.s32 $0x1580, s21;
	[sflag:s16] =	ssyncadd.s32 $0xFFFFE000  }
0xd7: {  	[spmem:s2] =	stream.indirect.scatter.add.f32 [tilespmem:s6], [sflag:$0x8], $0x40, s22, s13, $0xb8;
	[tilespmem:$0x1F678] =	vst v63  }
0xd8: {  	_ =	swait.ge [sflag:s10], $0x2000  }
0xd9: {  	[sflag:s10] =	ssyncset.done $0x0  }
0xda: {  	s22 =	sadd.s32 $0x200, s21;
	[sflag:s10] =	ssyncadd.s32 $0xFFFFE000  }
0xdb: {  	[tilespmem:s31], [sflag:$0x1] =	stream.indirect.gather [spmem:s3], $0x40, s22, s13, $0xb8;
	[tilespmem:$0x1F678] =	vst v63  }
0xdc: {  	_ =	swait.ge [sflag:s11], $0x2000  }
0xdd: {  	[sflag:s11] =	ssyncset.done $0x0  }
0xde: {  	s22 =	sadd.s32 $0x280, s21;
	[sflag:s11] =	ssyncadd.s32 $0xFFFFE000  }
0xdf: {  	[tilespmem:s0], [sflag:$0x2] =	stream.indirect.gather [spmem:s3], $0x40, s22, s13, $0xb8;
	[tilespmem:$0x1F678] =	vst v63  }
0xe0: {  	_ =	swait.ge [sflag:s18], $0x2000  }
0xe1: {  	[sflag:s18] =	ssyncset.done $0x0  }
.Ltmp1:
0xe2: {  	s22 =	sadd.s32 $0x300, s21;
	[sflag:s18] =	ssyncadd.s32 $0xFFFFE000;
	(pc) =	sbr.rel @p0 .LBB2_4-.Ltmp1, $4  }
0xe3: {  	[tilespmem:s1], [sflag:$0x3] =	stream.indirect.gather [spmem:s3], $0x40, s22, s13, $0xb8;
	[tilespmem:$0x1F678] =	vst v63  }
0xe4: {  	_ =	swait.ge [sflag:s17], $0x2000  }
0xe5: {  	[sflag:s17] =	ssyncset.done $0x0  }
0xe6: {  	s21 =	sadd.s32 $0x380, s21;
	[sflag:s17] =	ssyncadd.s32 $0xFFFFE000  }
0xe7: {  	[tilespmem:s6], [sflag:$0x4] =	stream.indirect.gather [spmem:s3], $0x40, s21, s13, $0xb8;
	[tilespmem:$0x1F678] =	vst v63  }
0xe8: {  	_ =	swait.ge [sflag:s12], $0x2000  }
0xe9: {  	[sflag:s12] =	ssyncset.done $0x0  }
0xea: {  	s20 =	simm.s32 $0x2600;
	[sflag:s12] =	ssyncadd.s32 $0xFFFFE000  }
0xeb: {  	[spmem:s2] =	stream.indirect.scatter.add.f32 [tilespmem:s31], [sflag:$0x5], $0x40, s20, s13, $0xb8;
	[tilespmem:$0x1F678] =	vst v63  }
0xec: {  	_ =	swait.ge [sflag:s14], $0x2000  }
0xed: {  	[sflag:s14] =	ssyncset.done $0x0  }
0xee: {  	s21 =	simm.s32 $0x2680;
	[sflag:s14] =	ssyncadd.s32 $0xFFFFE000  }
0xef: {  	[spmem:s2] =	stream.indirect.scatter.add.f32 [tilespmem:s0], [sflag:$0x6], $0x40, s21, s13, $0xb8;
	[tilespmem:$0x1F678] =	vst v63  }
0xf0: {  	_ =	swait.ge [sflag:s15], $0x2000  }
0xf1: {  	[sflag:s15] =	ssyncset.done $0x0  }
0xf2: {  	s22 =	simm.s32 $0x2700;
	[sflag:s15] =	ssyncadd.s32 $0xFFFFE000  }
0xf3: {  	[spmem:s2] =	stream.indirect.scatter.add.f32 [tilespmem:s1], [sflag:$0x7], $0x40, s22, s13, $0xb8;
	[tilespmem:$0x1F678] =	vst v63  }
0xf4: {  	_ =	swait.ge [sflag:s16], $0x2000  }
0xf5: {  	[sflag:s16] =	ssyncset.done $0x0  }
0xf6: {  	s21 =	simm.s32 $0x2780;
	[sflag:s16] =	ssyncadd.s32 $0xFFFFE000  }
0xf7: {  	[spmem:s2] =	stream.indirect.scatter.add.f32 [tilespmem:s6], [sflag:$0x8], $0x40, s21, s13, $0xb8;
	[tilespmem:$0x1F678] =	vst v63  }
0xf8: {  	_ =	swait.ge [sflag:s10], $0x2000  }
0xf9: {  	[sflag:s10] =	ssyncset.done $0x0  }
0xfa: {  	[sflag:s10] =	ssyncadd.s32 $0xFFFFE000  }
0xfb: {  	_ =	swait.ge [sflag:s11], $0x2000  }
0xfc: {  	[sflag:s11] =	ssyncset.done $0x0  }
0xfd: {  	[sflag:s11] =	ssyncadd.s32 $0xFFFFE000  }
0xfe: {  	_ =	swait.ge [sflag:s18], $0x2000  }
0xff: {  	[sflag:s18] =	ssyncset.done $0x0  }
0x100: {  	[sflag:s18] =	ssyncadd.s32 $0xFFFFE000  }
0x101: {  	_ =	swait.ge [sflag:s17], $0x2000  }
0x102: {  	s4 =	sadd.s32 $0x1, s4;
	[sflag:s17] =	ssyncset.done $0x0  }
0x103: {  	p0 =	sne.s32 s4, s24;
	[sflag:s17] =	ssyncadd.s32 $0xFFFFE000  }
.Ltmp2:
0x104: {  	s22 =	sshrl.u32 s5, $0x3;
	[bflag:$0x0] =	sbarrier.arrive $0xFFFF;
	(pc) =	sbr.rel @p0 .LBB2_1-.Ltmp2, $4  }
0x105: {  	[hbm:s23], [sflag:s19] =	dma.local [spmem:s22], $0x13C0  }
0x106: {  	_ =	swait.ge [sflag:s9], $0x13C0  }
0x107: {  	[sflag:s9] =	ssyncset.done $0x0  }
0x108: {  	[sflag:s9] =	ssyncadd.s32 $0xFFFFEC40  }
0x109: {  	_ =	sfence.sel $0x180000  }
0x10a: {  	[bflag:$0x0] =	sbarrier.arrive $0xFFFF  }
0x10b: {  	_ =	strace $0x9000004A  }
0x10c: {  	s0 =	stileid.u32;
	[bflag:$0x2] =	sbarrier.arrive $0xFFFF  }
0x10d: {  	p0 =	sne.s32 s0, $0x0;
	s0 =	rddreg [dreg:$0x3]  }
0x10e: {  	s0 =	sadd.s32 @!p0 $0x100000, s0  }
0x10f: {  	[sflag:s0] =	ssyncadd.tile.s32 @!p0 $0x1;
	_ =	shalt  }
.Lfunc_end2:
_tile_overlayer_lowered:
.L_overlay_start_2:
0x110: {  	(tag) =	ssettag $0x2  }
0x111: {  	s0 =	rddreg [dreg:$0x0];
	s2 =	stileid.u32  }
0x112: {  	s1 =	rddreg [dreg:$0x1];
	p0 =	sne.s32 s2, $0x0  }
0x113: {  	s3 =	rddreg [dreg:$0x2];
	[bflag:$0x3] =	sbarrier.arrive $0xFFFF;
	s2 =	simm.s32 @!p0 $0x1C09  }
0x114: {  	[timem:s3], [sflag:s2] =	dma.local @!p0 [hbm:s0], s1  }
0x115: {  	s0 =	simm.s32 @!p0 $0x9  }
0x116: {  	_ =	swait.ge @!p0 [sflag:s0], s1  }
0x117: {  	s1 =	ssub.s32 @!p0 $0x0, s1;
	[sflag:s0] =	ssyncset.done @!p0 $0x0  }
0x118: {  	[sflag:s0] =	ssyncadd.s32 @!p0 s1  }
0x119: {  	[bflag:$0x3] =	sbarrier.arrive $0xFFFF  }
0x11a: {  	_ =	shalt  }

</sc_bundles>
